<compile_context>
chip_gen: v7x
topology: tpu7x:2x2x1
jax: 0.10.2.dev20260603
libtpu: 0.0.44.dev20260713+nightly
codegen_flags: <defaults>
</compile_context>

<pallas_src>
import functools

import jax
import jax.numpy as jnp
import numpy as np
from jax import lax
from jax.experimental import pallas as pl
from jax.experimental.pallas import tpu as pltpu
from jax.experimental.pallas import tpu_sc as plsc

_VOCAB = 1000000
_D = 64
_DP = 128
_SEQ = 200
_BATCH = 4096
_NC = 2
_NS = 16
_NW = _NC * _NS
_FLAT = _BATCH * _SEQ
_PER_W = _FLAT // _NW
_BLK = 128
_NBLK = _PER_W // _BLK
_PE_ROWS = _SEQ + _BLK
_SCALE = 8.0


def _pos_encoding() -> np.ndarray:
    pos = np.arange(_SEQ, dtype=np.float32)[:, None]
    i = np.arange(_D, dtype=np.float32)[None, :]
    angle_rates = 1.0 / np.power(
        10000.0, (2.0 * np.floor(i / 2.0)) / np.float32(_D)
    )
    angle_rads = pos * angle_rates
    angle_rads[:, 0::2] = np.sin(angle_rads[:, 0::2])
    angle_rads[:, 1::2] = np.cos(angle_rads[:, 1::2])
    return angle_rads.astype(np.float32)


_PE_EXT = np.concatenate(
    [_pos_encoding(), _pos_encoding()[:_BLK]], axis=0
).reshape(_PE_ROWS // 2, _DP)


_NBUF = 4
_DEPTH = 3


def _emb_body(x_hbm, w_hbm, pe_hbm, out_hbm, idx_v, pe_v, rows_v, gsem, ssem):
    c = lax.axis_index("c")
    s = lax.axis_index("s")
    wid = s * _NC + c
    base = wid * _PER_W

    pltpu.sync_copy(x_hbm.at[wid], idx_v)
    pltpu.sync_copy(pe_hbm, pe_v)

    def gather(j, b):
        return pltpu.make_async_copy(
            w_hbm.at[idx_v.at[j]], rows_v.at[b], gsem.at[b]
        )

    def store(j, b):
        return pltpu.make_async_copy(
            rows_v.at[b],
            out_hbm.at[pl.ds(base + j * _BLK, _BLK)],
            ssem.at[b],
        )

    for b in range(_DEPTH):
        gather(b, b).start()

    def outer_body(o, carry):
        for b in range(_NBUF):
            j = o * _NBUF + b
            jn = j + _DEPTH
            bg = (b + _DEPTH) % _NBUF

            def issue_next():
                def _wait_prev_store():
                    if b == 0:
                        store(o * _NBUF - 1, _NBUF - 1).wait()
                    else:
                        store(j - 1, b - 1).wait()

                if b == 0:
                    pl.when(o >= 1)(_wait_prev_store)
                else:
                    _wait_prev_store()
                gather(jn, bg).start()

            if b == 0:
                issue_next()
            else:
                pl.when(jn < _NBLK)(issue_next)

            gather(j, b).wait()
            pe_off = lax.rem(j * _BLK, _SEQ)

            def row_body(r, carry2):
                q = pe_off + r
                qh = q // 2
                ql = (q % 2) * _D
                for l in range(_D // 16):
                    sl = pl.ds(l * 16, 16)
                    rows_v[b, r, sl] = (
                        rows_v[b, r, sl] * _SCALE
                        + pe_v[qh, pl.ds(ql + l * 16, 16)]
                    )
                return carry2

            lax.fori_loop(0, _BLK, row_body, 0, unroll=4)

            store(j, b).start()
        return carry

    lax.fori_loop(0, _NBLK // _NBUF, outer_body, 0)

    last_o = _NBLK // _NBUF - 1
    for b in range(_NBUF):
        store(last_o * _NBUF + b, b).wait()


_emb_kernel = functools.partial(
    pl.kernel,
    out_type=jax.ShapeDtypeStruct((_FLAT, _DP), jnp.float32),
    mesh=plsc.VectorSubcoreMesh(core_axis_name="c", subcore_axis_name="s"),
    compiler_params=pltpu.CompilerParams(use_tc_tiling_on_sc=True),
    scratch_types=[
        pltpu.VMEM((_NBLK, _BLK), jnp.int32),
        pltpu.VMEM((_PE_ROWS // 2, _DP), jnp.float32),
        pltpu.VMEM((_NBUF, _BLK, _DP), jnp.float32),
        pltpu.SemaphoreType.DMA((_NBUF,)),
        pltpu.SemaphoreType.DMA((_NBUF,)),
    ],
)(_emb_body)


def kernel(x, W):
    xb = x.reshape(_NW, _NBLK, _BLK).astype(jnp.int32)
    wp = jnp.pad(W, ((0, 0), (0, _DP - _D)))
    out = _emb_kernel(xb, wp, jnp.asarray(_PE_EXT))
    return out[:, :_D].reshape(_BATCH, _SEQ, _D)

# --- scband reference (transcript-rebuilt; emitter-appended) ---
"""Pipeline reference for scband-embedding-layer-59227599012328 (READ-ONLY COPY).

The authoritative reference and input builder live on the scoring server;
editing this copy changes nothing except your own understanding.
"""

import jax, jax.numpy as jnp
import numpy as np

VOCAB = 1000000
D_MODEL = 64
MAX_POS = 200
BATCH = 4096
SEQ = 200


def positional_encoding(position, d_model):
    pos = np.arange(position, dtype=np.float32)[:, None]
    i = np.arange(d_model, dtype=np.float32)[None, :]
    angle_rates = 1.0 / np.power(10000.0, (2.0 * np.floor(i / 2.0)) / np.float32(d_model))
    angle_rads = pos * angle_rates
    angle_rads[:, 0::2] = np.sin(angle_rads[:, 0::2])
    angle_rads[:, 1::2] = np.cos(angle_rads[:, 1::2])
    return jnp.asarray(angle_rads[None, ...], dtype=jnp.float32)  # [1, position, d_model]


def setup_inputs(seed: int = 0) -> dict:
    key = jax.random.key(seed)
    k1, k2 = jax.random.split(key)
    x = jax.random.randint(k1, (BATCH, SEQ), 0, VOCAB)
    # embedding table (learned parameter), 'uniform' keras initializer ~ U(-0.05, 0.05)
    W = jax.random.uniform(k2, (VOCAB, D_MODEL), dtype=jnp.float32, minval=-0.05, maxval=0.05)
    return {"x": x, "W": W}


def reference(x, W):
    # Faithful translation of EmbeddingLayer.call with training=False (dropout is identity).
    seq_len = x.shape[1]
    emb = jnp.take(W, x, axis=0)  # embedding gather -> [B, S, D]
    emb = emb * jnp.sqrt(jnp.asarray(D_MODEL, dtype=jnp.float32))
    pos = positional_encoding(MAX_POS, D_MODEL)
    emb = emb + pos[:, :seq_len, :]
    return emb

if __name__ == "__main__":
    import jax
    _d = setup_inputs()
    print(jax.jit(kernel)(*tuple(_d.values())))

</pallas_src>

<mosaic_0001>
#map = affine_map<(d0, d1) -> (0, 0, 0)>
#map1 = affine_map<(d0, d1) -> (0, 0)>
module attributes {stable_mosaic.version = 14 : i64} {
  func.func @_emb_body(%arg0: i32, %arg1: i32, %arg2: memref<32x200x128xi32, #tpu.memory_space<hbm>>, %arg3: memref<1000000x128xf32, #tpu.memory_space<hbm>>, %arg4: memref<164x128xf32, #tpu.memory_space<hbm>>, %arg5: memref<819200x128xf32, #tpu.memory_space<hbm>>, %arg6: memref<200x128xi32, #tpu.memory_space<vmem>>, %arg7: memref<164x128xf32, #tpu.memory_space<vmem>>, %arg8: memref<4x128x128xf32, #tpu.memory_space<vmem>>, %arg9: memref<4x!tpu.dma_semaphore, #tpu.memory_space<semaphore_mem>>, %arg10: memref<4x!tpu.dma_semaphore, #tpu.memory_space<semaphore_mem>>) attributes {dimension_semantics = [#tpu.dimension_semantics<core_parallel>, #tpu.dimension_semantics<subcore_parallel>], iteration_bounds = array<i64: 2, 16>, scalar_prefetch = 0 : i64, scratch_operands = 5 : i64, tpu.core_type = #tpu.core_type<sc_vector_subcore>, window_params = [{transform_indices = #map}, {transform_indices = #map1}, {transform_indices = #map1}, {transform_indices = #map1}]} {
    %mul3A = arith.constant 2 : i32
    %mul3A_0 = arith.muli %arg1, %mul3A : i32
    %add3A = arith.addi %mul3A_0, %arg0 : i32
    %mul3A_1 = arith.constant 25600 : i32
    %mul3A_2 = arith.muli %add3A, %mul3A_1 : i32
    "tpu.region"() ({
      %run_scoped3A = tpu.sem_alloc : memref<!tpu.dma_semaphore, #tpu.memory_space<semaphore_mem>>
      %dma_start3A_123 = arith.constant 0 : i32
      %dma_start3A_124 = arith.constant 0 : i32
      %dma_start3A_125 = tpu.memref_slice %arg2[%add3A, %dma_start3A_123, %dma_start3A_124] : memref<32x200x128xi32, #tpu.memory_space<hbm>> -> memref<1x200x128xi32, #tpu.memory_space<hbm>>
      %dma_start3A_126 = tpu.memref_squeeze %dma_start3A_125 : memref<1x200x128xi32, #tpu.memory_space<hbm>> -> memref<200x128xi32, #tpu.memory_space<hbm>>
      %dma_start3A_127 = arith.constant 0 : i32
      %dma_start3A_128 = arith.constant 0 : i32
      %dma_start3A_129 = tpu.memref_slice %arg2[%add3A, %dma_start3A_127, %dma_start3A_128] : memref<32x200x128xi32, #tpu.memory_space<hbm>> -> memref<1x200x128xi32, #tpu.memory_space<hbm>>
      %dma_start3A_130 = tpu.memref_squeeze %dma_start3A_129 : memref<1x200x128xi32, #tpu.memory_space<hbm>> -> memref<200x128xi32, #tpu.memory_space<hbm>>
      tpu.enqueue_dma source(%dma_start3A_130 : memref<200x128xi32, #tpu.memory_space<hbm>>) target(%arg6 : memref<200x128xi32, #tpu.memory_space<vmem>>) target_semaphore(%run_scoped3A : memref<!tpu.dma_semaphore, #tpu.memory_space<semaphore_mem>>)
      %dma_wait3A_131 = arith.constant 0 : i32
      %dma_wait3A_132 = arith.constant 0 : i32
      %dma_wait3A_133 = tpu.memref_slice %arg2[%add3A, %dma_wait3A_131, %dma_wait3A_132] : memref<32x200x128xi32, #tpu.memory_space<hbm>> -> memref<1x200x128xi32, #tpu.memory_space<hbm>>
      %dma_wait3A_134 = tpu.memref_squeeze %dma_wait3A_133 : memref<1x200x128xi32, #tpu.memory_space<hbm>> -> memref<200x128xi32, #tpu.memory_space<hbm>>
      %dma_wait3A_135 = arith.constant 0 : i32
      %dma_wait3A_136 = arith.constant 0 : i32
      %dma_wait3A_137 = tpu.memref_slice %arg2[%add3A, %dma_wait3A_135, %dma_wait3A_136] : memref<32x200x128xi32, #tpu.memory_space<hbm>> -> memref<1x200x128xi32, #tpu.memory_space<hbm>>
      %dma_wait3A_138 = tpu.memref_squeeze %dma_wait3A_137 : memref<1x200x128xi32, #tpu.memory_space<hbm>> -> memref<200x128xi32, #tpu.memory_space<hbm>>
      tpu.wait_dma2 semaphore(%run_scoped3A : memref<!tpu.dma_semaphore, #tpu.memory_space<semaphore_mem>>) src(%dma_wait3A_138 : memref<200x128xi32, #tpu.memory_space<hbm>>) dst(%arg6 : memref<200x128xi32, #tpu.memory_space<vmem>>)
      tpu.yield
    }) : () -> ()
    "tpu.region"() ({
      %run_scoped3A = tpu.sem_alloc : memref<!tpu.dma_semaphore, #tpu.memory_space<semaphore_mem>>
      tpu.enqueue_dma source(%arg4 : memref<164x128xf32, #tpu.memory_space<hbm>>) target(%arg7 : memref<164x128xf32, #tpu.memory_space<vmem>>) target_semaphore(%run_scoped3A : memref<!tpu.dma_semaphore, #tpu.memory_space<semaphore_mem>>)
      tpu.wait_dma2 semaphore(%run_scoped3A : memref<!tpu.dma_semaphore, #tpu.memory_space<semaphore_mem>>) src(%arg4 : memref<164x128xf32, #tpu.memory_space<hbm>>) dst(%arg7 : memref<164x128xf32, #tpu.memory_space<vmem>>)
      tpu.yield
    }) : () -> ()
    %dma_start3A = arith.constant 0 : i32
    %dma_start3A_3 = arith.constant 0 : i32
    %dma_start3A_4 = arith.constant 0 : i32
    %dma_start3A_5 = arith.constant 0 : i32
    %dma_start3A_6 = arith.constant 0 : i32
    %dma_start3A_7 = tpu.memref_slice %arg8[%dma_start3A_3, %dma_start3A_5, %dma_start3A_6] : memref<4x128x128xf32, #tpu.memory_space<vmem>> -> memref<1x128x128xf32, #tpu.memory_space<vmem>>
    %dma_start3A_8 = tpu.memref_squeeze %dma_start3A_7 : memref<1x128x128xf32, #tpu.memory_space<vmem>> -> memref<128x128xf32, #tpu.memory_space<vmem>>
    %dma_start3A_9 = arith.constant 0 : i32
    %dma_start3A_10 = tpu.memref_slice %arg6[%dma_start3A, %dma_start3A_9] : memref<200x128xi32, #tpu.memory_space<vmem>> -> memref<1x128xi32, #tpu.memory_space<vmem>>
    %dma_start3A_11 = tpu.memref_squeeze %dma_start3A_10 : memref<1x128xi32, #tpu.memory_space<vmem>> -> memref<128xi32, #tpu.memory_space<vmem>>
    %dma_start3A_12 = arith.constant 0 : i32
    %dma_start3A_13 = arith.constant 0 : i32
    %dma_start3A_14 = tpu.memref_slice %arg3[%dma_start3A_12, %dma_start3A_13] : memref<1000000x128xf32, #tpu.memory_space<hbm>> -> memref<1000000x128xf32, #tpu.memory_space<hbm>>
    %dma_start3A_15 = tpu.memref_slice %arg9[%dma_start3A_4] : memref<4x!tpu.dma_semaphore, #tpu.memory_space<semaphore_mem>> -> memref<1x!tpu.dma_semaphore, #tpu.memory_space<semaphore_mem>>
    %dma_start3A_16 = tpu.memref_squeeze %dma_start3A_15 : memref<1x!tpu.dma_semaphore, #tpu.memory_space<semaphore_mem>> -> memref<!tpu.dma_semaphore, #tpu.memory_space<semaphore_mem>>
    tpu.enqueue_indirect_dma source(%dma_start3A_14 : memref<1000000x128xf32, #tpu.memory_space<hbm>>) target(%dma_start3A_8 : memref<128x128xf32, #tpu.memory_space<vmem>>) offsets(%dma_start3A_11 : memref<128xi32, #tpu.memory_space<vmem>>) semaphore(%dma_start3A_16 : memref<!tpu.dma_semaphore, #tpu.memory_space<semaphore_mem>>)
    %dma_start3A_17 = arith.constant 1 : i32
    %dma_start3A_18 = arith.constant 1 : i32
    %dma_start3A_19 = arith.constant 1 : i32
    %dma_start3A_20 = arith.constant 0 : i32
    %dma_start3A_21 = arith.constant 0 : i32
    %dma_start3A_22 = tpu.memref_slice %arg8[%dma_start3A_18, %dma_start3A_20, %dma_start3A_21] : memref<4x128x128xf32, #tpu.memory_space<vmem>> -> memref<1x128x128xf32, #tpu.memory_space<vmem>>
    %dma_start3A_23 = tpu.memref_squeeze %dma_start3A_22 : memref<1x128x128xf32, #tpu.memory_space<vmem>> -> memref<128x128xf32, #tpu.memory_space<vmem>>
    %dma_start3A_24 = arith.constant 0 : i32
    %dma_start3A_25 = tpu.memref_slice %arg6[%dma_start3A_17, %dma_start3A_24] : memref<200x128xi32, #tpu.memory_space<vmem>> -> memref<1x128xi32, #tpu.memory_space<vmem>>
    %dma_start3A_26 = tpu.memref_squeeze %dma_start3A_25 : memref<1x128xi32, #tpu.memory_space<vmem>> -> memref<128xi32, #tpu.memory_space<vmem>>
    %dma_start3A_27 = arith.constant 0 : i32
    %dma_start3A_28 = arith.constant 0 : i32
    %dma_start3A_29 = tpu.memref_slice %arg3[%dma_start3A_27, %dma_start3A_28] : memref<1000000x128xf32, #tpu.memory_space<hbm>> -> memref<1000000x128xf32, #tpu.memory_space<hbm>>
    %dma_start3A_30 = tpu.memref_slice %arg9[%dma_start3A_19] : memref<4x!tpu.dma_semaphore, #tpu.memory_space<semaphore_mem>> -> memref<1x!tpu.dma_semaphore, #tpu.memory_space<semaphore_mem>>
    %dma_start3A_31 = tpu.memref_squeeze %dma_start3A_30 : memref<1x!tpu.dma_semaphore, #tpu.memory_space<semaphore_mem>> -> memref<!tpu.dma_semaphore, #tpu.memory_space<semaphore_mem>>
    tpu.enqueue_indirect_dma source(%dma_start3A_29 : memref<1000000x128xf32, #tpu.memory_space<hbm>>) target(%dma_start3A_23 : memref<128x128xf32, #tpu.memory_space<vmem>>) offsets(%dma_start3A_26 : memref<128xi32, #tpu.memory_space<vmem>>) semaphore(%dma_start3A_31 : memref<!tpu.dma_semaphore, #tpu.memory_space<semaphore_mem>>)
    %dma_start3A_32 = arith.constant 2 : i32
    %dma_start3A_33 = arith.constant 2 : i32
    %dma_start3A_34 = arith.constant 2 : i32
    %dma_start3A_35 = arith.constant 0 : i32
    %dma_start3A_36 = arith.constant 0 : i32
    %dma_start3A_37 = tpu.memref_slice %arg8[%dma_start3A_33, %dma_start3A_35, %dma_start3A_36] : memref<4x128x128xf32, #tpu.memory_space<vmem>> -> memref<1x128x128xf32, #tpu.memory_space<vmem>>
    %dma_start3A_38 = tpu.memref_squeeze %dma_start3A_37 : memref<1x128x128xf32, #tpu.memory_space<vmem>> -> memref<128x128xf32, #tpu.memory_space<vmem>>
    %dma_start3A_39 = arith.constant 0 : i32
    %dma_start3A_40 = tpu.memref_slice %arg6[%dma_start3A_32, %dma_start3A_39] : memref<200x128xi32, #tpu.memory_space<vmem>> -> memref<1x128xi32, #tpu.memory_space<vmem>>
    %dma_start3A_41 = tpu.memref_squeeze %dma_start3A_40 : memref<1x128xi32, #tpu.memory_space<vmem>> -> memref<128xi32, #tpu.memory_space<vmem>>
    %dma_start3A_42 = arith.constant 0 : i32
    %dma_start3A_43 = arith.constant 0 : i32
    %dma_start3A_44 = tpu.memref_slice %arg3[%dma_start3A_42, %dma_start3A_43] : memref<1000000x128xf32, #tpu.memory_space<hbm>> -> memref<1000000x128xf32, #tpu.memory_space<hbm>>
    %dma_start3A_45 = tpu.memref_slice %arg9[%dma_start3A_34] : memref<4x!tpu.dma_semaphore, #tpu.memory_space<semaphore_mem>> -> memref<1x!tpu.dma_semaphore, #tpu.memory_space<semaphore_mem>>
    %dma_start3A_46 = tpu.memref_squeeze %dma_start3A_45 : memref<1x!tpu.dma_semaphore, #tpu.memory_space<semaphore_mem>> -> memref<!tpu.dma_semaphore, #tpu.memory_space<semaphore_mem>>
    tpu.enqueue_indirect_dma source(%dma_start3A_44 : memref<1000000x128xf32, #tpu.memory_space<hbm>>) target(%dma_start3A_38 : memref<128x128xf32, #tpu.memory_space<vmem>>) offsets(%dma_start3A_41 : memref<128xi32, #tpu.memory_space<vmem>>) semaphore(%dma_start3A_46 : memref<!tpu.dma_semaphore, #tpu.memory_space<semaphore_mem>>)
    %scan3A = arith.constant 0 : i32
    %scan3A_47 = arith.constant 0 : i32
    %scan3A_48 = arith.constant 50 : i32
    %scan3A_49 = arith.addi %scan3A_47, %scan3A_48 : i32
    %scan3A_50 = arith.constant 1 : i32
    scf.for %scan3A_123 = %scan3A_47 to %scan3A_49 step %scan3A_50  : i32 {
      %mul3A_124 = arith.constant 4 : i32
      %mul3A_125 = arith.muli %scan3A_123, %mul3A_124 : i32
      %add3A_126 = arith.constant 0 : i32
      %add3A_127 = arith.addi %mul3A_125, %add3A_126 : i32
      %add3A_128 = arith.constant 3 : i32
      %add3A_129 = arith.addi %add3A_127, %add3A_128 : i32
      %ge3A = arith.constant 1 : i32
      %ge3A_130 = arith.cmpi sge, %scan3A_123, %ge3A : i32
      %convert_element_type3A = arith.extui %ge3A_130 : i1 to i32
      %cond3A = arith.constant 0 : i32
      %cond3A_131 = arith.cmpi ne, %convert_element_type3A, %cond3A : i32
      scf.if %cond3A_131 {
        %mul3A_349 = arith.constant 4 : i32
        %mul3A_350 = arith.muli %scan3A_123, %mul3A_349 : i32
        %sub3A = arith.constant 1 : i32
        %sub3A_351 = arith.subi %mul3A_350, %sub3A : i32
        %mul3A_352 = arith.constant 128 : i32
        %mul3A_353 = arith.muli %sub3A_351, %mul3A_352 : i32
        %add3A_354 = arith.addi %mul3A_2, %mul3A_353 : i32
        %dma_wait3A_355 = arith.constant 3 : i32
        %dma_wait3A_356 = arith.constant 3 : i32
        %dma_wait3A_357 = arith.constant 0 : i32
        %dma_wait3A_358 = arith.constant 0 : i32
        %dma_wait3A_359 = tpu.memref_slice %arg8[%dma_wait3A_355, %dma_wait3A_357, %dma_wait3A_358] : memref<4x128x128xf32, #tpu.memory_space<vmem>> -> memref<1x128x128xf32, #tpu.memory_space<vmem>>
        %dma_wait3A_360 = tpu.memref_squeeze %dma_wait3A_359 : memref<1x128x128xf32, #tpu.memory_space<vmem>> -> memref<128x128xf32, #tpu.memory_space<vmem>>
        %dma_wait3A_361 = arith.constant 0 : i32
        %dma_wait3A_362 = tpu.memref_slice %arg5[%add3A_354, %dma_wait3A_361] : memref<819200x128xf32, #tpu.memory_space<hbm>> -> memref<128x128xf32, #tpu.memory_space<hbm>>
        %dma_wait3A_363 = tpu.memref_slice %arg10[%dma_wait3A_356] : memref<4x!tpu.dma_semaphore, #tpu.memory_space<semaphore_mem>> -> memref<1x!tpu.dma_semaphore, #tpu.memory_space<semaphore_mem>>
        %dma_wait3A_364 = tpu.memref_squeeze %dma_wait3A_363 : memref<1x!tpu.dma_semaphore, #tpu.memory_space<semaphore_mem>> -> memref<!tpu.dma_semaphore, #tpu.memory_space<semaphore_mem>>
        %dma_wait3A_365 = arith.constant 0 : i32
        %dma_wait3A_366 = tpu.memref_slice %arg5[%add3A_354, %dma_wait3A_365] : memref<819200x128xf32, #tpu.memory_space<hbm>> -> memref<128x128xf32, #tpu.memory_space<hbm>>
        %dma_wait3A_367 = arith.constant 0 : i32
        %dma_wait3A_368 = arith.constant 0 : i32
        %dma_wait3A_369 = tpu.memref_slice %arg8[%dma_wait3A_355, %dma_wait3A_367, %dma_wait3A_368] : memref<4x128x128xf32, #tpu.memory_space<vmem>> -> memref<1x128x128xf32, #tpu.memory_space<vmem>>
        %dma_wait3A_370 = tpu.memref_squeeze %dma_wait3A_369 : memref<1x128x128xf32, #tpu.memory_space<vmem>> -> memref<128x128xf32, #tpu.memory_space<vmem>>
        tpu.wait_dma2 semaphore(%dma_wait3A_364 : memref<!tpu.dma_semaphore, #tpu.memory_space<semaphore_mem>>) src(%dma_wait3A_370 : memref<128x128xf32, #tpu.memory_space<vmem>>) dst(%dma_wait3A_366 : memref<128x128xf32, #tpu.memory_space<hbm>>)
      } else {
      }
      %dma_start3A_132 = arith.constant 3 : i32
      %dma_start3A_133 = arith.constant 3 : i32
      %dma_start3A_134 = arith.constant 0 : i32
      %dma_start3A_135 = arith.constant 0 : i32
      %dma_start3A_136 = tpu.memref_slice %arg8[%dma_start3A_132, %dma_start3A_134, %dma_start3A_135] : memref<4x128x128xf32, #tpu.memory_space<vmem>> -> memref<1x128x128xf32, #tpu.memory_space<vmem>>
      %dma_start3A_137 = tpu.memref_squeeze %dma_start3A_136 : memref<1x128x128xf32, #tpu.memory_space<vmem>> -> memref<128x128xf32, #tpu.memory_space<vmem>>
      %dma_start3A_138 = arith.constant 0 : i32
      %dma_start3A_139 = tpu.memref_slice %arg6[%add3A_129, %dma_start3A_138] : memref<200x128xi32, #tpu.memory_space<vmem>> -> memref<1x128xi32, #tpu.memory_space<vmem>>
      %dma_start3A_140 = tpu.memref_squeeze %dma_start3A_139 : memref<1x128xi32, #tpu.memory_space<vmem>> -> memref<128xi32, #tpu.memory_space<vmem>>
      %dma_start3A_141 = arith.constant 0 : i32
      %dma_start3A_142 = arith.constant 0 : i32
      %dma_start3A_143 = tpu.memref_slice %arg3[%dma_start3A_141, %dma_start3A_142] : memref<1000000x128xf32, #tpu.memory_space<hbm>> -> memref<1000000x128xf32, #tpu.memory_space<hbm>>
      %dma_start3A_144 = tpu.memref_slice %arg9[%dma_start3A_133] : memref<4x!tpu.dma_semaphore, #tpu.memory_space<semaphore_mem>> -> memref<1x!tpu.dma_semaphore, #tpu.memory_space<semaphore_mem>>
      %dma_start3A_145 = tpu.memref_squeeze %dma_start3A_144 : memref<1x!tpu.dma_semaphore, #tpu.memory_space<semaphore_mem>> -> memref<!tpu.dma_semaphore, #tpu.memory_space<semaphore_mem>>
      tpu.enqueue_indirect_dma source(%dma_start3A_143 : memref<1000000x128xf32, #tpu.memory_space<hbm>>) target(%dma_start3A_137 : memref<128x128xf32, #tpu.memory_space<vmem>>) offsets(%dma_start3A_140 : memref<128xi32, #tpu.memory_space<vmem>>) semaphore(%dma_start3A_145 : memref<!tpu.dma_semaphore, #tpu.memory_space<semaphore_mem>>)
      %dma_wait3A_146 = arith.constant 0 : i32
      %dma_wait3A_147 = arith.constant 0 : i32
      %dma_wait3A_148 = arith.constant 0 : i32
      %dma_wait3A_149 = arith.constant 0 : i32
      %dma_wait3A_150 = tpu.memref_slice %arg8[%dma_wait3A_146, %dma_wait3A_148, %dma_wait3A_149] : memref<4x128x128xf32, #tpu.memory_space<vmem>> -> memref<1x128x128xf32, #tpu.memory_space<vmem>>
      %dma_wait3A_151 = tpu.memref_squeeze %dma_wait3A_150 : memref<1x128x128xf32, #tpu.memory_space<vmem>> -> memref<128x128xf32, #tpu.memory_space<vmem>>
      %dma_wait3A_152 = arith.constant 0 : i32
      %dma_wait3A_153 = tpu.memref_slice %arg6[%add3A_127, %dma_wait3A_152] : memref<200x128xi32, #tpu.memory_space<vmem>> -> memref<1x128xi32, #tpu.memory_space<vmem>>
      %dma_wait3A_154 = tpu.memref_squeeze %dma_wait3A_153 : memref<1x128xi32, #tpu.memory_space<vmem>> -> memref<128xi32, #tpu.memory_space<vmem>>
      %dma_wait3A_155 = arith.constant 0 : i32
      %dma_wait3A_156 = arith.constant 0 : i32
      %dma_wait3A_157 = tpu.memref_slice %arg3[%dma_wait3A_155, %dma_wait3A_156] : memref<1000000x128xf32, #tpu.memory_space<hbm>> -> memref<1000000x128xf32, #tpu.memory_space<hbm>>
      %dma_wait3A_158 = tpu.memref_slice %arg9[%dma_wait3A_147] : memref<4x!tpu.dma_semaphore, #tpu.memory_space<semaphore_mem>> -> memref<1x!tpu.dma_semaphore, #tpu.memory_space<semaphore_mem>>
      %dma_wait3A_159 = tpu.memref_squeeze %dma_wait3A_158 : memref<1x!tpu.dma_semaphore, #tpu.memory_space<semaphore_mem>> -> memref<!tpu.dma_semaphore, #tpu.memory_space<semaphore_mem>>
      tpu.wait_indirect_dma semaphore(%dma_wait3A_159 : memref<!tpu.dma_semaphore, #tpu.memory_space<semaphore_mem>>) src(%dma_wait3A_157 : memref<1000000x128xf32, #tpu.memory_space<hbm>>) dst(%dma_wait3A_151 : memref<128x128xf32, #tpu.memory_space<vmem>>)
      %mul3A_160 = arith.constant 128 : i32
      %mul3A_161 = arith.muli %add3A_127, %mul3A_160 : i32
      %rem3A = arith.constant 200 : i32
      %rem3A_162 = arith.remsi %mul3A_161, %rem3A : i32
      %scan3A_163 = arith.constant 0 : i32
      %scan3A_164 = arith.constant 0 : i32
      %scan3A_165 = arith.constant 128 : i32
      %scan3A_166 = arith.addi %scan3A_164, %scan3A_165 : i32
      %scan3A_167 = arith.constant 4 : i32
      scf.for %scan3A_349 = %scan3A_164 to %scan3A_166 step %scan3A_167  : i32 {
        %add3A_350 = arith.addi %rem3A_162, %scan3A_349 : i32
        %jit3A = arith.constant 2 : i32
        %div3A = arith.divsi %add3A_350, %jit3A : i32
        %sign3A = arith.constant 0 : i32
        %sign3A_351 = arith.cmpi sgt, %add3A_350, %sign3A : i32
        %sign3A_352 = arith.extui %sign3A_351 : i1 to i32
        %sign3A_353 = arith.constant 0 : i32
        %sign3A_354 = arith.cmpi slt, %add3A_350, %sign3A_353 : i32
        %sign3A_355 = arith.extui %sign3A_354 : i1 to i32
        %sign3A_356 = arith.subi %sign3A_352, %sign3A_355 : i32
        %sign3A_357 = arith.constant 0 : i32
        %sign3A_358 = arith.cmpi sgt, %jit3A, %sign3A_357 : i32
        %sign3A_359 = arith.extui %sign3A_358 : i1 to i32
        %sign3A_360 = arith.constant 0 : i32
        %sign3A_361 = arith.cmpi slt, %jit3A, %sign3A_360 : i32
        %sign3A_362 = arith.extui %sign3A_361 : i1 to i32
        %sign3A_363 = arith.subi %sign3A_359, %sign3A_362 : i32
        %ne3A = arith.cmpi ne, %sign3A_356, %sign3A_363 : i32
        %rem3A_364 = arith.remsi %add3A_350, %jit3A : i32
        %ne3A_365 = arith.constant 0 : i32
        %ne3A_366 = arith.cmpi ne, %rem3A_364, %ne3A_365 : i32
        %and3A = arith.andi %ne3A, %ne3A_366 : i1
        %sub3A = arith.constant 1 : i32
        %sub3A_367 = arith.subi %div3A, %sub3A : i32
        %select_n3A = arith.select %and3A, %sub3A_367, %div3A : i32
        %jit3A_368 = arith.constant 2 : i32
        %eq3A = arith.constant 0 : i32
        %eq3A_369 = arith.cmpi eq, %jit3A_368, %eq3A : i32
        %jit3A_370 = arith.constant 1 : i32
        %select_n3A_371 = arith.select %eq3A_369, %jit3A_370, %jit3A_368 : i32
        %rem3A_372 = arith.remsi %add3A_350, %select_n3A_371 : i32
        %ne3A_373 = arith.constant 0 : i32
        %ne3A_374 = arith.cmpi ne, %rem3A_372, %ne3A_373 : i32
        %lt3A_375 = arith.constant 0 : i32
        %lt3A_376 = arith.cmpi slt, %rem3A_372, %lt3A_375 : i32
        %lt3A_377 = arith.constant 0 : i32
        %lt3A_378 = arith.cmpi slt, %select_n3A_371, %lt3A_377 : i32
        %ne3A_379 = arith.xori %lt3A_376, %lt3A_378 : i1
        %and3A_380 = arith.andi %ne3A_379, %ne3A_374 : i1
        %add3A_381 = arith.addi %rem3A_372, %select_n3A_371 : i32
        %select_n3A_382 = arith.select %and3A_380, %add3A_381, %rem3A_372 : i32
        %mul3A_383 = arith.constant 64 : i32
        %mul3A_384 = arith.muli %select_n3A_382, %mul3A_383 : i32
        %get3A = arith.constant 0 : i32
        %get3A_385 = arith.index_cast %get3A : i32 to index
        %get3A_386 = arith.index_cast %scan3A_349 : i32 to index
        %get3A_387 = arith.constant 0 : index
        %get3A_388 = tpu.vector_load %arg8[%get3A_385, %get3A_386, %get3A_387] {strides = array<i32>} : memref<4x128x128xf32, #tpu.memory_space<vmem>>, vector<1x1x16xf32>,
        %get3A_389 = vector.shape_cast %get3A_388 : vector<1x1x16xf32> to vector<16xf32>
        %mul3A_390 = arith.constant 8.000000e+00 : f32
        %mul3A_391 = vector.broadcast %mul3A_390 : f32 to vector<16xf32>
        %mul3A_392 = arith.mulf %get3A_389, %mul3A_391 : vector<16xf32>
        %add3A_393 = arith.constant 0 : i32
        %add3A_394 = arith.addi %mul3A_384, %add3A_393 : i32
        %get3A_395 = arith.index_cast %select_n3A : i32 to index
        %get3A_396 = arith.index_cast %add3A_394 : i32 to index
        %get3A_397 = tpu.vector_load %arg7[%get3A_395, %get3A_396] {strides = array<i32>} : memref<164x128xf32, #tpu.memory_space<vmem>>, vector<1x16xf32>,
        %get3A_398 = vector.shape_cast %get3A_397 : vector<1x16xf32> to vector<16xf32>
        %add3A_399 = arith.addf %mul3A_392, %get3A_398 : vector<16xf32>
        %swap3A = arith.constant 0 : i32
        %swap3A_400 = arith.index_cast %swap3A : i32 to index
        %swap3A_401 = arith.index_cast %scan3A_349 : i32 to index
        %swap3A_402 = arith.constant 0 : index
        %swap3A_403 = tpu.vector_load %arg8[%swap3A_400, %swap3A_401, %swap3A_402] {strides = array<i32>} : memref<4x128x128xf32, #tpu.memory_space<vmem>>, vector<1x1x16xf32>,
        %swap3A_404 = vector.shape_cast %swap3A_403 : vector<1x1x16xf32> to vector<16xf32>
        %swap3A_405 = vector.shape_cast %add3A_399 : vector<16xf32> to vector<1x1x16xf32>
        tpu.vector_store %arg8[%swap3A_400, %swap3A_401, %swap3A_402], %swap3A_405 {strides = array<i32>} : memref<4x128x128xf32, #tpu.memory_space<vmem>>, vector<1x1x16xf32>,
        %get3A_406 = arith.constant 0 : i32
        %get3A_407 = arith.index_cast %get3A_406 : i32 to index
        %get3A_408 = arith.index_cast %scan3A_349 : i32 to index
        %get3A_409 = arith.constant 16 : index
        %get3A_410 = tpu.vector_load %arg8[%get3A_407, %get3A_408, %get3A_409] {strides = array<i32>} : memref<4x128x128xf32, #tpu.memory_space<vmem>>, vector<1x1x16xf32>,
        %get3A_411 = vector.shape_cast %get3A_410 : vector<1x1x16xf32> to vector<16xf32>
        %mul3A_412 = arith.constant 8.000000e+00 : f32
        %mul3A_413 = vector.broadcast %mul3A_412 : f32 to vector<16xf32>
        %mul3A_414 = arith.mulf %get3A_411, %mul3A_413 : vector<16xf32>
        %add3A_415 = arith.constant 16 : i32
        %add3A_416 = arith.addi %mul3A_384, %add3A_415 : i32
        %get3A_417 = arith.index_cast %select_n3A : i32 to index
        %get3A_418 = arith.index_cast %add3A_416 : i32 to index
        %get3A_419 = tpu.vector_load %arg7[%get3A_417, %get3A_418] {strides = array<i32>} : memref<164x128xf32, #tpu.memory_space<vmem>>, vector<1x16xf32>,
        %get3A_420 = vector.shape_cast %get3A_419 : vector<1x16xf32> to vector<16xf32>
        %add3A_421 = arith.addf %mul3A_414, %get3A_420 : vector<16xf32>
        %swap3A_422 = arith.constant 0 : i32
        %swap3A_423 = arith.index_cast %swap3A_422 : i32 to index
        %swap3A_424 = arith.index_cast %scan3A_349 : i32 to index
        %swap3A_425 = arith.constant 16 : index
        %swap3A_426 = tpu.vector_load %arg8[%swap3A_423, %swap3A_424, %swap3A_425] {strides = array<i32>} : memref<4x128x128xf32, #tpu.memory_space<vmem>>, vector<1x1x16xf32>,
        %swap3A_427 = vector.shape_cast %swap3A_426 : vector<1x1x16xf32> to vector<16xf32>
        %swap3A_428 = vector.shape_cast %add3A_421 : vector<16xf32> to vector<1x1x16xf32>
        tpu.vector_store %arg8[%swap3A_423, %swap3A_424, %swap3A_425], %swap3A_428 {strides = array<i32>} : memref<4x128x128xf32, #tpu.memory_space<vmem>>, vector<1x1x16xf32>,
        %get3A_429 = arith.constant 0 : i32
        %get3A_430 = arith.index_cast %get3A_429 : i32 to index
        %get3A_431 = arith.index_cast %scan3A_349 : i32 to index
        %get3A_432 = arith.constant 32 : index
        %get3A_433 = tpu.vector_load %arg8[%get3A_430, %get3A_431, %get3A_432] {strides = array<i32>} : memref<4x128x128xf32, #tpu.memory_space<vmem>>, vector<1x1x16xf32>,
        %get3A_434 = vector.shape_cast %get3A_433 : vector<1x1x16xf32> to vector<16xf32>
        %mul3A_435 = arith.constant 8.000000e+00 : f32
        %mul3A_436 = vector.broadcast %mul3A_435 : f32 to vector<16xf32>
        %mul3A_437 = arith.mulf %get3A_434, %mul3A_436 : vector<16xf32>
        %add3A_438 = arith.constant 32 : i32
        %add3A_439 = arith.addi %mul3A_384, %add3A_438 : i32
        %get3A_440 = arith.index_cast %select_n3A : i32 to index
        %get3A_441 = arith.index_cast %add3A_439 : i32 to index
        %get3A_442 = tpu.vector_load %arg7[%get3A_440, %get3A_441] {strides = array<i32>} : memref<164x128xf32, #tpu.memory_space<vmem>>, vector<1x16xf32>,
        %get3A_443 = vector.shape_cast %get3A_442 : vector<1x16xf32> to vector<16xf32>
        %add3A_444 = arith.addf %mul3A_437, %get3A_443 : vector<16xf32>
        %swap3A_445 = arith.constant 0 : i32
        %swap3A_446 = arith.index_cast %swap3A_445 : i32 to index
        %swap3A_447 = arith.index_cast %scan3A_349 : i32 to index
        %swap3A_448 = arith.constant 32 : index
        %swap3A_449 = tpu.vector_load %arg8[%swap3A_446, %swap3A_447, %swap3A_448] {strides = array<i32>} : memref<4x128x128xf32, #tpu.memory_space<vmem>>, vector<1x1x16xf32>,
        %swap3A_450 = vector.shape_cast %swap3A_449 : vector<1x1x16xf32> to vector<16xf32>
        %swap3A_451 = vector.shape_cast %add3A_444 : vector<16xf32> to vector<1x1x16xf32>
        tpu.vector_store %arg8[%swap3A_446, %swap3A_447, %swap3A_448], %swap3A_451 {strides = array<i32>} : memref<4x128x128xf32, #tpu.memory_space<vmem>>, vector<1x1x16xf32>,
        %get3A_452 = arith.constant 0 : i32
        %get3A_453 = arith.index_cast %get3A_452 : i32 to index
        %get3A_454 = arith.index_cast %scan3A_349 : i32 to index
        %get3A_455 = arith.constant 48 : index
        %get3A_456 = tpu.vector_load %arg8[%get3A_453, %get3A_454, %get3A_455] {strides = array<i32>} : memref<4x128x128xf32, #tpu.memory_space<vmem>>, vector<1x1x16xf32>,
        %get3A_457 = vector.shape_cast %get3A_456 : vector<1x1x16xf32> to vector<16xf32>
        %mul3A_458 = arith.constant 8.000000e+00 : f32
        %mul3A_459 = vector.broadcast %mul3A_458 : f32 to vector<16xf32>
        %mul3A_460 = arith.mulf %get3A_457, %mul3A_459 : vector<16xf32>
        %add3A_461 = arith.constant 48 : i32
        %add3A_462 = arith.addi %mul3A_384, %add3A_461 : i32
        %get3A_463 = arith.index_cast %select_n3A : i32 to index
        %get3A_464 = arith.index_cast %add3A_462 : i32 to index
        %get3A_465 = tpu.vector_load %arg7[%get3A_463, %get3A_464] {strides = array<i32>} : memref<164x128xf32, #tpu.memory_space<vmem>>, vector<1x16xf32>,
        %get3A_466 = vector.shape_cast %get3A_465 : vector<1x16xf32> to vector<16xf32>
        %add3A_467 = arith.addf %mul3A_460, %get3A_466 : vector<16xf32>
        %swap3A_468 = arith.constant 0 : i32
        %swap3A_469 = arith.index_cast %swap3A_468 : i32 to index
        %swap3A_470 = arith.index_cast %scan3A_349 : i32 to index
        %swap3A_471 = arith.constant 48 : index
        %swap3A_472 = tpu.vector_load %arg8[%swap3A_469, %swap3A_470, %swap3A_471] {strides = array<i32>} : memref<4x128x128xf32, #tpu.memory_space<vmem>>, vector<1x1x16xf32>,
        %swap3A_473 = vector.shape_cast %swap3A_472 : vector<1x1x16xf32> to vector<16xf32>
        %swap3A_474 = vector.shape_cast %add3A_467 : vector<16xf32> to vector<1x1x16xf32>
        tpu.vector_store %arg8[%swap3A_469, %swap3A_470, %swap3A_471], %swap3A_474 {strides = array<i32>} : memref<4x128x128xf32, #tpu.memory_space<vmem>>, vector<1x1x16xf32>,
        %scan3A_475 = arith.constant 1 : i32
        %scan3A_476 = arith.addi %scan3A_349, %scan3A_475 : i32
        %add3A_477 = arith.addi %rem3A_162, %scan3A_476 : i32
        %jit3A_478 = arith.constant 2 : i32
        %div3A_479 = arith.divsi %add3A_477, %jit3A_478 : i32
        %sign3A_480 = arith.constant 0 : i32
        %sign3A_481 = arith.cmpi sgt, %add3A_477, %sign3A_480 : i32
        %sign3A_482 = arith.extui %sign3A_481 : i1 to i32
        %sign3A_483 = arith.constant 0 : i32
        %sign3A_484 = arith.cmpi slt, %add3A_477, %sign3A_483 : i32
        %sign3A_485 = arith.extui %sign3A_484 : i1 to i32
        %sign3A_486 = arith.subi %sign3A_482, %sign3A_485 : i32
        %sign3A_487 = arith.constant 0 : i32
        %sign3A_488 = arith.cmpi sgt, %jit3A_478, %sign3A_487 : i32
        %sign3A_489 = arith.extui %sign3A_488 : i1 to i32
        %sign3A_490 = arith.constant 0 : i32
        %sign3A_491 = arith.cmpi slt, %jit3A_478, %sign3A_490 : i32
        %sign3A_492 = arith.extui %sign3A_491 : i1 to i32
        %sign3A_493 = arith.subi %sign3A_489, %sign3A_492 : i32
        %ne3A_494 = arith.cmpi ne, %sign3A_486, %sign3A_493 : i32
        %rem3A_495 = arith.remsi %add3A_477, %jit3A_478 : i32
        %ne3A_496 = arith.constant 0 : i32
        %ne3A_497 = arith.cmpi ne, %rem3A_495, %ne3A_496 : i32
        %and3A_498 = arith.andi %ne3A_494, %ne3A_497 : i1
        %sub3A_499 = arith.constant 1 : i32
        %sub3A_500 = arith.subi %div3A_479, %sub3A_499 : i32
        %select_n3A_501 = arith.select %and3A_498, %sub3A_500, %div3A_479 : i32
        %jit3A_502 = arith.constant 2 : i32
        %eq3A_503 = arith.constant 0 : i32
        %eq3A_504 = arith.cmpi eq, %jit3A_502, %eq3A_503 : i32
        %jit3A_505 = arith.constant 1 : i32
        %select_n3A_506 = arith.select %eq3A_504, %jit3A_505, %jit3A_502 : i32
        %rem3A_507 = arith.remsi %add3A_477, %select_n3A_506 : i32
        %ne3A_508 = arith.constant 0 : i32
        %ne3A_509 = arith.cmpi ne, %rem3A_507, %ne3A_508 : i32
        %lt3A_510 = arith.constant 0 : i32
        %lt3A_511 = arith.cmpi slt, %rem3A_507, %lt3A_510 : i32
        %lt3A_512 = arith.constant 0 : i32
        %lt3A_513 = arith.cmpi slt, %select_n3A_506, %lt3A_512 : i32
        %ne3A_514 = arith.xori %lt3A_511, %lt3A_513 : i1
        %and3A_515 = arith.andi %ne3A_514, %ne3A_509 : i1
        %add3A_516 = arith.addi %rem3A_507, %select_n3A_506 : i32
        %select_n3A_517 = arith.select %and3A_515, %add3A_516, %rem3A_507 : i32
        %mul3A_518 = arith.constant 64 : i32
        %mul3A_519 = arith.muli %select_n3A_517, %mul3A_518 : i32
        %get3A_520 = arith.constant 0 : i32
        %get3A_521 = arith.index_cast %get3A_520 : i32 to index
        %get3A_522 = arith.index_cast %scan3A_476 : i32 to index
        %get3A_523 = arith.constant 0 : index
        %get3A_524 = tpu.vector_load %arg8[%get3A_521, %get3A_522, %get3A_523] {strides = array<i32>} : memref<4x128x128xf32, #tpu.memory_space<vmem>>, vector<1x1x16xf32>,
        %get3A_525 = vector.shape_cast %get3A_524 : vector<1x1x16xf32> to vector<16xf32>
        %mul3A_526 = arith.constant 8.000000e+00 : f32
        %mul3A_527 = vector.broadcast %mul3A_526 : f32 to vector<16xf32>
        %mul3A_528 = arith.mulf %get3A_525, %mul3A_527 : vector<16xf32>
        %add3A_529 = arith.constant 0 : i32
        %add3A_530 = arith.addi %mul3A_519, %add3A_529 : i32
        %get3A_531 = arith.index_cast %select_n3A_501 : i32 to index
        %get3A_532 = arith.index_cast %add3A_530 : i32 to index
        %get3A_533 = tpu.vector_load %arg7[%get3A_531, %get3A_532] {strides = array<i32>} : memref<164x128xf32, #tpu.memory_space<vmem>>, vector<1x16xf32>,
        %get3A_534 = vector.shape_cast %get3A_533 : vector<1x16xf32> to vector<16xf32>
        %add3A_535 = arith.addf %mul3A_528, %get3A_534 : vector<16xf32>
        %swap3A_536 = arith.constant 0 : i32
        %swap3A_537 = arith.index_cast %swap3A_536 : i32 to index
        %swap3A_538 = arith.index_cast %scan3A_476 : i32 to index
        %swap3A_539 = arith.constant 0 : index
        %swap3A_540 = tpu.vector_load %arg8[%swap3A_537, %swap3A_538, %swap3A_539] {strides = array<i32>} : memref<4x128x128xf32, #tpu.memory_space<vmem>>, vector<1x1x16xf32>,
        %swap3A_541 = vector.shape_cast %swap3A_540 : vector<1x1x16xf32> to vector<16xf32>
        %swap3A_542 = vector.shape_cast %add3A_535 : vector<16xf32> to vector<1x1x16xf32>
        tpu.vector_store %arg8[%swap3A_537, %swap3A_538, %swap3A_539], %swap3A_542 {strides = array<i32>} : memref<4x128x128xf32, #tpu.memory_space<vmem>>, vector<1x1x16xf32>,
        %get3A_543 = arith.constant 0 : i32
        %get3A_544 = arith.index_cast %get3A_543 : i32 to index
        %get3A_545 = arith.index_cast %scan3A_476 : i32 to index
        %get3A_546 = arith.constant 16 : index
        %get3A_547 = tpu.vector_load %arg8[%get3A_544, %get3A_545, %get3A_546] {strides = array<i32>} : memref<4x128x128xf32, #tpu.memory_space<vmem>>, vector<1x1x16xf32>,
        %get3A_548 = vector.shape_cast %get3A_547 : vector<1x1x16xf32> to vector<16xf32>
        %mul3A_549 = arith.constant 8.000000e+00 : f32
        %mul3A_550 = vector.broadcast %mul3A_549 : f32 to vector<16xf32>
        %mul3A_551 = arith.mulf %get3A_548, %mul3A_550 : vector<16xf32>
        %add3A_552 = arith.constant 16 : i32
        %add3A_553 = arith.addi %mul3A_519, %add3A_552 : i32
        %get3A_554 = arith.index_cast %select_n3A_501 : i32 to index
        %get3A_555 = arith.index_cast %add3A_553 : i32 to index
        %get3A_556 = tpu.vector_load %arg7[%get3A_554, %get3A_555] {strides = array<i32>} : memref<164x128xf32, #tpu.memory_space<vmem>>, vector<1x16xf32>,
        %get3A_557 = vector.shape_cast %get3A_556 : vector<1x16xf32> to vector<16xf32>
        %add3A_558 = arith.addf %mul3A_551, %get3A_557 : vector<16xf32>
        %swap3A_559 = arith.constant 0 : i32
        %swap3A_560 = arith.index_cast %swap3A_559 : i32 to index
        %swap3A_561 = arith.index_cast %scan3A_476 : i32 to index
        %swap3A_562 = arith.constant 16 : index
        %swap3A_563 = tpu.vector_load %arg8[%swap3A_560, %swap3A_561, %swap3A_562] {strides = array<i32>} : memref<4x128x128xf32, #tpu.memory_space<vmem>>, vector<1x1x16xf32>,
        %swap3A_564 = vector.shape_cast %swap3A_563 : vector<1x1x16xf32> to vector<16xf32>
        %swap3A_565 = vector.shape_cast %add3A_558 : vector<16xf32> to vector<1x1x16xf32>
        tpu.vector_store %arg8[%swap3A_560, %swap3A_561, %swap3A_562], %swap3A_565 {strides = array<i32>} : memref<4x128x128xf32, #tpu.memory_space<vmem>>, vector<1x1x16xf32>,
        %get3A_566 = arith.constant 0 : i32
        %get3A_567 = arith.index_cast %get3A_566 : i32 to index
        %get3A_568 = arith.index_cast %scan3A_476 : i32 to index
        %get3A_569 = arith.constant 32 : index
        %get3A_570 = tpu.vector_load %arg8[%get3A_567, %get3A_568, %get3A_569] {strides = array<i32>} : memref<4x128x128xf32, #tpu.memory_space<vmem>>, vector<1x1x16xf32>,
        %get3A_571 = vector.shape_cast %get3A_570 : vector<1x1x16xf32> to vector<16xf32>
        %mul3A_572 = arith.constant 8.000000e+00 : f32
        %mul3A_573 = vector.broadcast %mul3A_572 : f32 to vector<16xf32>
        %mul3A_574 = arith.mulf %get3A_571, %mul3A_573 : vector<16xf32>
        %add3A_575 = arith.constant 32 : i32
        %add3A_576 = arith.addi %mul3A_519, %add3A_575 : i32
        %get3A_577 = arith.index_cast %select_n3A_501 : i32 to index
        %get3A_578 = arith.index_cast %add3A_576 : i32 to index
        %get3A_579 = tpu.vector_load %arg7[%get3A_577, %get3A_578] {strides = array<i32>} : memref<164x128xf32, #tpu.memory_space<vmem>>, vector<1x16xf32>,
        %get3A_580 = vector.shape_cast %get3A_579 : vector<1x16xf32> to vector<16xf32>
        %add3A_581 = arith.addf %mul3A_574, %get3A_580 : vector<16xf32>
        %swap3A_582 = arith.constant 0 : i32
        %swap3A_583 = arith.index_cast %swap3A_582 : i32 to index
        %swap3A_584 = arith.index_cast %scan3A_476 : i32 to index
        %swap3A_585 = arith.constant 32 : index
        %swap3A_586 = tpu.vector_load %arg8[%swap3A_583, %swap3A_584, %swap3A_585] {strides = array<i32>} : memref<4x128x128xf32, #tpu.memory_space<vmem>>, vector<1x1x16xf32>,
        %swap3A_587 = vector.shape_cast %swap3A_586 : vector<1x1x16xf32> to vector<16xf32>
        %swap3A_588 = vector.shape_cast %add3A_581 : vector<16xf32> to vector<1x1x16xf32>
        tpu.vector_store %arg8[%swap3A_583, %swap3A_584, %swap3A_585], %swap3A_588 {strides = array<i32>} : memref<4x128x128xf32, #tpu.memory_space<vmem>>, vector<1x1x16xf32>,
        %get3A_589 = arith.constant 0 : i32
        %get3A_590 = arith.index_cast %get3A_589 : i32 to index
        %get3A_591 = arith.index_cast %scan3A_476 : i32 to index
        %get3A_592 = arith.constant 48 : index
        %get3A_593 = tpu.vector_load %arg8[%get3A_590, %get3A_591, %get3A_592] {strides = array<i32>} : memref<4x128x128xf32, #tpu.memory_space<vmem>>, vector<1x1x16xf32>,
        %get3A_594 = vector.shape_cast %get3A_593 : vector<1x1x16xf32> to vector<16xf32>
        %mul3A_595 = arith.constant 8.000000e+00 : f32
        %mul3A_596 = vector.broadcast %mul3A_595 : f32 to vector<16xf32>
        %mul3A_597 = arith.mulf %get3A_594, %mul3A_596 : vector<16xf32>
        %add3A_598 = arith.constant 48 : i32
        %add3A_599 = arith.addi %mul3A_519, %add3A_598 : i32
        %get3A_600 = arith.index_cast %select_n3A_501 : i32 to index
        %get3A_601 = arith.index_cast %add3A_599 : i32 to index
        %get3A_602 = tpu.vector_load %arg7[%get3A_600, %get3A_601] {strides = array<i32>} : memref<164x128xf32, #tpu.memory_space<vmem>>, vector<1x16xf32>,
        %get3A_603 = vector.shape_cast %get3A_602 : vector<1x16xf32> to vector<16xf32>
        %add3A_604 = arith.addf %mul3A_597, %get3A_603 : vector<16xf32>
        %swap3A_605 = arith.constant 0 : i32
        %swap3A_606 = arith.index_cast %swap3A_605 : i32 to index
        %swap3A_607 = arith.index_cast %scan3A_476 : i32 to index
        %swap3A_608 = arith.constant 48 : index
        %swap3A_609 = tpu.vector_load %arg8[%swap3A_606, %swap3A_607, %swap3A_608] {strides = array<i32>} : memref<4x128x128xf32, #tpu.memory_space<vmem>>, vector<1x1x16xf32>,
        %swap3A_610 = vector.shape_cast %swap3A_609 : vector<1x1x16xf32> to vector<16xf32>
        %swap3A_611 = vector.shape_cast %add3A_604 : vector<16xf32> to vector<1x1x16xf32>
        tpu.vector_store %arg8[%swap3A_606, %swap3A_607, %swap3A_608], %swap3A_611 {strides = array<i32>} : memref<4x128x128xf32, #tpu.memory_space<vmem>>, vector<1x1x16xf32>,
        %scan3A_612 = arith.constant 2 : i32
        %scan3A_613 = arith.addi %scan3A_349, %scan3A_612 : i32
        %add3A_614 = arith.addi %rem3A_162, %scan3A_613 : i32
        %jit3A_615 = arith.constant 2 : i32
        %div3A_616 = arith.divsi %add3A_614, %jit3A_615 : i32
        %sign3A_617 = arith.constant 0 : i32
        %sign3A_618 = arith.cmpi sgt, %add3A_614, %sign3A_617 : i32
        %sign3A_619 = arith.extui %sign3A_618 : i1 to i32
        %sign3A_620 = arith.constant 0 : i32
        %sign3A_621 = arith.cmpi slt, %add3A_614, %sign3A_620 : i32
        %sign3A_622 = arith.extui %sign3A_621 : i1 to i32
        %sign3A_623 = arith.subi %sign3A_619, %sign3A_622 : i32
        %sign3A_624 = arith.constant 0 : i32
        %sign3A_625 = arith.cmpi sgt, %jit3A_615, %sign3A_624 : i32
        %sign3A_626 = arith.extui %sign3A_625 : i1 to i32
        %sign3A_627 = arith.constant 0 : i32
        %sign3A_628 = arith.cmpi slt, %jit3A_615, %sign3A_627 : i32
        %sign3A_629 = arith.extui %sign3A_628 : i1 to i32
        %sign3A_630 = arith.subi %sign3A_626, %sign3A_629 : i32
        %ne3A_631 = arith.cmpi ne, %sign3A_623, %sign3A_630 : i32
        %rem3A_632 = arith.remsi %add3A_614, %jit3A_615 : i32
        %ne3A_633 = arith.constant 0 : i32
        %ne3A_634 = arith.cmpi ne, %rem3A_632, %ne3A_633 : i32
        %and3A_635 = arith.andi %ne3A_631, %ne3A_634 : i1
        %sub3A_636 = arith.constant 1 : i32
        %sub3A_637 = arith.subi %div3A_616, %sub3A_636 : i32
        %select_n3A_638 = arith.select %and3A_635, %sub3A_637, %div3A_616 : i32
        %jit3A_639 = arith.constant 2 : i32
        %eq3A_640 = arith.constant 0 : i32
        %eq3A_641 = arith.cmpi eq, %jit3A_639, %eq3A_640 : i32
        %jit3A_642 = arith.constant 1 : i32
        %select_n3A_643 = arith.select %eq3A_641, %jit3A_642, %jit3A_639 : i32
        %rem3A_644 = arith.remsi %add3A_614, %select_n3A_643 : i32
        %ne3A_645 = arith.constant 0 : i32
        %ne3A_646 = arith.cmpi ne, %rem3A_644, %ne3A_645 : i32
        %lt3A_647 = arith.constant 0 : i32
        %lt3A_648 = arith.cmpi slt, %rem3A_644, %lt3A_647 : i32
        %lt3A_649 = arith.constant 0 : i32
        %lt3A_650 = arith.cmpi slt, %select_n3A_643, %lt3A_649 : i32
        %ne3A_651 = arith.xori %lt3A_648, %lt3A_650 : i1
        %and3A_652 = arith.andi %ne3A_651, %ne3A_646 : i1
        %add3A_653 = arith.addi %rem3A_644, %select_n3A_643 : i32
        %select_n3A_654 = arith.select %and3A_652, %add3A_653, %rem3A_644 : i32
        %mul3A_655 = arith.constant 64 : i32
        %mul3A_656 = arith.muli %select_n3A_654, %mul3A_655 : i32
        %get3A_657 = arith.constant 0 : i32
        %get3A_658 = arith.index_cast %get3A_657 : i32 to index
        %get3A_659 = arith.index_cast %scan3A_613 : i32 to index
        %get3A_660 = arith.constant 0 : index
        %get3A_661 = tpu.vector_load %arg8[%get3A_658, %get3A_659, %get3A_660] {strides = array<i32>} : memref<4x128x128xf32, #tpu.memory_space<vmem>>, vector<1x1x16xf32>,
        %get3A_662 = vector.shape_cast %get3A_661 : vector<1x1x16xf32> to vector<16xf32>
        %mul3A_663 = arith.constant 8.000000e+00 : f32
        %mul3A_664 = vector.broadcast %mul3A_663 : f32 to vector<16xf32>
        %mul3A_665 = arith.mulf %get3A_662, %mul3A_664 : vector<16xf32>
        %add3A_666 = arith.constant 0 : i32
        %add3A_667 = arith.addi %mul3A_656, %add3A_666 : i32
        %get3A_668 = arith.index_cast %select_n3A_638 : i32 to index
        %get3A_669 = arith.index_cast %add3A_667 : i32 to index
        %get3A_670 = tpu.vector_load %arg7[%get3A_668, %get3A_669] {strides = array<i32>} : memref<164x128xf32, #tpu.memory_space<vmem>>, vector<1x16xf32>,
        %get3A_671 = vector.shape_cast %get3A_670 : vector<1x16xf32> to vector<16xf32>
        %add3A_672 = arith.addf %mul3A_665, %get3A_671 : vector<16xf32>
        %swap3A_673 = arith.constant 0 : i32
        %swap3A_674 = arith.index_cast %swap3A_673 : i32 to index
        %swap3A_675 = arith.index_cast %scan3A_613 : i32 to index
        %swap3A_676 = arith.constant 0 : index
        %swap3A_677 = tpu.vector_load %arg8[%swap3A_674, %swap3A_675, %swap3A_676] {strides = array<i32>} : memref<4x128x128xf32, #tpu.memory_space<vmem>>, vector<1x1x16xf32>,
        %swap3A_678 = vector.shape_cast %swap3A_677 : vector<1x1x16xf32> to vector<16xf32>
        %swap3A_679 = vector.shape_cast %add3A_672 : vector<16xf32> to vector<1x1x16xf32>
        tpu.vector_store %arg8[%swap3A_674, %swap3A_675, %swap3A_676], %swap3A_679 {strides = array<i32>} : memref<4x128x128xf32, #tpu.memory_space<vmem>>, vector<1x1x16xf32>,
        %get3A_680 = arith.constant 0 : i32
        %get3A_681 = arith.index_cast %get3A_680 : i32 to index
        %get3A_682 = arith.index_cast %scan3A_613 : i32 to index
        %get3A_683 = arith.constant 16 : index
        %get3A_684 = tpu.vector_load %arg8[%get3A_681, %get3A_682, %get3A_683] {strides = array<i32>} : memref<4x128x128xf32, #tpu.memory_space<vmem>>, vector<1x1x16xf32>,
        %get3A_685 = vector.shape_cast %get3A_684 : vector<1x1x16xf32> to vector<16xf32>
        %mul3A_686 = arith.constant 8.000000e+00 : f32
        %mul3A_687 = vector.broadcast %mul3A_686 : f32 to vector<16xf32>
        %mul3A_688 = arith.mulf %get3A_685, %mul3A_687 : vector<16xf32>
        %add3A_689 = arith.constant 16 : i32
        %add3A_690 = arith.addi %mul3A_656, %add3A_689 : i32
        %get3A_691 = arith.index_cast %select_n3A_638 : i32 to index
        %get3A_692 = arith.index_cast %add3A_690 : i32 to index
        %get3A_693 = tpu.vector_load %arg7[%get3A_691, %get3A_692] {strides = array<i32>} : memref<164x128xf32, #tpu.memory_space<vmem>>, vector<1x16xf32>,
        %get3A_694 = vector.shape_cast %get3A_693 : vector<1x16xf32> to vector<16xf32>
        %add3A_695 = arith.addf %mul3A_688, %get3A_694 : vector<16xf32>
        %swap3A_696 = arith.constant 0 : i32
        %swap3A_697 = arith.index_cast %swap3A_696 : i32 to index
        %swap3A_698 = arith.index_cast %scan3A_613 : i32 to index
        %swap3A_699 = arith.constant 16 : index
        %swap3A_700 = tpu.vector_load %arg8[%swap3A_697, %swap3A_698, %swap3A_699] {strides = array<i32>} : memref<4x128x128xf32, #tpu.memory_space<vmem>>, vector<1x1x16xf32>,
        %swap3A_701 = vector.shape_cast %swap3A_700 : vector<1x1x16xf32> to vector<16xf32>
        %swap3A_702 = vector.shape_cast %add3A_695 : vector<16xf32> to vector<1x1x16xf32>
        tpu.vector_store %arg8[%swap3A_697, %swap3A_698, %swap3A_699], %swap3A_702 {strides = array<i32>} : memref<4x128x128xf32, #tpu.memory_space<vmem>>, vector<1x1x16xf32>,
        %get3A_703 = arith.constant 0 : i32
        %get3A_704 = arith.index_cast %get3A_703 : i32 to index
        %get3A_705 = arith.index_cast %scan3A_613 : i32 to index
        %get3A_706 = arith.constant 32 : index
        %get3A_707 = tpu.vector_load %arg8[%get3A_704, %get3A_705, %get3A_706] {strides = array<i32>} : memref<4x128x128xf32, #tpu.memory_space<vmem>>, vector<1x1x16xf32>,
        %get3A_708 = vector.shape_cast %get3A_707 : vector<1x1x16xf32> to vector<16xf32>
        %mul3A_709 = arith.constant 8.000000e+00 : f32
        %mul3A_710 = vector.broadcast %mul3A_709 : f32 to vector<16xf32>
        %mul3A_711 = arith.mulf %get3A_708, %mul3A_710 : vector<16xf32>
        %add3A_712 = arith.constant 32 : i32
        %add3A_713 = arith.addi %mul3A_656, %add3A_712 : i32
        %get3A_714 = arith.index_cast %select_n3A_638 : i32 to index
        %get3A_715 = arith.index_cast %add3A_713 : i32 to index
        %get3A_716 = tpu.vector_load %arg7[%get3A_714, %get3A_715] {strides = array<i32>} : memref<164x128xf32, #tpu.memory_space<vmem>>, vector<1x16xf32>,
        %get3A_717 = vector.shape_cast %get3A_716 : vector<1x16xf32> to vector<16xf32>
        %add3A_718 = arith.addf %mul3A_711, %get3A_717 : vector<16xf32>
        %swap3A_719 = arith.constant 0 : i32
        %swap3A_720 = arith.index_cast %swap3A_719 : i32 to index
        %swap3A_721 = arith.index_cast %scan3A_613 : i32 to index
        %swap3A_722 = arith.constant 32 : index
        %swap3A_723 = tpu.vector_load %arg8[%swap3A_720, %swap3A_721, %swap3A_722] {strides = array<i32>} : memref<4x128x128xf32, #tpu.memory_space<vmem>>, vector<1x1x16xf32>,
        %swap3A_724 = vector.shape_cast %swap3A_723 : vector<1x1x16xf32> to vector<16xf32>
        %swap3A_725 = vector.shape_cast %add3A_718 : vector<16xf32> to vector<1x1x16xf32>
        tpu.vector_store %arg8[%swap3A_720, %swap3A_721, %swap3A_722], %swap3A_725 {strides = array<i32>} : memref<4x128x128xf32, #tpu.memory_space<vmem>>, vector<1x1x16xf32>,
        %get3A_726 = arith.constant 0 : i32
        %get3A_727 = arith.index_cast %get3A_726 : i32 to index
        %get3A_728 = arith.index_cast %scan3A_613 : i32 to index
        %get3A_729 = arith.constant 48 : index
        %get3A_730 = tpu.vector_load %arg8[%get3A_727, %get3A_728, %get3A_729] {strides = array<i32>} : memref<4x128x128xf32, #tpu.memory_space<vmem>>, vector<1x1x16xf32>,
        %get3A_731 = vector.shape_cast %get3A_730 : vector<1x1x16xf32> to vector<16xf32>
        %mul3A_732 = arith.constant 8.000000e+00 : f32
        %mul3A_733 = vector.broadcast %mul3A_732 : f32 to vector<16xf32>
        %mul3A_734 = arith.mulf %get3A_731, %mul3A_733 : vector<16xf32>
        %add3A_735 = arith.constant 48 : i32
        %add3A_736 = arith.addi %mul3A_656, %add3A_735 : i32
        %get3A_737 = arith.index_cast %select_n3A_638 : i32 to index
        %get3A_738 = arith.index_cast %add3A_736 : i32 to index
        %get3A_739 = tpu.vector_load %arg7[%get3A_737, %get3A_738] {strides = array<i32>} : memref<164x128xf32, #tpu.memory_space<vmem>>, vector<1x16xf32>,
        %get3A_740 = vector.shape_cast %get3A_739 : vector<1x16xf32> to vector<16xf32>
        %add3A_741 = arith.addf %mul3A_734, %get3A_740 : vector<16xf32>
        %swap3A_742 = arith.constant 0 : i32
        %swap3A_743 = arith.index_cast %swap3A_742 : i32 to index
        %swap3A_744 = arith.index_cast %scan3A_613 : i32 to index
        %swap3A_745 = arith.constant 48 : index
        %swap3A_746 = tpu.vector_load %arg8[%swap3A_743, %swap3A_744, %swap3A_745] {strides = array<i32>} : memref<4x128x128xf32, #tpu.memory_space<vmem>>, vector<1x1x16xf32>,
        %swap3A_747 = vector.shape_cast %swap3A_746 : vector<1x1x16xf32> to vector<16xf32>
        %swap3A_748 = vector.shape_cast %add3A_741 : vector<16xf32> to vector<1x1x16xf32>
        tpu.vector_store %arg8[%swap3A_743, %swap3A_744, %swap3A_745], %swap3A_748 {strides = array<i32>} : memref<4x128x128xf32, #tpu.memory_space<vmem>>, vector<1x1x16xf32>,
        %scan3A_749 = arith.constant 3 : i32
        %scan3A_750 = arith.addi %scan3A_349, %scan3A_749 : i32
        %add3A_751 = arith.addi %rem3A_162, %scan3A_750 : i32
        %jit3A_752 = arith.constant 2 : i32
        %div3A_753 = arith.divsi %add3A_751, %jit3A_752 : i32
        %sign3A_754 = arith.constant 0 : i32
        %sign3A_755 = arith.cmpi sgt, %add3A_751, %sign3A_754 : i32
        %sign3A_756 = arith.extui %sign3A_755 : i1 to i32
        %sign3A_757 = arith.constant 0 : i32
        %sign3A_758 = arith.cmpi slt, %add3A_751, %sign3A_757 : i32
        %sign3A_759 = arith.extui %sign3A_758 : i1 to i32
        %sign3A_760 = arith.subi %sign3A_756, %sign3A_759 : i32
        %sign3A_761 = arith.constant 0 : i32
        %sign3A_762 = arith.cmpi sgt, %jit3A_752, %sign3A_761 : i32
        %sign3A_763 = arith.extui %sign3A_762 : i1 to i32
        %sign3A_764 = arith.constant 0 : i32
        %sign3A_765 = arith.cmpi slt, %jit3A_752, %sign3A_764 : i32
        %sign3A_766 = arith.extui %sign3A_765 : i1 to i32
        %sign3A_767 = arith.subi %sign3A_763, %sign3A_766 : i32
        %ne3A_768 = arith.cmpi ne, %sign3A_760, %sign3A_767 : i32
        %rem3A_769 = arith.remsi %add3A_751, %jit3A_752 : i32
        %ne3A_770 = arith.constant 0 : i32
        %ne3A_771 = arith.cmpi ne, %rem3A_769, %ne3A_770 : i32
        %and3A_772 = arith.andi %ne3A_768, %ne3A_771 : i1
        %sub3A_773 = arith.constant 1 : i32
        %sub3A_774 = arith.subi %div3A_753, %sub3A_773 : i32
        %select_n3A_775 = arith.select %and3A_772, %sub3A_774, %div3A_753 : i32
        %jit3A_776 = arith.constant 2 : i32
        %eq3A_777 = arith.constant 0 : i32
        %eq3A_778 = arith.cmpi eq, %jit3A_776, %eq3A_777 : i32
        %jit3A_779 = arith.constant 1 : i32
        %select_n3A_780 = arith.select %eq3A_778, %jit3A_779, %jit3A_776 : i32
        %rem3A_781 = arith.remsi %add3A_751, %select_n3A_780 : i32
        %ne3A_782 = arith.constant 0 : i32
        %ne3A_783 = arith.cmpi ne, %rem3A_781, %ne3A_782 : i32
        %lt3A_784 = arith.constant 0 : i32
        %lt3A_785 = arith.cmpi slt, %rem3A_781, %lt3A_784 : i32
        %lt3A_786 = arith.constant 0 : i32
        %lt3A_787 = arith.cmpi slt, %select_n3A_780, %lt3A_786 : i32
        %ne3A_788 = arith.xori %lt3A_785, %lt3A_787 : i1
        %and3A_789 = arith.andi %ne3A_788, %ne3A_783 : i1
        %add3A_790 = arith.addi %rem3A_781, %select_n3A_780 : i32
        %select_n3A_791 = arith.select %and3A_789, %add3A_790, %rem3A_781 : i32
        %mul3A_792 = arith.constant 64 : i32
        %mul3A_793 = arith.muli %select_n3A_791, %mul3A_792 : i32
        %get3A_794 = arith.constant 0 : i32
        %get3A_795 = arith.index_cast %get3A_794 : i32 to index
        %get3A_796 = arith.index_cast %scan3A_750 : i32 to index
        %get3A_797 = arith.constant 0 : index
        %get3A_798 = tpu.vector_load %arg8[%get3A_795, %get3A_796, %get3A_797] {strides = array<i32>} : memref<4x128x128xf32, #tpu.memory_space<vmem>>, vector<1x1x16xf32>,
        %get3A_799 = vector.shape_cast %get3A_798 : vector<1x1x16xf32> to vector<16xf32>
        %mul3A_800 = arith.constant 8.000000e+00 : f32
        %mul3A_801 = vector.broadcast %mul3A_800 : f32 to vector<16xf32>
        %mul3A_802 = arith.mulf %get3A_799, %mul3A_801 : vector<16xf32>
        %add3A_803 = arith.constant 0 : i32
        %add3A_804 = arith.addi %mul3A_793, %add3A_803 : i32
        %get3A_805 = arith.index_cast %select_n3A_775 : i32 to index
        %get3A_806 = arith.index_cast %add3A_804 : i32 to index
        %get3A_807 = tpu.vector_load %arg7[%get3A_805, %get3A_806] {strides = array<i32>} : memref<164x128xf32, #tpu.memory_space<vmem>>, vector<1x16xf32>,
        %get3A_808 = vector.shape_cast %get3A_807 : vector<1x16xf32> to vector<16xf32>
        %add3A_809 = arith.addf %mul3A_802, %get3A_808 : vector<16xf32>
        %swap3A_810 = arith.constant 0 : i32
        %swap3A_811 = arith.index_cast %swap3A_810 : i32 to index
        %swap3A_812 = arith.index_cast %scan3A_750 : i32 to index
        %swap3A_813 = arith.constant 0 : index
        %swap3A_814 = tpu.vector_load %arg8[%swap3A_811, %swap3A_812, %swap3A_813] {strides = array<i32>} : memref<4x128x128xf32, #tpu.memory_space<vmem>>, vector<1x1x16xf32>,
        %swap3A_815 = vector.shape_cast %swap3A_814 : vector<1x1x16xf32> to vector<16xf32>
        %swap3A_816 = vector.shape_cast %add3A_809 : vector<16xf32> to vector<1x1x16xf32>
        tpu.vector_store %arg8[%swap3A_811, %swap3A_812, %swap3A_813], %swap3A_816 {strides = array<i32>} : memref<4x128x128xf32, #tpu.memory_space<vmem>>, vector<1x1x16xf32>,
        %get3A_817 = arith.constant 0 : i32
        %get3A_818 = arith.index_cast %get3A_817 : i32 to index
        %get3A_819 = arith.index_cast %scan3A_750 : i32 to index
        %get3A_820 = arith.constant 16 : index
        %get3A_821 = tpu.vector_load %arg8[%get3A_818, %get3A_819, %get3A_820] {strides = array<i32>} : memref<4x128x128xf32, #tpu.memory_space<vmem>>, vector<1x1x16xf32>,
        %get3A_822 = vector.shape_cast %get3A_821 : vector<1x1x16xf32> to vector<16xf32>
        %mul3A_823 = arith.constant 8.000000e+00 : f32
        %mul3A_824 = vector.broadcast %mul3A_823 : f32 to vector<16xf32>
        %mul3A_825 = arith.mulf %get3A_822, %mul3A_824 : vector<16xf32>
        %add3A_826 = arith.constant 16 : i32
        %add3A_827 = arith.addi %mul3A_793, %add3A_826 : i32
        %get3A_828 = arith.index_cast %select_n3A_775 : i32 to index
        %get3A_829 = arith.index_cast %add3A_827 : i32 to index
        %get3A_830 = tpu.vector_load %arg7[%get3A_828, %get3A_829] {strides = array<i32>} : memref<164x128xf32, #tpu.memory_space<vmem>>, vector<1x16xf32>,
        %get3A_831 = vector.shape_cast %get3A_830 : vector<1x16xf32> to vector<16xf32>
        %add3A_832 = arith.addf %mul3A_825, %get3A_831 : vector<16xf32>
        %swap3A_833 = arith.constant 0 : i32
        %swap3A_834 = arith.index_cast %swap3A_833 : i32 to index
        %swap3A_835 = arith.index_cast %scan3A_750 : i32 to index
        %swap3A_836 = arith.constant 16 : index
        %swap3A_837 = tpu.vector_load %arg8[%swap3A_834, %swap3A_835, %swap3A_836] {strides = array<i32>} : memref<4x128x128xf32, #tpu.memory_space<vmem>>, vector<1x1x16xf32>,
        %swap3A_838 = vector.shape_cast %swap3A_837 : vector<1x1x16xf32> to vector<16xf32>
        %swap3A_839 = vector.shape_cast %add3A_832 : vector<16xf32> to vector<1x1x16xf32>
        tpu.vector_store %arg8[%swap3A_834, %swap3A_835, %swap3A_836], %swap3A_839 {strides = array<i32>} : memref<4x128x128xf32, #tpu.memory_space<vmem>>, vector<1x1x16xf32>,
        %get3A_840 = arith.constant 0 : i32
        %get3A_841 = arith.index_cast %get3A_840 : i32 to index
        %get3A_842 = arith.index_cast %scan3A_750 : i32 to index
        %get3A_843 = arith.constant 32 : index
        %get3A_844 = tpu.vector_load %arg8[%get3A_841, %get3A_842, %get3A_843] {strides = array<i32>} : memref<4x128x128xf32, #tpu.memory_space<vmem>>, vector<1x1x16xf32>,
        %get3A_845 = vector.shape_cast %get3A_844 : vector<1x1x16xf32> to vector<16xf32>
        %mul3A_846 = arith.constant 8.000000e+00 : f32
        %mul3A_847 = vector.broadcast %mul3A_846 : f32 to vector<16xf32>
        %mul3A_848 = arith.mulf %get3A_845, %mul3A_847 : vector<16xf32>
        %add3A_849 = arith.constant 32 : i32
        %add3A_850 = arith.addi %mul3A_793, %add3A_849 : i32
        %get3A_851 = arith.index_cast %select_n3A_775 : i32 to index
        %get3A_852 = arith.index_cast %add3A_850 : i32 to index
        %get3A_853 = tpu.vector_load %arg7[%get3A_851, %get3A_852] {strides = array<i32>} : memref<164x128xf32, #tpu.memory_space<vmem>>, vector<1x16xf32>,
        %get3A_854 = vector.shape_cast %get3A_853 : vector<1x16xf32> to vector<16xf32>
        %add3A_855 = arith.addf %mul3A_848, %get3A_854 : vector<16xf32>
        %swap3A_856 = arith.constant 0 : i32
        %swap3A_857 = arith.index_cast %swap3A_856 : i32 to index
        %swap3A_858 = arith.index_cast %scan3A_750 : i32 to index
        %swap3A_859 = arith.constant 32 : index
        %swap3A_860 = tpu.vector_load %arg8[%swap3A_857, %swap3A_858, %swap3A_859] {strides = array<i32>} : memref<4x128x128xf32, #tpu.memory_space<vmem>>, vector<1x1x16xf32>,
        %swap3A_861 = vector.shape_cast %swap3A_860 : vector<1x1x16xf32> to vector<16xf32>
        %swap3A_862 = vector.shape_cast %add3A_855 : vector<16xf32> to vector<1x1x16xf32>
        tpu.vector_store %arg8[%swap3A_857, %swap3A_858, %swap3A_859], %swap3A_862 {strides = array<i32>} : memref<4x128x128xf32, #tpu.memory_space<vmem>>, vector<1x1x16xf32>,
        %get3A_863 = arith.constant 0 : i32
        %get3A_864 = arith.index_cast %get3A_863 : i32 to index
        %get3A_865 = arith.index_cast %scan3A_750 : i32 to index
        %get3A_866 = arith.constant 48 : index
        %get3A_867 = tpu.vector_load %arg8[%get3A_864, %get3A_865, %get3A_866] {strides = array<i32>} : memref<4x128x128xf32, #tpu.memory_space<vmem>>, vector<1x1x16xf32>,
        %get3A_868 = vector.shape_cast %get3A_867 : vector<1x1x16xf32> to vector<16xf32>
        %mul3A_869 = arith.constant 8.000000e+00 : f32
        %mul3A_870 = vector.broadcast %mul3A_869 : f32 to vector<16xf32>
        %mul3A_871 = arith.mulf %get3A_868, %mul3A_870 : vector<16xf32>
        %add3A_872 = arith.constant 48 : i32
        %add3A_873 = arith.addi %mul3A_793, %add3A_872 : i32
        %get3A_874 = arith.index_cast %select_n3A_775 : i32 to index
        %get3A_875 = arith.index_cast %add3A_873 : i32 to index
        %get3A_876 = tpu.vector_load %arg7[%get3A_874, %get3A_875] {strides = array<i32>} : memref<164x128xf32, #tpu.memory_space<vmem>>, vector<1x16xf32>,
        %get3A_877 = vector.shape_cast %get3A_876 : vector<1x16xf32> to vector<16xf32>
        %add3A_878 = arith.addf %mul3A_871, %get3A_877 : vector<16xf32>
        %swap3A_879 = arith.constant 0 : i32
        %swap3A_880 = arith.index_cast %swap3A_879 : i32 to index
        %swap3A_881 = arith.index_cast %scan3A_750 : i32 to index
        %swap3A_882 = arith.constant 48 : index
        %swap3A_883 = tpu.vector_load %arg8[%swap3A_880, %swap3A_881, %swap3A_882] {strides = array<i32>} : memref<4x128x128xf32, #tpu.memory_space<vmem>>, vector<1x1x16xf32>,
        %swap3A_884 = vector.shape_cast %swap3A_883 : vector<1x1x16xf32> to vector<16xf32>
        %swap3A_885 = vector.shape_cast %add3A_878 : vector<16xf32> to vector<1x1x16xf32>
        tpu.vector_store %arg8[%swap3A_880, %swap3A_881, %swap3A_882], %swap3A_885 {strides = array<i32>} : memref<4x128x128xf32, #tpu.memory_space<vmem>>, vector<1x1x16xf32>,
      }
      %scan3A_168 = arith.constant 128 : i32
      %mul3A_169 = arith.constant 128 : i32
      %mul3A_170 = arith.muli %add3A_127, %mul3A_169 : i32
      %add3A_171 = arith.addi %mul3A_2, %mul3A_170 : i32
      %dma_start3A_172 = arith.constant 0 : i32
      %dma_start3A_173 = arith.constant 0 : i32
      %dma_start3A_174 = arith.constant 0 : i32
      %dma_start3A_175 = arith.constant 0 : i32
      %dma_start3A_176 = tpu.memref_slice %arg8[%dma_start3A_172, %dma_start3A_174, %dma_start3A_175] : memref<4x128x128xf32, #tpu.memory_space<vmem>> -> memref<1x128x128xf32, #tpu.memory_space<vmem>>
      %dma_start3A_177 = tpu.memref_squeeze %dma_start3A_176 : memref<1x128x128xf32, #tpu.memory_space<vmem>> -> memref<128x128xf32, #tpu.memory_space<vmem>>
      %dma_start3A_178 = arith.constant 0 : i32
      %dma_start3A_179 = tpu.memref_slice %arg5[%add3A_171, %dma_start3A_178] : memref<819200x128xf32, #tpu.memory_space<hbm>> -> memref<128x128xf32, #tpu.memory_space<hbm>>
      %dma_start3A_180 = tpu.memref_slice %arg10[%dma_start3A_173] : memref<4x!tpu.dma_semaphore, #tpu.memory_space<semaphore_mem>> -> memref<1x!tpu.dma_semaphore, #tpu.memory_space<semaphore_mem>>
      %dma_start3A_181 = tpu.memref_squeeze %dma_start3A_180 : memref<1x!tpu.dma_semaphore, #tpu.memory_space<semaphore_mem>> -> memref<!tpu.dma_semaphore, #tpu.memory_space<semaphore_mem>>
      %dma_start3A_182 = arith.constant 0 : i32
      %dma_start3A_183 = tpu.memref_slice %arg5[%add3A_171, %dma_start3A_182] : memref<819200x128xf32, #tpu.memory_space<hbm>> -> memref<128x128xf32, #tpu.memory_space<hbm>>
      %dma_start3A_184 = arith.constant 0 : i32
      %dma_start3A_185 = arith.constant 0 : i32
      %dma_start3A_186 = tpu.memref_slice %arg8[%dma_start3A_172, %dma_start3A_184, %dma_start3A_185] : memref<4x128x128xf32, #tpu.memory_space<vmem>> -> memref<1x128x128xf32, #tpu.memory_space<vmem>>
      %dma_start3A_187 = tpu.memref_squeeze %dma_start3A_186 : memref<1x128x128xf32, #tpu.memory_space<vmem>> -> memref<128x128xf32, #tpu.memory_space<vmem>>
      tpu.enqueue_dma source(%dma_start3A_187 : memref<128x128xf32, #tpu.memory_space<vmem>>) target(%dma_start3A_183 : memref<128x128xf32, #tpu.memory_space<hbm>>) target_semaphore(%dma_start3A_181 : memref<!tpu.dma_semaphore, #tpu.memory_space<semaphore_mem>>)
      %mul3A_188 = arith.constant 4 : i32
      %mul3A_189 = arith.muli %scan3A_123, %mul3A_188 : i32
      %add3A_190 = arith.constant 1 : i32
      %add3A_191 = arith.addi %mul3A_189, %add3A_190 : i32
      %add3A_192 = arith.constant 3 : i32
      %add3A_193 = arith.addi %add3A_191, %add3A_192 : i32
      %lt3A = arith.constant 200 : i32
      %lt3A_194 = arith.cmpi slt, %add3A_193, %lt3A : i32
      %convert_element_type3A_195 = arith.extui %lt3A_194 : i1 to i32
      %cond3A_196 = arith.constant 0 : i32
      %cond3A_197 = arith.cmpi ne, %convert_element_type3A_195, %cond3A_196 : i32
      scf.if %cond3A_197 {
        %sub3A = arith.constant 1 : i32
        %sub3A_349 = arith.subi %add3A_191, %sub3A : i32
        %mul3A_350 = arith.constant 128 : i32
        %mul3A_351 = arith.muli %sub3A_349, %mul3A_350 : i32
        %add3A_352 = arith.addi %mul3A_2, %mul3A_351 : i32
        %dma_wait3A_353 = arith.constant 0 : i32
        %dma_wait3A_354 = arith.constant 0 : i32
        %dma_wait3A_355 = arith.constant 0 : i32
        %dma_wait3A_356 = arith.constant 0 : i32
        %dma_wait3A_357 = tpu.memref_slice %arg8[%dma_wait3A_353, %dma_wait3A_355, %dma_wait3A_356] : memref<4x128x128xf32, #tpu.memory_space<vmem>> -> memref<1x128x128xf32, #tpu.memory_space<vmem>>
        %dma_wait3A_358 = tpu.memref_squeeze %dma_wait3A_357 : memref<1x128x128xf32, #tpu.memory_space<vmem>> -> memref<128x128xf32, #tpu.memory_space<vmem>>
        %dma_wait3A_359 = arith.constant 0 : i32
        %dma_wait3A_360 = tpu.memref_slice %arg5[%add3A_352, %dma_wait3A_359] : memref<819200x128xf32, #tpu.memory_space<hbm>> -> memref<128x128xf32, #tpu.memory_space<hbm>>
        %dma_wait3A_361 = tpu.memref_slice %arg10[%dma_wait3A_354] : memref<4x!tpu.dma_semaphore, #tpu.memory_space<semaphore_mem>> -> memref<1x!tpu.dma_semaphore, #tpu.memory_space<semaphore_mem>>
        %dma_wait3A_362 = tpu.memref_squeeze %dma_wait3A_361 : memref<1x!tpu.dma_semaphore, #tpu.memory_space<semaphore_mem>> -> memref<!tpu.dma_semaphore, #tpu.memory_space<semaphore_mem>>
        %dma_wait3A_363 = arith.constant 0 : i32
        %dma_wait3A_364 = tpu.memref_slice %arg5[%add3A_352, %dma_wait3A_363] : memref<819200x128xf32, #tpu.memory_space<hbm>> -> memref<128x128xf32, #tpu.memory_space<hbm>>
        %dma_wait3A_365 = arith.constant 0 : i32
        %dma_wait3A_366 = arith.constant 0 : i32
        %dma_wait3A_367 = tpu.memref_slice %arg8[%dma_wait3A_353, %dma_wait3A_365, %dma_wait3A_366] : memref<4x128x128xf32, #tpu.memory_space<vmem>> -> memref<1x128x128xf32, #tpu.memory_space<vmem>>
        %dma_wait3A_368 = tpu.memref_squeeze %dma_wait3A_367 : memref<1x128x128xf32, #tpu.memory_space<vmem>> -> memref<128x128xf32, #tpu.memory_space<vmem>>
        tpu.wait_dma2 semaphore(%dma_wait3A_362 : memref<!tpu.dma_semaphore, #tpu.memory_space<semaphore_mem>>) src(%dma_wait3A_368 : memref<128x128xf32, #tpu.memory_space<vmem>>) dst(%dma_wait3A_364 : memref<128x128xf32, #tpu.memory_space<hbm>>)
        %dma_start3A_369 = arith.constant 0 : i32
        %dma_start3A_370 = arith.constant 0 : i32
        %dma_start3A_371 = arith.constant 0 : i32
        %dma_start3A_372 = arith.constant 0 : i32
        %dma_start3A_373 = tpu.memref_slice %arg8[%dma_start3A_369, %dma_start3A_371, %dma_start3A_372] : memref<4x128x128xf32, #tpu.memory_space<vmem>> -> memref<1x128x128xf32, #tpu.memory_space<vmem>>
        %dma_start3A_374 = tpu.memref_squeeze %dma_start3A_373 : memref<1x128x128xf32, #tpu.memory_space<vmem>> -> memref<128x128xf32, #tpu.memory_space<vmem>>
        %dma_start3A_375 = arith.constant 0 : i32
        %dma_start3A_376 = tpu.memref_slice %arg6[%add3A_193, %dma_start3A_375] : memref<200x128xi32, #tpu.memory_space<vmem>> -> memref<1x128xi32, #tpu.memory_space<vmem>>
        %dma_start3A_377 = tpu.memref_squeeze %dma_start3A_376 : memref<1x128xi32, #tpu.memory_space<vmem>> -> memref<128xi32, #tpu.memory_space<vmem>>
        %dma_start3A_378 = arith.constant 0 : i32
        %dma_start3A_379 = arith.constant 0 : i32
        %dma_start3A_380 = tpu.memref_slice %arg3[%dma_start3A_378, %dma_start3A_379] : memref<1000000x128xf32, #tpu.memory_space<hbm>> -> memref<1000000x128xf32, #tpu.memory_space<hbm>>
        %dma_start3A_381 = tpu.memref_slice %arg9[%dma_start3A_370] : memref<4x!tpu.dma_semaphore, #tpu.memory_space<semaphore_mem>> -> memref<1x!tpu.dma_semaphore, #tpu.memory_space<semaphore_mem>>
        %dma_start3A_382 = tpu.memref_squeeze %dma_start3A_381 : memref<1x!tpu.dma_semaphore, #tpu.memory_space<semaphore_mem>> -> memref<!tpu.dma_semaphore, #tpu.memory_space<semaphore_mem>>
        tpu.enqueue_indirect_dma source(%dma_start3A_380 : memref<1000000x128xf32, #tpu.memory_space<hbm>>) target(%dma_start3A_374 : memref<128x128xf32, #tpu.memory_space<vmem>>) offsets(%dma_start3A_377 : memref<128xi32, #tpu.memory_space<vmem>>) semaphore(%dma_start3A_382 : memref<!tpu.dma_semaphore, #tpu.memory_space<semaphore_mem>>)
      } else {
      }
      %dma_wait3A_198 = arith.constant 1 : i32
      %dma_wait3A_199 = arith.constant 1 : i32
      %dma_wait3A_200 = arith.constant 0 : i32
      %dma_wait3A_201 = arith.constant 0 : i32
      %dma_wait3A_202 = tpu.memref_slice %arg8[%dma_wait3A_198, %dma_wait3A_200, %dma_wait3A_201] : memref<4x128x128xf32, #tpu.memory_space<vmem>> -> memref<1x128x128xf32, #tpu.memory_space<vmem>>
      %dma_wait3A_203 = tpu.memref_squeeze %dma_wait3A_202 : memref<1x128x128xf32, #tpu.memory_space<vmem>> -> memref<128x128xf32, #tpu.memory_space<vmem>>
      %dma_wait3A_204 = arith.constant 0 : i32
      %dma_wait3A_205 = tpu.memref_slice %arg6[%add3A_191, %dma_wait3A_204] : memref<200x128xi32, #tpu.memory_space<vmem>> -> memref<1x128xi32, #tpu.memory_space<vmem>>
      %dma_wait3A_206 = tpu.memref_squeeze %dma_wait3A_205 : memref<1x128xi32, #tpu.memory_space<vmem>> -> memref<128xi32, #tpu.memory_space<vmem>>
      %dma_wait3A_207 = arith.constant 0 : i32
      %dma_wait3A_208 = arith.constant 0 : i32
      %dma_wait3A_209 = tpu.memref_slice %arg3[%dma_wait3A_207, %dma_wait3A_208] : memref<1000000x128xf32, #tpu.memory_space<hbm>> -> memref<1000000x128xf32, #tpu.memory_space<hbm>>
      %dma_wait3A_210 = tpu.memref_slice %arg9[%dma_wait3A_199] : memref<4x!tpu.dma_semaphore, #tpu.memory_space<semaphore_mem>> -> memref<1x!tpu.dma_semaphore, #tpu.memory_space<semaphore_mem>>
      %dma_wait3A_211 = tpu.memref_squeeze %dma_wait3A_210 : memref<1x!tpu.dma_semaphore, #tpu.memory_space<semaphore_mem>> -> memref<!tpu.dma_semaphore, #tpu.memory_space<semaphore_mem>>
      tpu.wait_indirect_dma semaphore(%dma_wait3A_211 : memref<!tpu.dma_semaphore, #tpu.memory_space<semaphore_mem>>) src(%dma_wait3A_209 : memref<1000000x128xf32, #tpu.memory_space<hbm>>) dst(%dma_wait3A_203 : memref<128x128xf32, #tpu.memory_space<vmem>>)
      %mul3A_212 = arith.constant 128 : i32
      %mul3A_213 = arith.muli %add3A_191, %mul3A_212 : i32
      %rem3A_214 = arith.constant 200 : i32
      %rem3A_215 = arith.remsi %mul3A_213, %rem3A_214 : i32
      %scan3A_216 = arith.constant 0 : i32
      %scan3A_217 = arith.constant 0 : i32
      %scan3A_218 = arith.constant 128 : i32
      %scan3A_219 = arith.addi %scan3A_217, %scan3A_218 : i32
      %scan3A_220 = arith.constant 4 : i32
      scf.for %scan3A_349 = %scan3A_217 to %scan3A_219 step %scan3A_220  : i32 {
        %add3A_350 = arith.addi %rem3A_215, %scan3A_349 : i32
        %jit3A = arith.constant 2 : i32
        %div3A = arith.divsi %add3A_350, %jit3A : i32
        %sign3A = arith.constant 0 : i32
        %sign3A_351 = arith.cmpi sgt, %add3A_350, %sign3A : i32
        %sign3A_352 = arith.extui %sign3A_351 : i1 to i32
        %sign3A_353 = arith.constant 0 : i32
        %sign3A_354 = arith.cmpi slt, %add3A_350, %sign3A_353 : i32
        %sign3A_355 = arith.extui %sign3A_354 : i1 to i32
        %sign3A_356 = arith.subi %sign3A_352, %sign3A_355 : i32
        %sign3A_357 = arith.constant 0 : i32
        %sign3A_358 = arith.cmpi sgt, %jit3A, %sign3A_357 : i32
        %sign3A_359 = arith.extui %sign3A_358 : i1 to i32
        %sign3A_360 = arith.constant 0 : i32
        %sign3A_361 = arith.cmpi slt, %jit3A, %sign3A_360 : i32
        %sign3A_362 = arith.extui %sign3A_361 : i1 to i32
        %sign3A_363 = arith.subi %sign3A_359, %sign3A_362 : i32
        %ne3A = arith.cmpi ne, %sign3A_356, %sign3A_363 : i32
        %rem3A_364 = arith.remsi %add3A_350, %jit3A : i32
        %ne3A_365 = arith.constant 0 : i32
        %ne3A_366 = arith.cmpi ne, %rem3A_364, %ne3A_365 : i32
        %and3A = arith.andi %ne3A, %ne3A_366 : i1
        %sub3A = arith.constant 1 : i32
        %sub3A_367 = arith.subi %div3A, %sub3A : i32
        %select_n3A = arith.select %and3A, %sub3A_367, %div3A : i32
        %jit3A_368 = arith.constant 2 : i32
        %eq3A = arith.constant 0 : i32
        %eq3A_369 = arith.cmpi eq, %jit3A_368, %eq3A : i32
        %jit3A_370 = arith.constant 1 : i32
        %select_n3A_371 = arith.select %eq3A_369, %jit3A_370, %jit3A_368 : i32
        %rem3A_372 = arith.remsi %add3A_350, %select_n3A_371 : i32
        %ne3A_373 = arith.constant 0 : i32
        %ne3A_374 = arith.cmpi ne, %rem3A_372, %ne3A_373 : i32
        %lt3A_375 = arith.constant 0 : i32
        %lt3A_376 = arith.cmpi slt, %rem3A_372, %lt3A_375 : i32
        %lt3A_377 = arith.constant 0 : i32
        %lt3A_378 = arith.cmpi slt, %select_n3A_371, %lt3A_377 : i32
        %ne3A_379 = arith.xori %lt3A_376, %lt3A_378 : i1
        %and3A_380 = arith.andi %ne3A_379, %ne3A_374 : i1
        %add3A_381 = arith.addi %rem3A_372, %select_n3A_371 : i32
        %select_n3A_382 = arith.select %and3A_380, %add3A_381, %rem3A_372 : i32
        %mul3A_383 = arith.constant 64 : i32
        %mul3A_384 = arith.muli %select_n3A_382, %mul3A_383 : i32
        %get3A = arith.constant 1 : i32
        %get3A_385 = arith.index_cast %get3A : i32 to index
        %get3A_386 = arith.index_cast %scan3A_349 : i32 to index
        %get3A_387 = arith.constant 0 : index
        %get3A_388 = tpu.vector_load %arg8[%get3A_385, %get3A_386, %get3A_387] {strides = array<i32>} : memref<4x128x128xf32, #tpu.memory_space<vmem>>, vector<1x1x16xf32>,
        %get3A_389 = vector.shape_cast %get3A_388 : vector<1x1x16xf32> to vector<16xf32>
        %mul3A_390 = arith.constant 8.000000e+00 : f32
        %mul3A_391 = vector.broadcast %mul3A_390 : f32 to vector<16xf32>
        %mul3A_392 = arith.mulf %get3A_389, %mul3A_391 : vector<16xf32>
        %add3A_393 = arith.constant 0 : i32
        %add3A_394 = arith.addi %mul3A_384, %add3A_393 : i32
        %get3A_395 = arith.index_cast %select_n3A : i32 to index
        %get3A_396 = arith.index_cast %add3A_394 : i32 to index
        %get3A_397 = tpu.vector_load %arg7[%get3A_395, %get3A_396] {strides = array<i32>} : memref<164x128xf32, #tpu.memory_space<vmem>>, vector<1x16xf32>,
        %get3A_398 = vector.shape_cast %get3A_397 : vector<1x16xf32> to vector<16xf32>
        %add3A_399 = arith.addf %mul3A_392, %get3A_398 : vector<16xf32>
        %swap3A = arith.constant 1 : i32
        %swap3A_400 = arith.index_cast %swap3A : i32 to index
        %swap3A_401 = arith.index_cast %scan3A_349 : i32 to index
        %swap3A_402 = arith.constant 0 : index
        %swap3A_403 = tpu.vector_load %arg8[%swap3A_400, %swap3A_401, %swap3A_402] {strides = array<i32>} : memref<4x128x128xf32, #tpu.memory_space<vmem>>, vector<1x1x16xf32>,
        %swap3A_404 = vector.shape_cast %swap3A_403 : vector<1x1x16xf32> to vector<16xf32>
        %swap3A_405 = vector.shape_cast %add3A_399 : vector<16xf32> to vector<1x1x16xf32>
        tpu.vector_store %arg8[%swap3A_400, %swap3A_401, %swap3A_402], %swap3A_405 {strides = array<i32>} : memref<4x128x128xf32, #tpu.memory_space<vmem>>, vector<1x1x16xf32>,
        %get3A_406 = arith.constant 1 : i32
        %get3A_407 = arith.index_cast %get3A_406 : i32 to index
        %get3A_408 = arith.index_cast %scan3A_349 : i32 to index
        %get3A_409 = arith.constant 16 : index
        %get3A_410 = tpu.vector_load %arg8[%get3A_407, %get3A_408, %get3A_409] {strides = array<i32>} : memref<4x128x128xf32, #tpu.memory_space<vmem>>, vector<1x1x16xf32>,
        %get3A_411 = vector.shape_cast %get3A_410 : vector<1x1x16xf32> to vector<16xf32>
        %mul3A_412 = arith.constant 8.000000e+00 : f32
        %mul3A_413 = vector.broadcast %mul3A_412 : f32 to vector<16xf32>
        %mul3A_414 = arith.mulf %get3A_411, %mul3A_413 : vector<16xf32>
        %add3A_415 = arith.constant 16 : i32
        %add3A_416 = arith.addi %mul3A_384, %add3A_415 : i32
        %get3A_417 = arith.index_cast %select_n3A : i32 to index
        %get3A_418 = arith.index_cast %add3A_416 : i32 to index
        %get3A_419 = tpu.vector_load %arg7[%get3A_417, %get3A_418] {strides = array<i32>} : memref<164x128xf32, #tpu.memory_space<vmem>>, vector<1x16xf32>,
        %get3A_420 = vector.shape_cast %get3A_419 : vector<1x16xf32> to vector<16xf32>
        %add3A_421 = arith.addf %mul3A_414, %get3A_420 : vector<16xf32>
        %swap3A_422 = arith.constant 1 : i32
        %swap3A_423 = arith.index_cast %swap3A_422 : i32 to index
        %swap3A_424 = arith.index_cast %scan3A_349 : i32 to index
        %swap3A_425 = arith.constant 16 : index
        %swap3A_426 = tpu.vector_load %arg8[%swap3A_423, %swap3A_424, %swap3A_425] {strides = array<i32>} : memref<4x128x128xf32, #tpu.memory_space<vmem>>, vector<1x1x16xf32>,
        %swap3A_427 = vector.shape_cast %swap3A_426 : vector<1x1x16xf32> to vector<16xf32>
        %swap3A_428 = vector.shape_cast %add3A_421 : vector<16xf32> to vector<1x1x16xf32>
        tpu.vector_store %arg8[%swap3A_423, %swap3A_424, %swap3A_425], %swap3A_428 {strides = array<i32>} : memref<4x128x128xf32, #tpu.memory_space<vmem>>, vector<1x1x16xf32>,
        %get3A_429 = arith.constant 1 : i32
        %get3A_430 = arith.index_cast %get3A_429 : i32 to index
        %get3A_431 = arith.index_cast %scan3A_349 : i32 to index
        %get3A_432 = arith.constant 32 : index
        %get3A_433 = tpu.vector_load %arg8[%get3A_430, %get3A_431, %get3A_432] {strides = array<i32>} : memref<4x128x128xf32, #tpu.memory_space<vmem>>, vector<1x1x16xf32>,
        %get3A_434 = vector.shape_cast %get3A_433 : vector<1x1x16xf32> to vector<16xf32>
        %mul3A_435 = arith.constant 8.000000e+00 : f32
        %mul3A_436 = vector.broadcast %mul3A_435 : f32 to vector<16xf32>
        %mul3A_437 = arith.mulf %get3A_434, %mul3A_436 : vector<16xf32>
        %add3A_438 = arith.constant 32 : i32
        %add3A_439 = arith.addi %mul3A_384, %add3A_438 : i32
        %get3A_440 = arith.index_cast %select_n3A : i32 to index
        %get3A_441 = arith.index_cast %add3A_439 : i32 to index
        %get3A_442 = tpu.vector_load %arg7[%get3A_440, %get3A_441] {strides = array<i32>} : memref<164x128xf32, #tpu.memory_space<vmem>>, vector<1x16xf32>,
        %get3A_443 = vector.shape_cast %get3A_442 : vector<1x16xf32> to vector<16xf32>
        %add3A_444 = arith.addf %mul3A_437, %get3A_443 : vector<16xf32>
        %swap3A_445 = arith.constant 1 : i32
        %swap3A_446 = arith.index_cast %swap3A_445 : i32 to index
        %swap3A_447 = arith.index_cast %scan3A_349 : i32 to index
        %swap3A_448 = arith.constant 32 : index
        %swap3A_449 = tpu.vector_load %arg8[%swap3A_446, %swap3A_447, %swap3A_448] {strides = array<i32>} : memref<4x128x128xf32, #tpu.memory_space<vmem>>, vector<1x1x16xf32>,
        %swap3A_450 = vector.shape_cast %swap3A_449 : vector<1x1x16xf32> to vector<16xf32>
        %swap3A_451 = vector.shape_cast %add3A_444 : vector<16xf32> to vector<1x1x16xf32>
        tpu.vector_store %arg8[%swap3A_446, %swap3A_447, %swap3A_448], %swap3A_451 {strides = array<i32>} : memref<4x128x128xf32, #tpu.memory_space<vmem>>, vector<1x1x16xf32>,
        %get3A_452 = arith.constant 1 : i32
        %get3A_453 = arith.index_cast %get3A_452 : i32 to index
        %get3A_454 = arith.index_cast %scan3A_349 : i32 to index
        %get3A_455 = arith.constant 48 : index
        %get3A_456 = tpu.vector_load %arg8[%get3A_453, %get3A_454, %get3A_455] {strides = array<i32>} : memref<4x128x128xf32, #tpu.memory_space<vmem>>, vector<1x1x16xf32>,
        %get3A_457 = vector.shape_cast %get3A_456 : vector<1x1x16xf32> to vector<16xf32>
        %mul3A_458 = arith.constant 8.000000e+00 : f32
        %mul3A_459 = vector.broadcast %mul3A_458 : f32 to vector<16xf32>
        %mul3A_460 = arith.mulf %get3A_457, %mul3A_459 : vector<16xf32>
        %add3A_461 = arith.constant 48 : i32
        %add3A_462 = arith.addi %mul3A_384, %add3A_461 : i32
        %get3A_463 = arith.index_cast %select_n3A : i32 to index
        %get3A_464 = arith.index_cast %add3A_462 : i32 to index
        %get3A_465 = tpu.vector_load %arg7[%get3A_463, %get3A_464] {strides = array<i32>} : memref<164x128xf32, #tpu.memory_space<vmem>>, vector<1x16xf32>,
        %get3A_466 = vector.shape_cast %get3A_465 : vector<1x16xf32> to vector<16xf32>
        %add3A_467 = arith.addf %mul3A_460, %get3A_466 : vector<16xf32>
        %swap3A_468 = arith.constant 1 : i32
        %swap3A_469 = arith.index_cast %swap3A_468 : i32 to index
        %swap3A_470 = arith.index_cast %scan3A_349 : i32 to index
        %swap3A_471 = arith.constant 48 : index
        %swap3A_472 = tpu.vector_load %arg8[%swap3A_469, %swap3A_470, %swap3A_471] {strides = array<i32>} : memref<4x128x128xf32, #tpu.memory_space<vmem>>, vector<1x1x16xf32>,
        %swap3A_473 = vector.shape_cast %swap3A_472 : vector<1x1x16xf32> to vector<16xf32>
        %swap3A_474 = vector.shape_cast %add3A_467 : vector<16xf32> to vector<1x1x16xf32>
        tpu.vector_store %arg8[%swap3A_469, %swap3A_470, %swap3A_471], %swap3A_474 {strides = array<i32>} : memref<4x128x128xf32, #tpu.memory_space<vmem>>, vector<1x1x16xf32>,
        %scan3A_475 = arith.constant 1 : i32
        %scan3A_476 = arith.addi %scan3A_349, %scan3A_475 : i32
        %add3A_477 = arith.addi %rem3A_215, %scan3A_476 : i32
        %jit3A_478 = arith.constant 2 : i32
        %div3A_479 = arith.divsi %add3A_477, %jit3A_478 : i32
        %sign3A_480 = arith.constant 0 : i32
        %sign3A_481 = arith.cmpi sgt, %add3A_477, %sign3A_480 : i32
        %sign3A_482 = arith.extui %sign3A_481 : i1 to i32
        %sign3A_483 = arith.constant 0 : i32
        %sign3A_484 = arith.cmpi slt, %add3A_477, %sign3A_483 : i32
        %sign3A_485 = arith.extui %sign3A_484 : i1 to i32
        %sign3A_486 = arith.subi %sign3A_482, %sign3A_485 : i32
        %sign3A_487 = arith.constant 0 : i32
        %sign3A_488 = arith.cmpi sgt, %jit3A_478, %sign3A_487 : i32
        %sign3A_489 = arith.extui %sign3A_488 : i1 to i32
        %sign3A_490 = arith.constant 0 : i32
        %sign3A_491 = arith.cmpi slt, %jit3A_478, %sign3A_490 : i32
        %sign3A_492 = arith.extui %sign3A_491 : i1 to i32
        %sign3A_493 = arith.subi %sign3A_489, %sign3A_492 : i32
        %ne3A_494 = arith.cmpi ne, %sign3A_486, %sign3A_493 : i32
        %rem3A_495 = arith.remsi %add3A_477, %jit3A_478 : i32
        %ne3A_496 = arith.constant 0 : i32
        %ne3A_497 = arith.cmpi ne, %rem3A_495, %ne3A_496 : i32
        %and3A_498 = arith.andi %ne3A_494, %ne3A_497 : i1
        %sub3A_499 = arith.constant 1 : i32
        %sub3A_500 = arith.subi %div3A_479, %sub3A_499 : i32
        %select_n3A_501 = arith.select %and3A_498, %sub3A_500, %div3A_479 : i32
        %jit3A_502 = arith.constant 2 : i32
        %eq3A_503 = arith.constant 0 : i32
        %eq3A_504 = arith.cmpi eq, %jit3A_502, %eq3A_503 : i32
        %jit3A_505 = arith.constant 1 : i32
        %select_n3A_506 = arith.select %eq3A_504, %jit3A_505, %jit3A_502 : i32
        %rem3A_507 = arith.remsi %add3A_477, %select_n3A_506 : i32
        %ne3A_508 = arith.constant 0 : i32
        %ne3A_509 = arith.cmpi ne, %rem3A_507, %ne3A_508 : i32
        %lt3A_510 = arith.constant 0 : i32
        %lt3A_511 = arith.cmpi slt, %rem3A_507, %lt3A_510 : i32
        %lt3A_512 = arith.constant 0 : i32
        %lt3A_513 = arith.cmpi slt, %select_n3A_506, %lt3A_512 : i32
        %ne3A_514 = arith.xori %lt3A_511, %lt3A_513 : i1
        %and3A_515 = arith.andi %ne3A_514, %ne3A_509 : i1
        %add3A_516 = arith.addi %rem3A_507, %select_n3A_506 : i32
        %select_n3A_517 = arith.select %and3A_515, %add3A_516, %rem3A_507 : i32
        %mul3A_518 = arith.constant 64 : i32
        %mul3A_519 = arith.muli %select_n3A_517, %mul3A_518 : i32
        %get3A_520 = arith.constant 1 : i32
        %get3A_521 = arith.index_cast %get3A_520 : i32 to index
        %get3A_522 = arith.index_cast %scan3A_476 : i32 to index
        %get3A_523 = arith.constant 0 : index
        %get3A_524 = tpu.vector_load %arg8[%get3A_521, %get3A_522, %get3A_523] {strides = array<i32>} : memref<4x128x128xf32, #tpu.memory_space<vmem>>, vector<1x1x16xf32>,
        %get3A_525 = vector.shape_cast %get3A_524 : vector<1x1x16xf32> to vector<16xf32>
        %mul3A_526 = arith.constant 8.000000e+00 : f32
        %mul3A_527 = vector.broadcast %mul3A_526 : f32 to vector<16xf32>
        %mul3A_528 = arith.mulf %get3A_525, %mul3A_527 : vector<16xf32>
        %add3A_529 = arith.constant 0 : i32
        %add3A_530 = arith.addi %mul3A_519, %add3A_529 : i32
        %get3A_531 = arith.index_cast %select_n3A_501 : i32 to index
        %get3A_532 = arith.index_cast %add3A_530 : i32 to index
        %get3A_533 = tpu.vector_load %arg7[%get3A_531, %get3A_532] {strides = array<i32>} : memref<164x128xf32, #tpu.memory_space<vmem>>, vector<1x16xf32>,
        %get3A_534 = vector.shape_cast %get3A_533 : vector<1x16xf32> to vector<16xf32>
        %add3A_535 = arith.addf %mul3A_528, %get3A_534 : vector<16xf32>
        %swap3A_536 = arith.constant 1 : i32
        %swap3A_537 = arith.index_cast %swap3A_536 : i32 to index
        %swap3A_538 = arith.index_cast %scan3A_476 : i32 to index
        %swap3A_539 = arith.constant 0 : index
        %swap3A_540 = tpu.vector_load %arg8[%swap3A_537, %swap3A_538, %swap3A_539] {strides = array<i32>} : memref<4x128x128xf32, #tpu.memory_space<vmem>>, vector<1x1x16xf32>,
        %swap3A_541 = vector.shape_cast %swap3A_540 : vector<1x1x16xf32> to vector<16xf32>
        %swap3A_542 = vector.shape_cast %add3A_535 : vector<16xf32> to vector<1x1x16xf32>
        tpu.vector_store %arg8[%swap3A_537, %swap3A_538, %swap3A_539], %swap3A_542 {strides = array<i32>} : memref<4x128x128xf32, #tpu.memory_space<vmem>>, vector<1x1x16xf32>,
        %get3A_543 = arith.constant 1 : i32
        %get3A_544 = arith.index_cast %get3A_543 : i32 to index
        %get3A_545 = arith.index_cast %scan3A_476 : i32 to index
        %get3A_546 = arith.constant 16 : index
        %get3A_547 = tpu.vector_load %arg8[%get3A_544, %get3A_545, %get3A_546] {strides = array<i32>} : memref<4x128x128xf32, #tpu.memory_space<vmem>>, vector<1x1x16xf32>,
        %get3A_548 = vector.shape_cast %get3A_547 : vector<1x1x16xf32> to vector<16xf32>
        %mul3A_549 = arith.constant 8.000000e+00 : f32
        %mul3A_550 = vector.broadcast %mul3A_549 : f32 to vector<16xf32>
        %mul3A_551 = arith.mulf %get3A_548, %mul3A_550 : vector<16xf32>
        %add3A_552 = arith.constant 16 : i32
        %add3A_553 = arith.addi %mul3A_519, %add3A_552 : i32
        %get3A_554 = arith.index_cast %select_n3A_501 : i32 to index
        %get3A_555 = arith.index_cast %add3A_553 : i32 to index
        %get3A_556 = tpu.vector_load %arg7[%get3A_554, %get3A_555] {strides = array<i32>} : memref<164x128xf32, #tpu.memory_space<vmem>>, vector<1x16xf32>,
        %get3A_557 = vector.shape_cast %get3A_556 : vector<1x16xf32> to vector<16xf32>
        %add3A_558 = arith.addf %mul3A_551, %get3A_557 : vector<16xf32>
        %swap3A_559 = arith.constant 1 : i32
        %swap3A_560 = arith.index_cast %swap3A_559 : i32 to index
        %swap3A_561 = arith.index_cast %scan3A_476 : i32 to index
        %swap3A_562 = arith.constant 16 : index
        %swap3A_563 = tpu.vector_load %arg8[%swap3A_560, %swap3A_561, %swap3A_562] {strides = array<i32>} : memref<4x128x128xf32, #tpu.memory_space<vmem>>, vector<1x1x16xf32>,
        %swap3A_564 = vector.shape_cast %swap3A_563 : vector<1x1x16xf32> to vector<16xf32>
        %swap3A_565 = vector.shape_cast %add3A_558 : vector<16xf32> to vector<1x1x16xf32>
        tpu.vector_store %arg8[%swap3A_560, %swap3A_561, %swap3A_562], %swap3A_565 {strides = array<i32>} : memref<4x128x128xf32, #tpu.memory_space<vmem>>, vector<1x1x16xf32>,
        %get3A_566 = arith.constant 1 : i32
        %get3A_567 = arith.index_cast %get3A_566 : i32 to index
        %get3A_568 = arith.index_cast %scan3A_476 : i32 to index
        %get3A_569 = arith.constant 32 : index
        %get3A_570 = tpu.vector_load %arg8[%get3A_567, %get3A_568, %get3A_569] {strides = array<i32>} : memref<4x128x128xf32, #tpu.memory_space<vmem>>, vector<1x1x16xf32>,
        %get3A_571 = vector.shape_cast %get3A_570 : vector<1x1x16xf32> to vector<16xf32>
        %mul3A_572 = arith.constant 8.000000e+00 : f32
        %mul3A_573 = vector.broadcast %mul3A_572 : f32 to vector<16xf32>
        %mul3A_574 = arith.mulf %get3A_571, %mul3A_573 : vector<16xf32>
        %add3A_575 = arith.constant 32 : i32
        %add3A_576 = arith.addi %mul3A_519, %add3A_575 : i32
        %get3A_577 = arith.index_cast %select_n3A_501 : i32 to index
        %get3A_578 = arith.index_cast %add3A_576 : i32 to index
        %get3A_579 = tpu.vector_load %arg7[%get3A_577, %get3A_578] {strides = array<i32>} : memref<164x128xf32, #tpu.memory_space<vmem>>, vector<1x16xf32>,
        %get3A_580 = vector.shape_cast %get3A_579 : vector<1x16xf32> to vector<16xf32>
        %add3A_581 = arith.addf %mul3A_574, %get3A_580 : vector<16xf32>
        %swap3A_582 = arith.constant 1 : i32
        %swap3A_583 = arith.index_cast %swap3A_582 : i32 to index
        %swap3A_584 = arith.index_cast %scan3A_476 : i32 to index
        %swap3A_585 = arith.constant 32 : index
        %swap3A_586 = tpu.vector_load %arg8[%swap3A_583, %swap3A_584, %swap3A_585] {strides = array<i32>} : memref<4x128x128xf32, #tpu.memory_space<vmem>>, vector<1x1x16xf32>,
        %swap3A_587 = vector.shape_cast %swap3A_586 : vector<1x1x16xf32> to vector<16xf32>
        %swap3A_588 = vector.shape_cast %add3A_581 : vector<16xf32> to vector<1x1x16xf32>
        tpu.vector_store %arg8[%swap3A_583, %swap3A_584, %swap3A_585], %swap3A_588 {strides = array<i32>} : memref<4x128x128xf32, #tpu.memory_space<vmem>>, vector<1x1x16xf32>,
        %get3A_589 = arith.constant 1 : i32
        %get3A_590 = arith.index_cast %get3A_589 : i32 to index
        %get3A_591 = arith.index_cast %scan3A_476 : i32 to index
        %get3A_592 = arith.constant 48 : index
        %get3A_593 = tpu.vector_load %arg8[%get3A_590, %get3A_591, %get3A_592] {strides = array<i32>} : memref<4x128x128xf32, #tpu.memory_space<vmem>>, vector<1x1x16xf32>,
        %get3A_594 = vector.shape_cast %get3A_593 : vector<1x1x16xf32> to vector<16xf32>
        %mul3A_595 = arith.constant 8.000000e+00 : f32
        %mul3A_596 = vector.broadcast %mul3A_595 : f32 to vector<16xf32>
        %mul3A_597 = arith.mulf %get3A_594, %mul3A_596 : vector<16xf32>
        %add3A_598 = arith.constant 48 : i32
        %add3A_599 = arith.addi %mul3A_519, %add3A_598 : i32
        %get3A_600 = arith.index_cast %select_n3A_501 : i32 to index
        %get3A_601 = arith.index_cast %add3A_599 : i32 to index
        %get3A_602 = tpu.vector_load %arg7[%get3A_600, %get3A_601] {strides = array<i32>} : memref<164x128xf32, #tpu.memory_space<vmem>>, vector<1x16xf32>,
        %get3A_603 = vector.shape_cast %get3A_602 : vector<1x16xf32> to vector<16xf32>
        %add3A_604 = arith.addf %mul3A_597, %get3A_603 : vector<16xf32>
        %swap3A_605 = arith.constant 1 : i32
        %swap3A_606 = arith.index_cast %swap3A_605 : i32 to index
        %swap3A_607 = arith.index_cast %scan3A_476 : i32 to index
        %swap3A_608 = arith.constant 48 : index
        %swap3A_609 = tpu.vector_load %arg8[%swap3A_606, %swap3A_607, %swap3A_608] {strides = array<i32>} : memref<4x128x128xf32, #tpu.memory_space<vmem>>, vector<1x1x16xf32>,
        %swap3A_610 = vector.shape_cast %swap3A_609 : vector<1x1x16xf32> to vector<16xf32>
        %swap3A_611 = vector.shape_cast %add3A_604 : vector<16xf32> to vector<1x1x16xf32>
        tpu.vector_store %arg8[%swap3A_606, %swap3A_607, %swap3A_608], %swap3A_611 {strides = array<i32>} : memref<4x128x128xf32, #tpu.memory_space<vmem>>, vector<1x1x16xf32>,
        %scan3A_612 = arith.constant 2 : i32
        %scan3A_613 = arith.addi %scan3A_349, %scan3A_612 : i32
        %add3A_614 = arith.addi %rem3A_215, %scan3A_613 : i32
        %jit3A_615 = arith.constant 2 : i32
        %div3A_616 = arith.divsi %add3A_614, %jit3A_615 : i32
        %sign3A_617 = arith.constant 0 : i32
        %sign3A_618 = arith.cmpi sgt, %add3A_614, %sign3A_617 : i32
        %sign3A_619 = arith.extui %sign3A_618 : i1 to i32
        %sign3A_620 = arith.constant 0 : i32
        %sign3A_621 = arith.cmpi slt, %add3A_614, %sign3A_620 : i32
        %sign3A_622 = arith.extui %sign3A_621 : i1 to i32
        %sign3A_623 = arith.subi %sign3A_619, %sign3A_622 : i32
        %sign3A_624 = arith.constant 0 : i32
        %sign3A_625 = arith.cmpi sgt, %jit3A_615, %sign3A_624 : i32
        %sign3A_626 = arith.extui %sign3A_625 : i1 to i32
        %sign3A_627 = arith.constant 0 : i32
        %sign3A_628 = arith.cmpi slt, %jit3A_615, %sign3A_627 : i32
        %sign3A_629 = arith.extui %sign3A_628 : i1 to i32
        %sign3A_630 = arith.subi %sign3A_626, %sign3A_629 : i32
        %ne3A_631 = arith.cmpi ne, %sign3A_623, %sign3A_630 : i32
        %rem3A_632 = arith.remsi %add3A_614, %jit3A_615 : i32
        %ne3A_633 = arith.constant 0 : i32
        %ne3A_634 = arith.cmpi ne, %rem3A_632, %ne3A_633 : i32
        %and3A_635 = arith.andi %ne3A_631, %ne3A_634 : i1
        %sub3A_636 = arith.constant 1 : i32
        %sub3A_637 = arith.subi %div3A_616, %sub3A_636 : i32
        %select_n3A_638 = arith.select %and3A_635, %sub3A_637, %div3A_616 : i32
        %jit3A_639 = arith.constant 2 : i32
        %eq3A_640 = arith.constant 0 : i32
        %eq3A_641 = arith.cmpi eq, %jit3A_639, %eq3A_640 : i32
        %jit3A_642 = arith.constant 1 : i32
        %select_n3A_643 = arith.select %eq3A_641, %jit3A_642, %jit3A_639 : i32
        %rem3A_644 = arith.remsi %add3A_614, %select_n3A_643 : i32
        %ne3A_645 = arith.constant 0 : i32
        %ne3A_646 = arith.cmpi ne, %rem3A_644, %ne3A_645 : i32
        %lt3A_647 = arith.constant 0 : i32
        %lt3A_648 = arith.cmpi slt, %rem3A_644, %lt3A_647 : i32
        %lt3A_649 = arith.constant 0 : i32
        %lt3A_650 = arith.cmpi slt, %select_n3A_643, %lt3A_649 : i32
        %ne3A_651 = arith.xori %lt3A_648, %lt3A_650 : i1
        %and3A_652 = arith.andi %ne3A_651, %ne3A_646 : i1
        %add3A_653 = arith.addi %rem3A_644, %select_n3A_643 : i32
        %select_n3A_654 = arith.select %and3A_652, %add3A_653, %rem3A_644 : i32
        %mul3A_655 = arith.constant 64 : i32
        %mul3A_656 = arith.muli %select_n3A_654, %mul3A_655 : i32
        %get3A_657 = arith.constant 1 : i32
        %get3A_658 = arith.index_cast %get3A_657 : i32 to index
        %get3A_659 = arith.index_cast %scan3A_613 : i32 to index
        %get3A_660 = arith.constant 0 : index
        %get3A_661 = tpu.vector_load %arg8[%get3A_658, %get3A_659, %get3A_660] {strides = array<i32>} : memref<4x128x128xf32, #tpu.memory_space<vmem>>, vector<1x1x16xf32>,
        %get3A_662 = vector.shape_cast %get3A_661 : vector<1x1x16xf32> to vector<16xf32>
        %mul3A_663 = arith.constant 8.000000e+00 : f32
        %mul3A_664 = vector.broadcast %mul3A_663 : f32 to vector<16xf32>
        %mul3A_665 = arith.mulf %get3A_662, %mul3A_664 : vector<16xf32>
        %add3A_666 = arith.constant 0 : i32
        %add3A_667 = arith.addi %mul3A_656, %add3A_666 : i32
        %get3A_668 = arith.index_cast %select_n3A_638 : i32 to index
        %get3A_669 = arith.index_cast %add3A_667 : i32 to index
        %get3A_670 = tpu.vector_load %arg7[%get3A_668, %get3A_669] {strides = array<i32>} : memref<164x128xf32, #tpu.memory_space<vmem>>, vector<1x16xf32>,
        %get3A_671 = vector.shape_cast %get3A_670 : vector<1x16xf32> to vector<16xf32>
        %add3A_672 = arith.addf %mul3A_665, %get3A_671 : vector<16xf32>
        %swap3A_673 = arith.constant 1 : i32
        %swap3A_674 = arith.index_cast %swap3A_673 : i32 to index
        %swap3A_675 = arith.index_cast %scan3A_613 : i32 to index
        %swap3A_676 = arith.constant 0 : index
        %swap3A_677 = tpu.vector_load %arg8[%swap3A_674, %swap3A_675, %swap3A_676] {strides = array<i32>} : memref<4x128x128xf32, #tpu.memory_space<vmem>>, vector<1x1x16xf32>,
        %swap3A_678 = vector.shape_cast %swap3A_677 : vector<1x1x16xf32> to vector<16xf32>
        %swap3A_679 = vector.shape_cast %add3A_672 : vector<16xf32> to vector<1x1x16xf32>
        tpu.vector_store %arg8[%swap3A_674, %swap3A_675, %swap3A_676], %swap3A_679 {strides = array<i32>} : memref<4x128x128xf32, #tpu.memory_space<vmem>>, vector<1x1x16xf32>,
        %get3A_680 = arith.constant 1 : i32
        %get3A_681 = arith.index_cast %get3A_680 : i32 to index
        %get3A_682 = arith.index_cast %scan3A_613 : i32 to index
        %get3A_683 = arith.constant 16 : index
        %get3A_684 = tpu.vector_load %arg8[%get3A_681, %get3A_682, %get3A_683] {strides = array<i32>} : memref<4x128x128xf32, #tpu.memory_space<vmem>>, vector<1x1x16xf32>,
        %get3A_685 = vector.shape_cast %get3A_684 : vector<1x1x16xf32> to vector<16xf32>
        %mul3A_686 = arith.constant 8.000000e+00 : f32
        %mul3A_687 = vector.broadcast %mul3A_686 : f32 to vector<16xf32>
        %mul3A_688 = arith.mulf %get3A_685, %mul3A_687 : vector<16xf32>
        %add3A_689 = arith.constant 16 : i32
        %add3A_690 = arith.addi %mul3A_656, %add3A_689 : i32
        %get3A_691 = arith.index_cast %select_n3A_638 : i32 to index
        %get3A_692 = arith.index_cast %add3A_690 : i32 to index
        %get3A_693 = tpu.vector_load %arg7[%get3A_691, %get3A_692] {strides = array<i32>} : memref<164x128xf32, #tpu.memory_space<vmem>>, vector<1x16xf32>,
        %get3A_694 = vector.shape_cast %get3A_693 : vector<1x16xf32> to vector<16xf32>
        %add3A_695 = arith.addf %mul3A_688, %get3A_694 : vector<16xf32>
        %swap3A_696 = arith.constant 1 : i32
        %swap3A_697 = arith.index_cast %swap3A_696 : i32 to index
        %swap3A_698 = arith.index_cast %scan3A_613 : i32 to index
        %swap3A_699 = arith.constant 16 : index
        %swap3A_700 = tpu.vector_load %arg8[%swap3A_697, %swap3A_698, %swap3A_699] {strides = array<i32>} : memref<4x128x128xf32, #tpu.memory_space<vmem>>, vector<1x1x16xf32>,
        %swap3A_701 = vector.shape_cast %swap3A_700 : vector<1x1x16xf32> to vector<16xf32>
        %swap3A_702 = vector.shape_cast %add3A_695 : vector<16xf32> to vector<1x1x16xf32>
        tpu.vector_store %arg8[%swap3A_697, %swap3A_698, %swap3A_699], %swap3A_702 {strides = array<i32>} : memref<4x128x128xf32, #tpu.memory_space<vmem>>, vector<1x1x16xf32>,
        %get3A_703 = arith.constant 1 : i32
        %get3A_704 = arith.index_cast %get3A_703 : i32 to index
        %get3A_705 = arith.index_cast %scan3A_613 : i32 to index
        %get3A_706 = arith.constant 32 : index
        %get3A_707 = tpu.vector_load %arg8[%get3A_704, %get3A_705, %get3A_706] {strides = array<i32>} : memref<4x128x128xf32, #tpu.memory_space<vmem>>, vector<1x1x16xf32>,
        %get3A_708 = vector.shape_cast %get3A_707 : vector<1x1x16xf32> to vector<16xf32>
        %mul3A_709 = arith.constant 8.000000e+00 : f32
        %mul3A_710 = vector.broadcast %mul3A_709 : f32 to vector<16xf32>
        %mul3A_711 = arith.mulf %get3A_708, %mul3A_710 : vector<16xf32>
        %add3A_712 = arith.constant 32 : i32
        %add3A_713 = arith.addi %mul3A_656, %add3A_712 : i32
        %get3A_714 = arith.index_cast %select_n3A_638 : i32 to index
        %get3A_715 = arith.index_cast %add3A_713 : i32 to index
        %get3A_716 = tpu.vector_load %arg7[%get3A_714, %get3A_715] {strides = array<i32>} : memref<164x128xf32, #tpu.memory_space<vmem>>, vector<1x16xf32>,
        %get3A_717 = vector.shape_cast %get3A_716 : vector<1x16xf32> to vector<16xf32>
        %add3A_718 = arith.addf %mul3A_711, %get3A_717 : vector<16xf32>
        %swap3A_719 = arith.constant 1 : i32
        %swap3A_720 = arith.index_cast %swap3A_719 : i32 to index
        %swap3A_721 = arith.index_cast %scan3A_613 : i32 to index
        %swap3A_722 = arith.constant 32 : index
        %swap3A_723 = tpu.vector_load %arg8[%swap3A_720, %swap3A_721, %swap3A_722] {strides = array<i32>} : memref<4x128x128xf32, #tpu.memory_space<vmem>>, vector<1x1x16xf32>,
        %swap3A_724 = vector.shape_cast %swap3A_723 : vector<1x1x16xf32> to vector<16xf32>
        %swap3A_725 = vector.shape_cast %add3A_718 : vector<16xf32> to vector<1x1x16xf32>
        tpu.vector_store %arg8[%swap3A_720, %swap3A_721, %swap3A_722], %swap3A_725 {strides = array<i32>} : memref<4x128x128xf32, #tpu.memory_space<vmem>>, vector<1x1x16xf32>,
        %get3A_726 = arith.constant 1 : i32
        %get3A_727 = arith.index_cast %get3A_726 : i32 to index
        %get3A_728 = arith.index_cast %scan3A_613 : i32 to index
        %get3A_729 = arith.constant 48 : index
        %get3A_730 = tpu.vector_load %arg8[%get3A_727, %get3A_728, %get3A_729] {strides = array<i32>} : memref<4x128x128xf32, #tpu.memory_space<vmem>>, vector<1x1x16xf32>,
        %get3A_731 = vector.shape_cast %get3A_730 : vector<1x1x16xf32> to vector<16xf32>
        %mul3A_732 = arith.constant 8.000000e+00 : f32
        %mul3A_733 = vector.broadcast %mul3A_732 : f32 to vector<16xf32>
        %mul3A_734 = arith.mulf %get3A_731, %mul3A_733 : vector<16xf32>
        %add3A_735 = arith.constant 48 : i32
        %add3A_736 = arith.addi %mul3A_656, %add3A_735 : i32
        %get3A_737 = arith.index_cast %select_n3A_638 : i32 to index
        %get3A_738 = arith.index_cast %add3A_736 : i32 to index
        %get3A_739 = tpu.vector_load %arg7[%get3A_737, %get3A_738] {strides = array<i32>} : memref<164x128xf32, #tpu.memory_space<vmem>>, vector<1x16xf32>,
        %get3A_740 = vector.shape_cast %get3A_739 : vector<1x16xf32> to vector<16xf32>
        %add3A_741 = arith.addf %mul3A_734, %get3A_740 : vector<16xf32>
        %swap3A_742 = arith.constant 1 : i32
        %swap3A_743 = arith.index_cast %swap3A_742 : i32 to index
        %swap3A_744 = arith.index_cast %scan3A_613 : i32 to index
        %swap3A_745 = arith.constant 48 : index
        %swap3A_746 = tpu.vector_load %arg8[%swap3A_743, %swap3A_744, %swap3A_745] {strides = array<i32>} : memref<4x128x128xf32, #tpu.memory_space<vmem>>, vector<1x1x16xf32>,
        %swap3A_747 = vector.shape_cast %swap3A_746 : vector<1x1x16xf32> to vector<16xf32>
        %swap3A_748 = vector.shape_cast %add3A_741 : vector<16xf32> to vector<1x1x16xf32>
        tpu.vector_store %arg8[%swap3A_743, %swap3A_744, %swap3A_745], %swap3A_748 {strides = array<i32>} : memref<4x128x128xf32, #tpu.memory_space<vmem>>, vector<1x1x16xf32>,
        %scan3A_749 = arith.constant 3 : i32
        %scan3A_750 = arith.addi %scan3A_349, %scan3A_749 : i32
        %add3A_751 = arith.addi %rem3A_215, %scan3A_750 : i32
        %jit3A_752 = arith.constant 2 : i32
        %div3A_753 = arith.divsi %add3A_751, %jit3A_752 : i32
        %sign3A_754 = arith.constant 0 : i32
        %sign3A_755 = arith.cmpi sgt, %add3A_751, %sign3A_754 : i32
        %sign3A_756 = arith.extui %sign3A_755 : i1 to i32
        %sign3A_757 = arith.constant 0 : i32
        %sign3A_758 = arith.cmpi slt, %add3A_751, %sign3A_757 : i32
        %sign3A_759 = arith.extui %sign3A_758 : i1 to i32
        %sign3A_760 = arith.subi %sign3A_756, %sign3A_759 : i32
        %sign3A_761 = arith.constant 0 : i32
        %sign3A_762 = arith.cmpi sgt, %jit3A_752, %sign3A_761 : i32
        %sign3A_763 = arith.extui %sign3A_762 : i1 to i32
        %sign3A_764 = arith.constant 0 : i32
        %sign3A_765 = arith.cmpi slt, %jit3A_752, %sign3A_764 : i32
        %sign3A_766 = arith.extui %sign3A_765 : i1 to i32
        %sign3A_767 = arith.subi %sign3A_763, %sign3A_766 : i32
        %ne3A_768 = arith.cmpi ne, %sign3A_760, %sign3A_767 : i32
        %rem3A_769 = arith.remsi %add3A_751, %jit3A_752 : i32
        %ne3A_770 = arith.constant 0 : i32
        %ne3A_771 = arith.cmpi ne, %rem3A_769, %ne3A_770 : i32
        %and3A_772 = arith.andi %ne3A_768, %ne3A_771 : i1
        %sub3A_773 = arith.constant 1 : i32
        %sub3A_774 = arith.subi %div3A_753, %sub3A_773 : i32
        %select_n3A_775 = arith.select %and3A_772, %sub3A_774, %div3A_753 : i32
        %jit3A_776 = arith.constant 2 : i32
        %eq3A_777 = arith.constant 0 : i32
        %eq3A_778 = arith.cmpi eq, %jit3A_776, %eq3A_777 : i32
        %jit3A_779 = arith.constant 1 : i32
        %select_n3A_780 = arith.select %eq3A_778, %jit3A_779, %jit3A_776 : i32
        %rem3A_781 = arith.remsi %add3A_751, %select_n3A_780 : i32
        %ne3A_782 = arith.constant 0 : i32
        %ne3A_783 = arith.cmpi ne, %rem3A_781, %ne3A_782 : i32
        %lt3A_784 = arith.constant 0 : i32
        %lt3A_785 = arith.cmpi slt, %rem3A_781, %lt3A_784 : i32
        %lt3A_786 = arith.constant 0 : i32
        %lt3A_787 = arith.cmpi slt, %select_n3A_780, %lt3A_786 : i32
        %ne3A_788 = arith.xori %lt3A_785, %lt3A_787 : i1
        %and3A_789 = arith.andi %ne3A_788, %ne3A_783 : i1
        %add3A_790 = arith.addi %rem3A_781, %select_n3A_780 : i32
        %select_n3A_791 = arith.select %and3A_789, %add3A_790, %rem3A_781 : i32
        %mul3A_792 = arith.constant 64 : i32
        %mul3A_793 = arith.muli %select_n3A_791, %mul3A_792 : i32
        %get3A_794 = arith.constant 1 : i32
        %get3A_795 = arith.index_cast %get3A_794 : i32 to index
        %get3A_796 = arith.index_cast %scan3A_750 : i32 to index
        %get3A_797 = arith.constant 0 : index
        %get3A_798 = tpu.vector_load %arg8[%get3A_795, %get3A_796, %get3A_797] {strides = array<i32>} : memref<4x128x128xf32, #tpu.memory_space<vmem>>, vector<1x1x16xf32>,
        %get3A_799 = vector.shape_cast %get3A_798 : vector<1x1x16xf32> to vector<16xf32>
        %mul3A_800 = arith.constant 8.000000e+00 : f32
        %mul3A_801 = vector.broadcast %mul3A_800 : f32 to vector<16xf32>
        %mul3A_802 = arith.mulf %get3A_799, %mul3A_801 : vector<16xf32>
        %add3A_803 = arith.constant 0 : i32
        %add3A_804 = arith.addi %mul3A_793, %add3A_803 : i32
        %get3A_805 = arith.index_cast %select_n3A_775 : i32 to index
        %get3A_806 = arith.index_cast %add3A_804 : i32 to index
        %get3A_807 = tpu.vector_load %arg7[%get3A_805, %get3A_806] {strides = array<i32>} : memref<164x128xf32, #tpu.memory_space<vmem>>, vector<1x16xf32>,
        %get3A_808 = vector.shape_cast %get3A_807 : vector<1x16xf32> to vector<16xf32>
        %add3A_809 = arith.addf %mul3A_802, %get3A_808 : vector<16xf32>
        %swap3A_810 = arith.constant 1 : i32
        %swap3A_811 = arith.index_cast %swap3A_810 : i32 to index
        %swap3A_812 = arith.index_cast %scan3A_750 : i32 to index
        %swap3A_813 = arith.constant 0 : index
        %swap3A_814 = tpu.vector_load %arg8[%swap3A_811, %swap3A_812, %swap3A_813] {strides = array<i32>} : memref<4x128x128xf32, #tpu.memory_space<vmem>>, vector<1x1x16xf32>,
        %swap3A_815 = vector.shape_cast %swap3A_814 : vector<1x1x16xf32> to vector<16xf32>
        %swap3A_816 = vector.shape_cast %add3A_809 : vector<16xf32> to vector<1x1x16xf32>
        tpu.vector_store %arg8[%swap3A_811, %swap3A_812, %swap3A_813], %swap3A_816 {strides = array<i32>} : memref<4x128x128xf32, #tpu.memory_space<vmem>>, vector<1x1x16xf32>,
        %get3A_817 = arith.constant 1 : i32
        %get3A_818 = arith.index_cast %get3A_817 : i32 to index
        %get3A_819 = arith.index_cast %scan3A_750 : i32 to index
        %get3A_820 = arith.constant 16 : index
        %get3A_821 = tpu.vector_load %arg8[%get3A_818, %get3A_819, %get3A_820] {strides = array<i32>} : memref<4x128x128xf32, #tpu.memory_space<vmem>>, vector<1x1x16xf32>,
        %get3A_822 = vector.shape_cast %get3A_821 : vector<1x1x16xf32> to vector<16xf32>
        %mul3A_823 = arith.constant 8.000000e+00 : f32
        %mul3A_824 = vector.broadcast %mul3A_823 : f32 to vector<16xf32>
        %mul3A_825 = arith.mulf %get3A_822, %mul3A_824 : vector<16xf32>
        %add3A_826 = arith.constant 16 : i32
        %add3A_827 = arith.addi %mul3A_793, %add3A_826 : i32
        %get3A_828 = arith.index_cast %select_n3A_775 : i32 to index
        %get3A_829 = arith.index_cast %add3A_827 : i32 to index
        %get3A_830 = tpu.vector_load %arg7[%get3A_828, %get3A_829] {strides = array<i32>} : memref<164x128xf32, #tpu.memory_space<vmem>>, vector<1x16xf32>,
        %get3A_831 = vector.shape_cast %get3A_830 : vector<1x16xf32> to vector<16xf32>
        %add3A_832 = arith.addf %mul3A_825, %get3A_831 : vector<16xf32>
        %swap3A_833 = arith.constant 1 : i32
        %swap3A_834 = arith.index_cast %swap3A_833 : i32 to index
        %swap3A_835 = arith.index_cast %scan3A_750 : i32 to index
        %swap3A_836 = arith.constant 16 : index
        %swap3A_837 = tpu.vector_load %arg8[%swap3A_834, %swap3A_835, %swap3A_836] {strides = array<i32>} : memref<4x128x128xf32, #tpu.memory_space<vmem>>, vector<1x1x16xf32>,
        %swap3A_838 = vector.shape_cast %swap3A_837 : vector<1x1x16xf32> to vector<16xf32>
        %swap3A_839 = vector.shape_cast %add3A_832 : vector<16xf32> to vector<1x1x16xf32>
        tpu.vector_store %arg8[%swap3A_834, %swap3A_835, %swap3A_836], %swap3A_839 {strides = array<i32>} : memref<4x128x128xf32, #tpu.memory_space<vmem>>, vector<1x1x16xf32>,
        %get3A_840 = arith.constant 1 : i32
        %get3A_841 = arith.index_cast %get3A_840 : i32 to index
        %get3A_842 = arith.index_cast %scan3A_750 : i32 to index
        %get3A_843 = arith.constant 32 : index
        %get3A_844 = tpu.vector_load %arg8[%get3A_841, %get3A_842, %get3A_843] {strides = array<i32>} : memref<4x128x128xf32, #tpu.memory_space<vmem>>, vector<1x1x16xf32>,
        %get3A_845 = vector.shape_cast %get3A_844 : vector<1x1x16xf32> to vector<16xf32>
        %mul3A_846 = arith.constant 8.000000e+00 : f32
        %mul3A_847 = vector.broadcast %mul3A_846 : f32 to vector<16xf32>
        %mul3A_848 = arith.mulf %get3A_845, %mul3A_847 : vector<16xf32>
        %add3A_849 = arith.constant 32 : i32
        %add3A_850 = arith.addi %mul3A_793, %add3A_849 : i32
        %get3A_851 = arith.index_cast %select_n3A_775 : i32 to index
        %get3A_852 = arith.index_cast %add3A_850 : i32 to index
        %get3A_853 = tpu.vector_load %arg7[%get3A_851, %get3A_852] {strides = array<i32>} : memref<164x128xf32, #tpu.memory_space<vmem>>, vector<1x16xf32>,
        %get3A_854 = vector.shape_cast %get3A_853 : vector<1x16xf32> to vector<16xf32>
        %add3A_855 = arith.addf %mul3A_848, %get3A_854 : vector<16xf32>
        %swap3A_856 = arith.constant 1 : i32
        %swap3A_857 = arith.index_cast %swap3A_856 : i32 to index
        %swap3A_858 = arith.index_cast %scan3A_750 : i32 to index
        %swap3A_859 = arith.constant 32 : index
        %swap3A_860 = tpu.vector_load %arg8[%swap3A_857, %swap3A_858, %swap3A_859] {strides = array<i32>} : memref<4x128x128xf32, #tpu.memory_space<vmem>>, vector<1x1x16xf32>,
        %swap3A_861 = vector.shape_cast %swap3A_860 : vector<1x1x16xf32> to vector<16xf32>
        %swap3A_862 = vector.shape_cast %add3A_855 : vector<16xf32> to vector<1x1x16xf32>
        tpu.vector_store %arg8[%swap3A_857, %swap3A_858, %swap3A_859], %swap3A_862 {strides = array<i32>} : memref<4x128x128xf32, #tpu.memory_space<vmem>>, vector<1x1x16xf32>,
        %get3A_863 = arith.constant 1 : i32
        %get3A_864 = arith.index_cast %get3A_863 : i32 to index
        %get3A_865 = arith.index_cast %scan3A_750 : i32 to index
        %get3A_866 = arith.constant 48 : index
        %get3A_867 = tpu.vector_load %arg8[%get3A_864, %get3A_865, %get3A_866] {strides = array<i32>} : memref<4x128x128xf32, #tpu.memory_space<vmem>>, vector<1x1x16xf32>,
        %get3A_868 = vector.shape_cast %get3A_867 : vector<1x1x16xf32> to vector<16xf32>
        %mul3A_869 = arith.constant 8.000000e+00 : f32
        %mul3A_870 = vector.broadcast %mul3A_869 : f32 to vector<16xf32>
        %mul3A_871 = arith.mulf %get3A_868, %mul3A_870 : vector<16xf32>
        %add3A_872 = arith.constant 48 : i32
        %add3A_873 = arith.addi %mul3A_793, %add3A_872 : i32
        %get3A_874 = arith.index_cast %select_n3A_775 : i32 to index
        %get3A_875 = arith.index_cast %add3A_873 : i32 to index
        %get3A_876 = tpu.vector_load %arg7[%get3A_874, %get3A_875] {strides = array<i32>} : memref<164x128xf32, #tpu.memory_space<vmem>>, vector<1x16xf32>,
        %get3A_877 = vector.shape_cast %get3A_876 : vector<1x16xf32> to vector<16xf32>
        %add3A_878 = arith.addf %mul3A_871, %get3A_877 : vector<16xf32>
        %swap3A_879 = arith.constant 1 : i32
        %swap3A_880 = arith.index_cast %swap3A_879 : i32 to index
        %swap3A_881 = arith.index_cast %scan3A_750 : i32 to index
        %swap3A_882 = arith.constant 48 : index
        %swap3A_883 = tpu.vector_load %arg8[%swap3A_880, %swap3A_881, %swap3A_882] {strides = array<i32>} : memref<4x128x128xf32, #tpu.memory_space<vmem>>, vector<1x1x16xf32>,
        %swap3A_884 = vector.shape_cast %swap3A_883 : vector<1x1x16xf32> to vector<16xf32>
        %swap3A_885 = vector.shape_cast %add3A_878 : vector<16xf32> to vector<1x1x16xf32>
        tpu.vector_store %arg8[%swap3A_880, %swap3A_881, %swap3A_882], %swap3A_885 {strides = array<i32>} : memref<4x128x128xf32, #tpu.memory_space<vmem>>, vector<1x1x16xf32>,
      }
      %scan3A_221 = arith.constant 128 : i32
      %mul3A_222 = arith.constant 128 : i32
      %mul3A_223 = arith.muli %add3A_191, %mul3A_222 : i32
      %add3A_224 = arith.addi %mul3A_2, %mul3A_223 : i32
      %dma_start3A_225 = arith.constant 1 : i32
      %dma_start3A_226 = arith.constant 1 : i32
      %dma_start3A_227 = arith.constant 0 : i32
      %dma_start3A_228 = arith.constant 0 : i32
      %dma_start3A_229 = tpu.memref_slice %arg8[%dma_start3A_225, %dma_start3A_227, %dma_start3A_228] : memref<4x128x128xf32, #tpu.memory_space<vmem>> -> memref<1x128x128xf32, #tpu.memory_space<vmem>>
      %dma_start3A_230 = tpu.memref_squeeze %dma_start3A_229 : memref<1x128x128xf32, #tpu.memory_space<vmem>> -> memref<128x128xf32, #tpu.memory_space<vmem>>
      %dma_start3A_231 = arith.constant 0 : i32
      %dma_start3A_232 = tpu.memref_slice %arg5[%add3A_224, %dma_start3A_231] : memref<819200x128xf32, #tpu.memory_space<hbm>> -> memref<128x128xf32, #tpu.memory_space<hbm>>
      %dma_start3A_233 = tpu.memref_slice %arg10[%dma_start3A_226] : memref<4x!tpu.dma_semaphore, #tpu.memory_space<semaphore_mem>> -> memref<1x!tpu.dma_semaphore, #tpu.memory_space<semaphore_mem>>
      %dma_start3A_234 = tpu.memref_squeeze %dma_start3A_233 : memref<1x!tpu.dma_semaphore, #tpu.memory_space<semaphore_mem>> -> memref<!tpu.dma_semaphore, #tpu.memory_space<semaphore_mem>>
      %dma_start3A_235 = arith.constant 0 : i32
      %dma_start3A_236 = tpu.memref_slice %arg5[%add3A_224, %dma_start3A_235] : memref<819200x128xf32, #tpu.memory_space<hbm>> -> memref<128x128xf32, #tpu.memory_space<hbm>>
      %dma_start3A_237 = arith.constant 0 : i32
      %dma_start3A_238 = arith.constant 0 : i32
      %dma_start3A_239 = tpu.memref_slice %arg8[%dma_start3A_225, %dma_start3A_237, %dma_start3A_238] : memref<4x128x128xf32, #tpu.memory_space<vmem>> -> memref<1x128x128xf32, #tpu.memory_space<vmem>>
      %dma_start3A_240 = tpu.memref_squeeze %dma_start3A_239 : memref<1x128x128xf32, #tpu.memory_space<vmem>> -> memref<128x128xf32, #tpu.memory_space<vmem>>
      tpu.enqueue_dma source(%dma_start3A_240 : memref<128x128xf32, #tpu.memory_space<vmem>>) target(%dma_start3A_236 : memref<128x128xf32, #tpu.memory_space<hbm>>) target_semaphore(%dma_start3A_234 : memref<!tpu.dma_semaphore, #tpu.memory_space<semaphore_mem>>)
      %mul3A_241 = arith.constant 4 : i32
      %mul3A_242 = arith.muli %scan3A_123, %mul3A_241 : i32
      %add3A_243 = arith.constant 2 : i32
      %add3A_244 = arith.addi %mul3A_242, %add3A_243 : i32
      %add3A_245 = arith.constant 3 : i32
      %add3A_246 = arith.addi %add3A_244, %add3A_245 : i32
      %lt3A_247 = arith.constant 200 : i32
      %lt3A_248 = arith.cmpi slt, %add3A_246, %lt3A_247 : i32
      %convert_element_type3A_249 = arith.extui %lt3A_248 : i1 to i32
      %cond3A_250 = arith.constant 0 : i32
      %cond3A_251 = arith.cmpi ne, %convert_element_type3A_249, %cond3A_250 : i32
      scf.if %cond3A_251 {
        %sub3A = arith.constant 1 : i32
        %sub3A_349 = arith.subi %add3A_244, %sub3A : i32
        %mul3A_350 = arith.constant 128 : i32
        %mul3A_351 = arith.muli %sub3A_349, %mul3A_350 : i32
        %add3A_352 = arith.addi %mul3A_2, %mul3A_351 : i32
        %dma_wait3A_353 = arith.constant 1 : i32
        %dma_wait3A_354 = arith.constant 1 : i32
        %dma_wait3A_355 = arith.constant 0 : i32
        %dma_wait3A_356 = arith.constant 0 : i32
        %dma_wait3A_357 = tpu.memref_slice %arg8[%dma_wait3A_353, %dma_wait3A_355, %dma_wait3A_356] : memref<4x128x128xf32, #tpu.memory_space<vmem>> -> memref<1x128x128xf32, #tpu.memory_space<vmem>>
        %dma_wait3A_358 = tpu.memref_squeeze %dma_wait3A_357 : memref<1x128x128xf32, #tpu.memory_space<vmem>> -> memref<128x128xf32, #tpu.memory_space<vmem>>
        %dma_wait3A_359 = arith.constant 0 : i32
        %dma_wait3A_360 = tpu.memref_slice %arg5[%add3A_352, %dma_wait3A_359] : memref<819200x128xf32, #tpu.memory_space<hbm>> -> memref<128x128xf32, #tpu.memory_space<hbm>>
        %dma_wait3A_361 = tpu.memref_slice %arg10[%dma_wait3A_354] : memref<4x!tpu.dma_semaphore, #tpu.memory_space<semaphore_mem>> -> memref<1x!tpu.dma_semaphore, #tpu.memory_space<semaphore_mem>>
        %dma_wait3A_362 = tpu.memref_squeeze %dma_wait3A_361 : memref<1x!tpu.dma_semaphore, #tpu.memory_space<semaphore_mem>> -> memref<!tpu.dma_semaphore, #tpu.memory_space<semaphore_mem>>
        %dma_wait3A_363 = arith.constant 0 : i32
        %dma_wait3A_364 = tpu.memref_slice %arg5[%add3A_352, %dma_wait3A_363] : memref<819200x128xf32, #tpu.memory_space<hbm>> -> memref<128x128xf32, #tpu.memory_space<hbm>>
        %dma_wait3A_365 = arith.constant 0 : i32
        %dma_wait3A_366 = arith.constant 0 : i32
        %dma_wait3A_367 = tpu.memref_slice %arg8[%dma_wait3A_353, %dma_wait3A_365, %dma_wait3A_366] : memref<4x128x128xf32, #tpu.memory_space<vmem>> -> memref<1x128x128xf32, #tpu.memory_space<vmem>>
        %dma_wait3A_368 = tpu.memref_squeeze %dma_wait3A_367 : memref<1x128x128xf32, #tpu.memory_space<vmem>> -> memref<128x128xf32, #tpu.memory_space<vmem>>
        tpu.wait_dma2 semaphore(%dma_wait3A_362 : memref<!tpu.dma_semaphore, #tpu.memory_space<semaphore_mem>>) src(%dma_wait3A_368 : memref<128x128xf32, #tpu.memory_space<vmem>>) dst(%dma_wait3A_364 : memref<128x128xf32, #tpu.memory_space<hbm>>)
        %dma_start3A_369 = arith.constant 1 : i32
        %dma_start3A_370 = arith.constant 1 : i32
        %dma_start3A_371 = arith.constant 0 : i32
        %dma_start3A_372 = arith.constant 0 : i32
        %dma_start3A_373 = tpu.memref_slice %arg8[%dma_start3A_369, %dma_start3A_371, %dma_start3A_372] : memref<4x128x128xf32, #tpu.memory_space<vmem>> -> memref<1x128x128xf32, #tpu.memory_space<vmem>>
        %dma_start3A_374 = tpu.memref_squeeze %dma_start3A_373 : memref<1x128x128xf32, #tpu.memory_space<vmem>> -> memref<128x128xf32, #tpu.memory_space<vmem>>
        %dma_start3A_375 = arith.constant 0 : i32
        %dma_start3A_376 = tpu.memref_slice %arg6[%add3A_246, %dma_start3A_375] : memref<200x128xi32, #tpu.memory_space<vmem>> -> memref<1x128xi32, #tpu.memory_space<vmem>>
        %dma_start3A_377 = tpu.memref_squeeze %dma_start3A_376 : memref<1x128xi32, #tpu.memory_space<vmem>> -> memref<128xi32, #tpu.memory_space<vmem>>
        %dma_start3A_378 = arith.constant 0 : i32
        %dma_start3A_379 = arith.constant 0 : i32
        %dma_start3A_380 = tpu.memref_slice %arg3[%dma_start3A_378, %dma_start3A_379] : memref<1000000x128xf32, #tpu.memory_space<hbm>> -> memref<1000000x128xf32, #tpu.memory_space<hbm>>
        %dma_start3A_381 = tpu.memref_slice %arg9[%dma_start3A_370] : memref<4x!tpu.dma_semaphore, #tpu.memory_space<semaphore_mem>> -> memref<1x!tpu.dma_semaphore, #tpu.memory_space<semaphore_mem>>
        %dma_start3A_382 = tpu.memref_squeeze %dma_start3A_381 : memref<1x!tpu.dma_semaphore, #tpu.memory_space<semaphore_mem>> -> memref<!tpu.dma_semaphore, #tpu.memory_space<semaphore_mem>>
        tpu.enqueue_indirect_dma source(%dma_start3A_380 : memref<1000000x128xf32, #tpu.memory_space<hbm>>) target(%dma_start3A_374 : memref<128x128xf32, #tpu.memory_space<vmem>>) offsets(%dma_start3A_377 : memref<128xi32, #tpu.memory_space<vmem>>) semaphore(%dma_start3A_382 : memref<!tpu.dma_semaphore, #tpu.memory_space<semaphore_mem>>)
      } else {
      }
      %dma_wait3A_252 = arith.constant 2 : i32
      %dma_wait3A_253 = arith.constant 2 : i32
      %dma_wait3A_254 = arith.constant 0 : i32
      %dma_wait3A_255 = arith.constant 0 : i32
      %dma_wait3A_256 = tpu.memref_slice %arg8[%dma_wait3A_252, %dma_wait3A_254, %dma_wait3A_255] : memref<4x128x128xf32, #tpu.memory_space<vmem>> -> memref<1x128x128xf32, #tpu.memory_space<vmem>>
      %dma_wait3A_257 = tpu.memref_squeeze %dma_wait3A_256 : memref<1x128x128xf32, #tpu.memory_space<vmem>> -> memref<128x128xf32, #tpu.memory_space<vmem>>
      %dma_wait3A_258 = arith.constant 0 : i32
      %dma_wait3A_259 = tpu.memref_slice %arg6[%add3A_244, %dma_wait3A_258] : memref<200x128xi32, #tpu.memory_space<vmem>> -> memref<1x128xi32, #tpu.memory_space<vmem>>
      %dma_wait3A_260 = tpu.memref_squeeze %dma_wait3A_259 : memref<1x128xi32, #tpu.memory_space<vmem>> -> memref<128xi32, #tpu.memory_space<vmem>>
      %dma_wait3A_261 = arith.constant 0 : i32
      %dma_wait3A_262 = arith.constant 0 : i32
      %dma_wait3A_263 = tpu.memref_slice %arg3[%dma_wait3A_261, %dma_wait3A_262] : memref<1000000x128xf32, #tpu.memory_space<hbm>> -> memref<1000000x128xf32, #tpu.memory_space<hbm>>
      %dma_wait3A_264 = tpu.memref_slice %arg9[%dma_wait3A_253] : memref<4x!tpu.dma_semaphore, #tpu.memory_space<semaphore_mem>> -> memref<1x!tpu.dma_semaphore, #tpu.memory_space<semaphore_mem>>
      %dma_wait3A_265 = tpu.memref_squeeze %dma_wait3A_264 : memref<1x!tpu.dma_semaphore, #tpu.memory_space<semaphore_mem>> -> memref<!tpu.dma_semaphore, #tpu.memory_space<semaphore_mem>>
      tpu.wait_indirect_dma semaphore(%dma_wait3A_265 : memref<!tpu.dma_semaphore, #tpu.memory_space<semaphore_mem>>) src(%dma_wait3A_263 : memref<1000000x128xf32, #tpu.memory_space<hbm>>) dst(%dma_wait3A_257 : memref<128x128xf32, #tpu.memory_space<vmem>>)
      %mul3A_266 = arith.constant 128 : i32
      %mul3A_267 = arith.muli %add3A_244, %mul3A_266 : i32
      %rem3A_268 = arith.constant 200 : i32
      %rem3A_269 = arith.remsi %mul3A_267, %rem3A_268 : i32
      %scan3A_270 = arith.constant 0 : i32
      %scan3A_271 = arith.constant 0 : i32
      %scan3A_272 = arith.constant 128 : i32
      %scan3A_273 = arith.addi %scan3A_271, %scan3A_272 : i32
      %scan3A_274 = arith.constant 4 : i32
      scf.for %scan3A_349 = %scan3A_271 to %scan3A_273 step %scan3A_274  : i32 {
        %add3A_350 = arith.addi %rem3A_269, %scan3A_349 : i32
        %jit3A = arith.constant 2 : i32
        %div3A = arith.divsi %add3A_350, %jit3A : i32
        %sign3A = arith.constant 0 : i32
        %sign3A_351 = arith.cmpi sgt, %add3A_350, %sign3A : i32
        %sign3A_352 = arith.extui %sign3A_351 : i1 to i32
        %sign3A_353 = arith.constant 0 : i32
        %sign3A_354 = arith.cmpi slt, %add3A_350, %sign3A_353 : i32
        %sign3A_355 = arith.extui %sign3A_354 : i1 to i32
        %sign3A_356 = arith.subi %sign3A_352, %sign3A_355 : i32
        %sign3A_357 = arith.constant 0 : i32
        %sign3A_358 = arith.cmpi sgt, %jit3A, %sign3A_357 : i32
        %sign3A_359 = arith.extui %sign3A_358 : i1 to i32
        %sign3A_360 = arith.constant 0 : i32
        %sign3A_361 = arith.cmpi slt, %jit3A, %sign3A_360 : i32
        %sign3A_362 = arith.extui %sign3A_361 : i1 to i32
        %sign3A_363 = arith.subi %sign3A_359, %sign3A_362 : i32
        %ne3A = arith.cmpi ne, %sign3A_356, %sign3A_363 : i32
        %rem3A_364 = arith.remsi %add3A_350, %jit3A : i32
        %ne3A_365 = arith.constant 0 : i32
        %ne3A_366 = arith.cmpi ne, %rem3A_364, %ne3A_365 : i32
        %and3A = arith.andi %ne3A, %ne3A_366 : i1
        %sub3A = arith.constant 1 : i32
        %sub3A_367 = arith.subi %div3A, %sub3A : i32
        %select_n3A = arith.select %and3A, %sub3A_367, %div3A : i32
        %jit3A_368 = arith.constant 2 : i32
        %eq3A = arith.constant 0 : i32
        %eq3A_369 = arith.cmpi eq, %jit3A_368, %eq3A : i32
        %jit3A_370 = arith.constant 1 : i32
        %select_n3A_371 = arith.select %eq3A_369, %jit3A_370, %jit3A_368 : i32
        %rem3A_372 = arith.remsi %add3A_350, %select_n3A_371 : i32
        %ne3A_373 = arith.constant 0 : i32
        %ne3A_374 = arith.cmpi ne, %rem3A_372, %ne3A_373 : i32
        %lt3A_375 = arith.constant 0 : i32
        %lt3A_376 = arith.cmpi slt, %rem3A_372, %lt3A_375 : i32
        %lt3A_377 = arith.constant 0 : i32
        %lt3A_378 = arith.cmpi slt, %select_n3A_371, %lt3A_377 : i32
        %ne3A_379 = arith.xori %lt3A_376, %lt3A_378 : i1
        %and3A_380 = arith.andi %ne3A_379, %ne3A_374 : i1
        %add3A_381 = arith.addi %rem3A_372, %select_n3A_371 : i32
        %select_n3A_382 = arith.select %and3A_380, %add3A_381, %rem3A_372 : i32
        %mul3A_383 = arith.constant 64 : i32
        %mul3A_384 = arith.muli %select_n3A_382, %mul3A_383 : i32
        %get3A = arith.constant 2 : i32
        %get3A_385 = arith.index_cast %get3A : i32 to index
        %get3A_386 = arith.index_cast %scan3A_349 : i32 to index
        %get3A_387 = arith.constant 0 : index
        %get3A_388 = tpu.vector_load %arg8[%get3A_385, %get3A_386, %get3A_387] {strides = array<i32>} : memref<4x128x128xf32, #tpu.memory_space<vmem>>, vector<1x1x16xf32>,
        %get3A_389 = vector.shape_cast %get3A_388 : vector<1x1x16xf32> to vector<16xf32>
        %mul3A_390 = arith.constant 8.000000e+00 : f32
        %mul3A_391 = vector.broadcast %mul3A_390 : f32 to vector<16xf32>
        %mul3A_392 = arith.mulf %get3A_389, %mul3A_391 : vector<16xf32>
        %add3A_393 = arith.constant 0 : i32
        %add3A_394 = arith.addi %mul3A_384, %add3A_393 : i32
        %get3A_395 = arith.index_cast %select_n3A : i32 to index
        %get3A_396 = arith.index_cast %add3A_394 : i32 to index
        %get3A_397 = tpu.vector_load %arg7[%get3A_395, %get3A_396] {strides = array<i32>} : memref<164x128xf32, #tpu.memory_space<vmem>>, vector<1x16xf32>,
        %get3A_398 = vector.shape_cast %get3A_397 : vector<1x16xf32> to vector<16xf32>
        %add3A_399 = arith.addf %mul3A_392, %get3A_398 : vector<16xf32>
        %swap3A = arith.constant 2 : i32
        %swap3A_400 = arith.index_cast %swap3A : i32 to index
        %swap3A_401 = arith.index_cast %scan3A_349 : i32 to index
        %swap3A_402 = arith.constant 0 : index
        %swap3A_403 = tpu.vector_load %arg8[%swap3A_400, %swap3A_401, %swap3A_402] {strides = array<i32>} : memref<4x128x128xf32, #tpu.memory_space<vmem>>, vector<1x1x16xf32>,
        %swap3A_404 = vector.shape_cast %swap3A_403 : vector<1x1x16xf32> to vector<16xf32>
        %swap3A_405 = vector.shape_cast %add3A_399 : vector<16xf32> to vector<1x1x16xf32>
        tpu.vector_store %arg8[%swap3A_400, %swap3A_401, %swap3A_402], %swap3A_405 {strides = array<i32>} : memref<4x128x128xf32, #tpu.memory_space<vmem>>, vector<1x1x16xf32>,
        %get3A_406 = arith.constant 2 : i32
        %get3A_407 = arith.index_cast %get3A_406 : i32 to index
        %get3A_408 = arith.index_cast %scan3A_349 : i32 to index
        %get3A_409 = arith.constant 16 : index
        %get3A_410 = tpu.vector_load %arg8[%get3A_407, %get3A_408, %get3A_409] {strides = array<i32>} : memref<4x128x128xf32, #tpu.memory_space<vmem>>, vector<1x1x16xf32>,
        %get3A_411 = vector.shape_cast %get3A_410 : vector<1x1x16xf32> to vector<16xf32>
        %mul3A_412 = arith.constant 8.000000e+00 : f32
        %mul3A_413 = vector.broadcast %mul3A_412 : f32 to vector<16xf32>
        %mul3A_414 = arith.mulf %get3A_411, %mul3A_413 : vector<16xf32>
        %add3A_415 = arith.constant 16 : i32
        %add3A_416 = arith.addi %mul3A_384, %add3A_415 : i32
        %get3A_417 = arith.index_cast %select_n3A : i32 to index
        %get3A_418 = arith.index_cast %add3A_416 : i32 to index
        %get3A_419 = tpu.vector_load %arg7[%get3A_417, %get3A_418] {strides = array<i32>} : memref<164x128xf32, #tpu.memory_space<vmem>>, vector<1x16xf32>,
        %get3A_420 = vector.shape_cast %get3A_419 : vector<1x16xf32> to vector<16xf32>
        %add3A_421 = arith.addf %mul3A_414, %get3A_420 : vector<16xf32>
        %swap3A_422 = arith.constant 2 : i32
        %swap3A_423 = arith.index_cast %swap3A_422 : i32 to index
        %swap3A_424 = arith.index_cast %scan3A_349 : i32 to index
        %swap3A_425 = arith.constant 16 : index
        %swap3A_426 = tpu.vector_load %arg8[%swap3A_423, %swap3A_424, %swap3A_425] {strides = array<i32>} : memref<4x128x128xf32, #tpu.memory_space<vmem>>, vector<1x1x16xf32>,
        %swap3A_427 = vector.shape_cast %swap3A_426 : vector<1x1x16xf32> to vector<16xf32>
        %swap3A_428 = vector.shape_cast %add3A_421 : vector<16xf32> to vector<1x1x16xf32>
        tpu.vector_store %arg8[%swap3A_423, %swap3A_424, %swap3A_425], %swap3A_428 {strides = array<i32>} : memref<4x128x128xf32, #tpu.memory_space<vmem>>, vector<1x1x16xf32>,
        %get3A_429 = arith.constant 2 : i32
        %get3A_430 = arith.index_cast %get3A_429 : i32 to index
        %get3A_431 = arith.index_cast %scan3A_349 : i32 to index
        %get3A_432 = arith.constant 32 : index
        %get3A_433 = tpu.vector_load %arg8[%get3A_430, %get3A_431, %get3A_432] {strides = array<i32>} : memref<4x128x128xf32, #tpu.memory_space<vmem>>, vector<1x1x16xf32>,
        %get3A_434 = vector.shape_cast %get3A_433 : vector<1x1x16xf32> to vector<16xf32>
        %mul3A_435 = arith.constant 8.000000e+00 : f32
        %mul3A_436 = vector.broadcast %mul3A_435 : f32 to vector<16xf32>
        %mul3A_437 = arith.mulf %get3A_434, %mul3A_436 : vector<16xf32>
        %add3A_438 = arith.constant 32 : i32
        %add3A_439 = arith.addi %mul3A_384, %add3A_438 : i32
        %get3A_440 = arith.index_cast %select_n3A : i32 to index
        %get3A_441 = arith.index_cast %add3A_439 : i32 to index
        %get3A_442 = tpu.vector_load %arg7[%get3A_440, %get3A_441] {strides = array<i32>} : memref<164x128xf32, #tpu.memory_space<vmem>>, vector<1x16xf32>,
        %get3A_443 = vector.shape_cast %get3A_442 : vector<1x16xf32> to vector<16xf32>
        %add3A_444 = arith.addf %mul3A_437, %get3A_443 : vector<16xf32>
        %swap3A_445 = arith.constant 2 : i32
        %swap3A_446 = arith.index_cast %swap3A_445 : i32 to index
        %swap3A_447 = arith.index_cast %scan3A_349 : i32 to index
        %swap3A_448 = arith.constant 32 : index
        %swap3A_449 = tpu.vector_load %arg8[%swap3A_446, %swap3A_447, %swap3A_448] {strides = array<i32>} : memref<4x128x128xf32, #tpu.memory_space<vmem>>, vector<1x1x16xf32>,
        %swap3A_450 = vector.shape_cast %swap3A_449 : vector<1x1x16xf32> to vector<16xf32>
        %swap3A_451 = vector.shape_cast %add3A_444 : vector<16xf32> to vector<1x1x16xf32>
        tpu.vector_store %arg8[%swap3A_446, %swap3A_447, %swap3A_448], %swap3A_451 {strides = array<i32>} : memref<4x128x128xf32, #tpu.memory_space<vmem>>, vector<1x1x16xf32>,
        %get3A_452 = arith.constant 2 : i32
        %get3A_453 = arith.index_cast %get3A_452 : i32 to index
        %get3A_454 = arith.index_cast %scan3A_349 : i32 to index
        %get3A_455 = arith.constant 48 : index
        %get3A_456 = tpu.vector_load %arg8[%get3A_453, %get3A_454, %get3A_455] {strides = array<i32>} : memref<4x128x128xf32, #tpu.memory_space<vmem>>, vector<1x1x16xf32>,
        %get3A_457 = vector.shape_cast %get3A_456 : vector<1x1x16xf32> to vector<16xf32>
        %mul3A_458 = arith.constant 8.000000e+00 : f32
        %mul3A_459 = vector.broadcast %mul3A_458 : f32 to vector<16xf32>
        %mul3A_460 = arith.mulf %get3A_457, %mul3A_459 : vector<16xf32>
        %add3A_461 = arith.constant 48 : i32
        %add3A_462 = arith.addi %mul3A_384, %add3A_461 : i32
        %get3A_463 = arith.index_cast %select_n3A : i32 to index
        %get3A_464 = arith.index_cast %add3A_462 : i32 to index
        %get3A_465 = tpu.vector_load %arg7[%get3A_463, %get3A_464] {strides = array<i32>} : memref<164x128xf32, #tpu.memory_space<vmem>>, vector<1x16xf32>,
        %get3A_466 = vector.shape_cast %get3A_465 : vector<1x16xf32> to vector<16xf32>
        %add3A_467 = arith.addf %mul3A_460, %get3A_466 : vector<16xf32>
        %swap3A_468 = arith.constant 2 : i32
        %swap3A_469 = arith.index_cast %swap3A_468 : i32 to index
        %swap3A_470 = arith.index_cast %scan3A_349 : i32 to index
        %swap3A_471 = arith.constant 48 : index
        %swap3A_472 = tpu.vector_load %arg8[%swap3A_469, %swap3A_470, %swap3A_471] {strides = array<i32>} : memref<4x128x128xf32, #tpu.memory_space<vmem>>, vector<1x1x16xf32>,
        %swap3A_473 = vector.shape_cast %swap3A_472 : vector<1x1x16xf32> to vector<16xf32>
        %swap3A_474 = vector.shape_cast %add3A_467 : vector<16xf32> to vector<1x1x16xf32>
        tpu.vector_store %arg8[%swap3A_469, %swap3A_470, %swap3A_471], %swap3A_474 {strides = array<i32>} : memref<4x128x128xf32, #tpu.memory_space<vmem>>, vector<1x1x16xf32>,
        %scan3A_475 = arith.constant 1 : i32
        %scan3A_476 = arith.addi %scan3A_349, %scan3A_475 : i32
        %add3A_477 = arith.addi %rem3A_269, %scan3A_476 : i32
        %jit3A_478 = arith.constant 2 : i32
        %div3A_479 = arith.divsi %add3A_477, %jit3A_478 : i32
        %sign3A_480 = arith.constant 0 : i32
        %sign3A_481 = arith.cmpi sgt, %add3A_477, %sign3A_480 : i32
        %sign3A_482 = arith.extui %sign3A_481 : i1 to i32
        %sign3A_483 = arith.constant 0 : i32
        %sign3A_484 = arith.cmpi slt, %add3A_477, %sign3A_483 : i32
        %sign3A_485 = arith.extui %sign3A_484 : i1 to i32
        %sign3A_486 = arith.subi %sign3A_482, %sign3A_485 : i32
        %sign3A_487 = arith.constant 0 : i32
        %sign3A_488 = arith.cmpi sgt, %jit3A_478, %sign3A_487 : i32
        %sign3A_489 = arith.extui %sign3A_488 : i1 to i32
        %sign3A_490 = arith.constant 0 : i32
        %sign3A_491 = arith.cmpi slt, %jit3A_478, %sign3A_490 : i32
        %sign3A_492 = arith.extui %sign3A_491 : i1 to i32
        %sign3A_493 = arith.subi %sign3A_489, %sign3A_492 : i32
        %ne3A_494 = arith.cmpi ne, %sign3A_486, %sign3A_493 : i32
        %rem3A_495 = arith.remsi %add3A_477, %jit3A_478 : i32
        %ne3A_496 = arith.constant 0 : i32
        %ne3A_497 = arith.cmpi ne, %rem3A_495, %ne3A_496 : i32
        %and3A_498 = arith.andi %ne3A_494, %ne3A_497 : i1
        %sub3A_499 = arith.constant 1 : i32
        %sub3A_500 = arith.subi %div3A_479, %sub3A_499 : i32
        %select_n3A_501 = arith.select %and3A_498, %sub3A_500, %div3A_479 : i32
        %jit3A_502 = arith.constant 2 : i32
        %eq3A_503 = arith.constant 0 : i32
        %eq3A_504 = arith.cmpi eq, %jit3A_502, %eq3A_503 : i32
        %jit3A_505 = arith.constant 1 : i32
        %select_n3A_506 = arith.select %eq3A_504, %jit3A_505, %jit3A_502 : i32
        %rem3A_507 = arith.remsi %add3A_477, %select_n3A_506 : i32
        %ne3A_508 = arith.constant 0 : i32
        %ne3A_509 = arith.cmpi ne, %rem3A_507, %ne3A_508 : i32
        %lt3A_510 = arith.constant 0 : i32
        %lt3A_511 = arith.cmpi slt, %rem3A_507, %lt3A_510 : i32
        %lt3A_512 = arith.constant 0 : i32
        %lt3A_513 = arith.cmpi slt, %select_n3A_506, %lt3A_512 : i32
        %ne3A_514 = arith.xori %lt3A_511, %lt3A_513 : i1
        %and3A_515 = arith.andi %ne3A_514, %ne3A_509 : i1
        %add3A_516 = arith.addi %rem3A_507, %select_n3A_506 : i32
        %select_n3A_517 = arith.select %and3A_515, %add3A_516, %rem3A_507 : i32
        %mul3A_518 = arith.constant 64 : i32
        %mul3A_519 = arith.muli %select_n3A_517, %mul3A_518 : i32
        %get3A_520 = arith.constant 2 : i32
        %get3A_521 = arith.index_cast %get3A_520 : i32 to index
        %get3A_522 = arith.index_cast %scan3A_476 : i32 to index
        %get3A_523 = arith.constant 0 : index
        %get3A_524 = tpu.vector_load %arg8[%get3A_521, %get3A_522, %get3A_523] {strides = array<i32>} : memref<4x128x128xf32, #tpu.memory_space<vmem>>, vector<1x1x16xf32>,
        %get3A_525 = vector.shape_cast %get3A_524 : vector<1x1x16xf32> to vector<16xf32>
        %mul3A_526 = arith.constant 8.000000e+00 : f32
        %mul3A_527 = vector.broadcast %mul3A_526 : f32 to vector<16xf32>
        %mul3A_528 = arith.mulf %get3A_525, %mul3A_527 : vector<16xf32>
        %add3A_529 = arith.constant 0 : i32
        %add3A_530 = arith.addi %mul3A_519, %add3A_529 : i32
        %get3A_531 = arith.index_cast %select_n3A_501 : i32 to index
        %get3A_532 = arith.index_cast %add3A_530 : i32 to index
        %get3A_533 = tpu.vector_load %arg7[%get3A_531, %get3A_532] {strides = array<i32>} : memref<164x128xf32, #tpu.memory_space<vmem>>, vector<1x16xf32>,
        %get3A_534 = vector.shape_cast %get3A_533 : vector<1x16xf32> to vector<16xf32>
        %add3A_535 = arith.addf %mul3A_528, %get3A_534 : vector<16xf32>
        %swap3A_536 = arith.constant 2 : i32
        %swap3A_537 = arith.index_cast %swap3A_536 : i32 to index
        %swap3A_538 = arith.index_cast %scan3A_476 : i32 to index
        %swap3A_539 = arith.constant 0 : index
        %swap3A_540 = tpu.vector_load %arg8[%swap3A_537, %swap3A_538, %swap3A_539] {strides = array<i32>} : memref<4x128x128xf32, #tpu.memory_space<vmem>>, vector<1x1x16xf32>,
        %swap3A_541 = vector.shape_cast %swap3A_540 : vector<1x1x16xf32> to vector<16xf32>
        %swap3A_542 = vector.shape_cast %add3A_535 : vector<16xf32> to vector<1x1x16xf32>
        tpu.vector_store %arg8[%swap3A_537, %swap3A_538, %swap3A_539], %swap3A_542 {strides = array<i32>} : memref<4x128x128xf32, #tpu.memory_space<vmem>>, vector<1x1x16xf32>,
        %get3A_543 = arith.constant 2 : i32
        %get3A_544 = arith.index_cast %get3A_543 : i32 to index
        %get3A_545 = arith.index_cast %scan3A_476 : i32 to index
        %get3A_546 = arith.constant 16 : index
        %get3A_547 = tpu.vector_load %arg8[%get3A_544, %get3A_545, %get3A_546] {strides = array<i32>} : memref<4x128x128xf32, #tpu.memory_space<vmem>>, vector<1x1x16xf32>,
        %get3A_548 = vector.shape_cast %get3A_547 : vector<1x1x16xf32> to vector<16xf32>
        %mul3A_549 = arith.constant 8.000000e+00 : f32
        %mul3A_550 = vector.broadcast %mul3A_549 : f32 to vector<16xf32>
        %mul3A_551 = arith.mulf %get3A_548, %mul3A_550 : vector<16xf32>
        %add3A_552 = arith.constant 16 : i32
        %add3A_553 = arith.addi %mul3A_519, %add3A_552 : i32
        %get3A_554 = arith.index_cast %select_n3A_501 : i32 to index
        %get3A_555 = arith.index_cast %add3A_553 : i32 to index
        %get3A_556 = tpu.vector_load %arg7[%get3A_554, %get3A_555] {strides = array<i32>} : memref<164x128xf32, #tpu.memory_space<vmem>>, vector<1x16xf32>,
        %get3A_557 = vector.shape_cast %get3A_556 : vector<1x16xf32> to vector<16xf32>
        %add3A_558 = arith.addf %mul3A_551, %get3A_557 : vector<16xf32>
        %swap3A_559 = arith.constant 2 : i32
        %swap3A_560 = arith.index_cast %swap3A_559 : i32 to index
        %swap3A_561 = arith.index_cast %scan3A_476 : i32 to index
        %swap3A_562 = arith.constant 16 : index
        %swap3A_563 = tpu.vector_load %arg8[%swap3A_560, %swap3A_561, %swap3A_562] {strides = array<i32>} : memref<4x128x128xf32, #tpu.memory_space<vmem>>, vector<1x1x16xf32>,
        %swap3A_564 = vector.shape_cast %swap3A_563 : vector<1x1x16xf32> to vector<16xf32>
        %swap3A_565 = vector.shape_cast %add3A_558 : vector<16xf32> to vector<1x1x16xf32>
        tpu.vector_store %arg8[%swap3A_560, %swap3A_561, %swap3A_562], %swap3A_565 {strides = array<i32>} : memref<4x128x128xf32, #tpu.memory_space<vmem>>, vector<1x1x16xf32>,
        %get3A_566 = arith.constant 2 : i32
        %get3A_567 = arith.index_cast %get3A_566 : i32 to index
        %get3A_568 = arith.index_cast %scan3A_476 : i32 to index
        %get3A_569 = arith.constant 32 : index
        %get3A_570 = tpu.vector_load %arg8[%get3A_567, %get3A_568, %get3A_569] {strides = array<i32>} : memref<4x128x128xf32, #tpu.memory_space<vmem>>, vector<1x1x16xf32>,
        %get3A_571 = vector.shape_cast %get3A_570 : vector<1x1x16xf32> to vector<16xf32>
        %mul3A_572 = arith.constant 8.000000e+00 : f32
        %mul3A_573 = vector.broadcast %mul3A_572 : f32 to vector<16xf32>
        %mul3A_574 = arith.mulf %get3A_571, %mul3A_573 : vector<16xf32>
        %add3A_575 = arith.constant 32 : i32
        %add3A_576 = arith.addi %mul3A_519, %add3A_575 : i32
        %get3A_577 = arith.index_cast %select_n3A_501 : i32 to index
        %get3A_578 = arith.index_cast %add3A_576 : i32 to index
        %get3A_579 = tpu.vector_load %arg7[%get3A_577, %get3A_578] {strides = array<i32>} : memref<164x128xf32, #tpu.memory_space<vmem>>, vector<1x16xf32>,
        %get3A_580 = vector.shape_cast %get3A_579 : vector<1x16xf32> to vector<16xf32>
        %add3A_581 = arith.addf %mul3A_574, %get3A_580 : vector<16xf32>
        %swap3A_582 = arith.constant 2 : i32
        %swap3A_583 = arith.index_cast %swap3A_582 : i32 to index
        %swap3A_584 = arith.index_cast %scan3A_476 : i32 to index
        %swap3A_585 = arith.constant 32 : index
        %swap3A_586 = tpu.vector_load %arg8[%swap3A_583, %swap3A_584, %swap3A_585] {strides = array<i32>} : memref<4x128x128xf32, #tpu.memory_space<vmem>>, vector<1x1x16xf32>,
        %swap3A_587 = vector.shape_cast %swap3A_586 : vector<1x1x16xf32> to vector<16xf32>
        %swap3A_588 = vector.shape_cast %add3A_581 : vector<16xf32> to vector<1x1x16xf32>
        tpu.vector_store %arg8[%swap3A_583, %swap3A_584, %swap3A_585], %swap3A_588 {strides = array<i32>} : memref<4x128x128xf32, #tpu.memory_space<vmem>>, vector<1x1x16xf32>,
        %get3A_589 = arith.constant 2 : i32
        %get3A_590 = arith.index_cast %get3A_589 : i32 to index
        %get3A_591 = arith.index_cast %scan3A_476 : i32 to index
        %get3A_592 = arith.constant 48 : index
        %get3A_593 = tpu.vector_load %arg8[%get3A_590, %get3A_591, %get3A_592] {strides = array<i32>} : memref<4x128x128xf32, #tpu.memory_space<vmem>>, vector<1x1x16xf32>,
        %get3A_594 = vector.shape_cast %get3A_593 : vector<1x1x16xf32> to vector<16xf32>
        %mul3A_595 = arith.constant 8.000000e+00 : f32
        %mul3A_596 = vector.broadcast %mul3A_595 : f32 to vector<16xf32>
        %mul3A_597 = arith.mulf %get3A_594, %mul3A_596 : vector<16xf32>
        %add3A_598 = arith.constant 48 : i32
        %add3A_599 = arith.addi %mul3A_519, %add3A_598 : i32
        %get3A_600 = arith.index_cast %select_n3A_501 : i32 to index
        %get3A_601 = arith.index_cast %add3A_599 : i32 to index
        %get3A_602 = tpu.vector_load %arg7[%get3A_600, %get3A_601] {strides = array<i32>} : memref<164x128xf32, #tpu.memory_space<vmem>>, vector<1x16xf32>,
        %get3A_603 = vector.shape_cast %get3A_602 : vector<1x16xf32> to vector<16xf32>
        %add3A_604 = arith.addf %mul3A_597, %get3A_603 : vector<16xf32>
        %swap3A_605 = arith.constant 2 : i32
        %swap3A_606 = arith.index_cast %swap3A_605 : i32 to index
        %swap3A_607 = arith.index_cast %scan3A_476 : i32 to index
        %swap3A_608 = arith.constant 48 : index
        %swap3A_609 = tpu.vector_load %arg8[%swap3A_606, %swap3A_607, %swap3A_608] {strides = array<i32>} : memref<4x128x128xf32, #tpu.memory_space<vmem>>, vector<1x1x16xf32>,
        %swap3A_610 = vector.shape_cast %swap3A_609 : vector<1x1x16xf32> to vector<16xf32>
        %swap3A_611 = vector.shape_cast %add3A_604 : vector<16xf32> to vector<1x1x16xf32>
        tpu.vector_store %arg8[%swap3A_606, %swap3A_607, %swap3A_608], %swap3A_611 {strides = array<i32>} : memref<4x128x128xf32, #tpu.memory_space<vmem>>, vector<1x1x16xf32>,
        %scan3A_612 = arith.constant 2 : i32
        %scan3A_613 = arith.addi %scan3A_349, %scan3A_612 : i32
        %add3A_614 = arith.addi %rem3A_269, %scan3A_613 : i32
        %jit3A_615 = arith.constant 2 : i32
        %div3A_616 = arith.divsi %add3A_614, %jit3A_615 : i32
        %sign3A_617 = arith.constant 0 : i32
        %sign3A_618 = arith.cmpi sgt, %add3A_614, %sign3A_617 : i32
        %sign3A_619 = arith.extui %sign3A_618 : i1 to i32
        %sign3A_620 = arith.constant 0 : i32
        %sign3A_621 = arith.cmpi slt, %add3A_614, %sign3A_620 : i32
        %sign3A_622 = arith.extui %sign3A_621 : i1 to i32
        %sign3A_623 = arith.subi %sign3A_619, %sign3A_622 : i32
        %sign3A_624 = arith.constant 0 : i32
        %sign3A_625 = arith.cmpi sgt, %jit3A_615, %sign3A_624 : i32
        %sign3A_626 = arith.extui %sign3A_625 : i1 to i32
        %sign3A_627 = arith.constant 0 : i32
        %sign3A_628 = arith.cmpi slt, %jit3A_615, %sign3A_627 : i32
        %sign3A_629 = arith.extui %sign3A_628 : i1 to i32
        %sign3A_630 = arith.subi %sign3A_626, %sign3A_629 : i32
        %ne3A_631 = arith.cmpi ne, %sign3A_623, %sign3A_630 : i32
        %rem3A_632 = arith.remsi %add3A_614, %jit3A_615 : i32
        %ne3A_633 = arith.constant 0 : i32
        %ne3A_634 = arith.cmpi ne, %rem3A_632, %ne3A_633 : i32
        %and3A_635 = arith.andi %ne3A_631, %ne3A_634 : i1
        %sub3A_636 = arith.constant 1 : i32
        %sub3A_637 = arith.subi %div3A_616, %sub3A_636 : i32
        %select_n3A_638 = arith.select %and3A_635, %sub3A_637, %div3A_616 : i32
        %jit3A_639 = arith.constant 2 : i32
        %eq3A_640 = arith.constant 0 : i32
        %eq3A_641 = arith.cmpi eq, %jit3A_639, %eq3A_640 : i32
        %jit3A_642 = arith.constant 1 : i32
        %select_n3A_643 = arith.select %eq3A_641, %jit3A_642, %jit3A_639 : i32
        %rem3A_644 = arith.remsi %add3A_614, %select_n3A_643 : i32
        %ne3A_645 = arith.constant 0 : i32
        %ne3A_646 = arith.cmpi ne, %rem3A_644, %ne3A_645 : i32
        %lt3A_647 = arith.constant 0 : i32
        %lt3A_648 = arith.cmpi slt, %rem3A_644, %lt3A_647 : i32
        %lt3A_649 = arith.constant 0 : i32
        %lt3A_650 = arith.cmpi slt, %select_n3A_643, %lt3A_649 : i32
        %ne3A_651 = arith.xori %lt3A_648, %lt3A_650 : i1
        %and3A_652 = arith.andi %ne3A_651, %ne3A_646 : i1
        %add3A_653 = arith.addi %rem3A_644, %select_n3A_643 : i32
        %select_n3A_654 = arith.select %and3A_652, %add3A_653, %rem3A_644 : i32
        %mul3A_655 = arith.constant 64 : i32
        %mul3A_656 = arith.muli %select_n3A_654, %mul3A_655 : i32
        %get3A_657 = arith.constant 2 : i32
        %get3A_658 = arith.index_cast %get3A_657 : i32 to index
        %get3A_659 = arith.index_cast %scan3A_613 : i32 to index
        %get3A_660 = arith.constant 0 : index
        %get3A_661 = tpu.vector_load %arg8[%get3A_658, %get3A_659, %get3A_660] {strides = array<i32>} : memref<4x128x128xf32, #tpu.memory_space<vmem>>, vector<1x1x16xf32>,
        %get3A_662 = vector.shape_cast %get3A_661 : vector<1x1x16xf32> to vector<16xf32>
        %mul3A_663 = arith.constant 8.000000e+00 : f32
        %mul3A_664 = vector.broadcast %mul3A_663 : f32 to vector<16xf32>
        %mul3A_665 = arith.mulf %get3A_662, %mul3A_664 : vector<16xf32>
        %add3A_666 = arith.constant 0 : i32
        %add3A_667 = arith.addi %mul3A_656, %add3A_666 : i32
        %get3A_668 = arith.index_cast %select_n3A_638 : i32 to index
        %get3A_669 = arith.index_cast %add3A_667 : i32 to index
        %get3A_670 = tpu.vector_load %arg7[%get3A_668, %get3A_669] {strides = array<i32>} : memref<164x128xf32, #tpu.memory_space<vmem>>, vector<1x16xf32>,
        %get3A_671 = vector.shape_cast %get3A_670 : vector<1x16xf32> to vector<16xf32>
        %add3A_672 = arith.addf %mul3A_665, %get3A_671 : vector<16xf32>
        %swap3A_673 = arith.constant 2 : i32
        %swap3A_674 = arith.index_cast %swap3A_673 : i32 to index
        %swap3A_675 = arith.index_cast %scan3A_613 : i32 to index
        %swap3A_676 = arith.constant 0 : index
        %swap3A_677 = tpu.vector_load %arg8[%swap3A_674, %swap3A_675, %swap3A_676] {strides = array<i32>} : memref<4x128x128xf32, #tpu.memory_space<vmem>>, vector<1x1x16xf32>,
        %swap3A_678 = vector.shape_cast %swap3A_677 : vector<1x1x16xf32> to vector<16xf32>
        %swap3A_679 = vector.shape_cast %add3A_672 : vector<16xf32> to vector<1x1x16xf32>
        tpu.vector_store %arg8[%swap3A_674, %swap3A_675, %swap3A_676], %swap3A_679 {strides = array<i32>} : memref<4x128x128xf32, #tpu.memory_space<vmem>>, vector<1x1x16xf32>,
        %get3A_680 = arith.constant 2 : i32
        %get3A_681 = arith.index_cast %get3A_680 : i32 to index
        %get3A_682 = arith.index_cast %scan3A_613 : i32 to index
        %get3A_683 = arith.constant 16 : index
        %get3A_684 = tpu.vector_load %arg8[%get3A_681, %get3A_682, %get3A_683] {strides = array<i32>} : memref<4x128x128xf32, #tpu.memory_space<vmem>>, vector<1x1x16xf32>,
        %get3A_685 = vector.shape_cast %get3A_684 : vector<1x1x16xf32> to vector<16xf32>
        %mul3A_686 = arith.constant 8.000000e+00 : f32
        %mul3A_687 = vector.broadcast %mul3A_686 : f32 to vector<16xf32>
        %mul3A_688 = arith.mulf %get3A_685, %mul3A_687 : vector<16xf32>
        %add3A_689 = arith.constant 16 : i32
        %add3A_690 = arith.addi %mul3A_656, %add3A_689 : i32
        %get3A_691 = arith.index_cast %select_n3A_638 : i32 to index
        %get3A_692 = arith.index_cast %add3A_690 : i32 to index
        %get3A_693 = tpu.vector_load %arg7[%get3A_691, %get3A_692] {strides = array<i32>} : memref<164x128xf32, #tpu.memory_space<vmem>>, vector<1x16xf32>,
        %get3A_694 = vector.shape_cast %get3A_693 : vector<1x16xf32> to vector<16xf32>
        %add3A_695 = arith.addf %mul3A_688, %get3A_694 : vector<16xf32>
        %swap3A_696 = arith.constant 2 : i32
        %swap3A_697 = arith.index_cast %swap3A_696 : i32 to index
        %swap3A_698 = arith.index_cast %scan3A_613 : i32 to index
        %swap3A_699 = arith.constant 16 : index
        %swap3A_700 = tpu.vector_load %arg8[%swap3A_697, %swap3A_698, %swap3A_699] {strides = array<i32>} : memref<4x128x128xf32, #tpu.memory_space<vmem>>, vector<1x1x16xf32>,
        %swap3A_701 = vector.shape_cast %swap3A_700 : vector<1x1x16xf32> to vector<16xf32>
        %swap3A_702 = vector.shape_cast %add3A_695 : vector<16xf32> to vector<1x1x16xf32>
        tpu.vector_store %arg8[%swap3A_697, %swap3A_698, %swap3A_699], %swap3A_702 {strides = array<i32>} : memref<4x128x128xf32, #tpu.memory_space<vmem>>, vector<1x1x16xf32>,
        %get3A_703 = arith.constant 2 : i32
        %get3A_704 = arith.index_cast %get3A_703 : i32 to index
        %get3A_705 = arith.index_cast %scan3A_613 : i32 to index
        %get3A_706 = arith.constant 32 : index
        %get3A_707 = tpu.vector_load %arg8[%get3A_704, %get3A_705, %get3A_706] {strides = array<i32>} : memref<4x128x128xf32, #tpu.memory_space<vmem>>, vector<1x1x16xf32>,
        %get3A_708 = vector.shape_cast %get3A_707 : vector<1x1x16xf32> to vector<16xf32>
        %mul3A_709 = arith.constant 8.000000e+00 : f32
        %mul3A_710 = vector.broadcast %mul3A_709 : f32 to vector<16xf32>
        %mul3A_711 = arith.mulf %get3A_708, %mul3A_710 : vector<16xf32>
        %add3A_712 = arith.constant 32 : i32
        %add3A_713 = arith.addi %mul3A_656, %add3A_712 : i32
        %get3A_714 = arith.index_cast %select_n3A_638 : i32 to index
        %get3A_715 = arith.index_cast %add3A_713 : i32 to index
        %get3A_716 = tpu.vector_load %arg7[%get3A_714, %get3A_715] {strides = array<i32>} : memref<164x128xf32, #tpu.memory_space<vmem>>, vector<1x16xf32>,
        %get3A_717 = vector.shape_cast %get3A_716 : vector<1x16xf32> to vector<16xf32>
        %add3A_718 = arith.addf %mul3A_711, %get3A_717 : vector<16xf32>
        %swap3A_719 = arith.constant 2 : i32
        %swap3A_720 = arith.index_cast %swap3A_719 : i32 to index
        %swap3A_721 = arith.index_cast %scan3A_613 : i32 to index
        %swap3A_722 = arith.constant 32 : index
        %swap3A_723 = tpu.vector_load %arg8[%swap3A_720, %swap3A_721, %swap3A_722] {strides = array<i32>} : memref<4x128x128xf32, #tpu.memory_space<vmem>>, vector<1x1x16xf32>,
        %swap3A_724 = vector.shape_cast %swap3A_723 : vector<1x1x16xf32> to vector<16xf32>
        %swap3A_725 = vector.shape_cast %add3A_718 : vector<16xf32> to vector<1x1x16xf32>
        tpu.vector_store %arg8[%swap3A_720, %swap3A_721, %swap3A_722], %swap3A_725 {strides = array<i32>} : memref<4x128x128xf32, #tpu.memory_space<vmem>>, vector<1x1x16xf32>,
        %get3A_726 = arith.constant 2 : i32
        %get3A_727 = arith.index_cast %get3A_726 : i32 to index
        %get3A_728 = arith.index_cast %scan3A_613 : i32 to index
        %get3A_729 = arith.constant 48 : index
        %get3A_730 = tpu.vector_load %arg8[%get3A_727, %get3A_728, %get3A_729] {strides = array<i32>} : memref<4x128x128xf32, #tpu.memory_space<vmem>>, vector<1x1x16xf32>,
        %get3A_731 = vector.shape_cast %get3A_730 : vector<1x1x16xf32> to vector<16xf32>
        %mul3A_732 = arith.constant 8.000000e+00 : f32
        %mul3A_733 = vector.broadcast %mul3A_732 : f32 to vector<16xf32>
        %mul3A_734 = arith.mulf %get3A_731, %mul3A_733 : vector<16xf32>
        %add3A_735 = arith.constant 48 : i32
        %add3A_736 = arith.addi %mul3A_656, %add3A_735 : i32
        %get3A_737 = arith.index_cast %select_n3A_638 : i32 to index
        %get3A_738 = arith.index_cast %add3A_736 : i32 to index
        %get3A_739 = tpu.vector_load %arg7[%get3A_737, %get3A_738] {strides = array<i32>} : memref<164x128xf32, #tpu.memory_space<vmem>>, vector<1x16xf32>,
        %get3A_740 = vector.shape_cast %get3A_739 : vector<1x16xf32> to vector<16xf32>
        %add3A_741 = arith.addf %mul3A_734, %get3A_740 : vector<16xf32>
        %swap3A_742 = arith.constant 2 : i32
        %swap3A_743 = arith.index_cast %swap3A_742 : i32 to index
        %swap3A_744 = arith.index_cast %scan3A_613 : i32 to index
        %swap3A_745 = arith.constant 48 : index
        %swap3A_746 = tpu.vector_load %arg8[%swap3A_743, %swap3A_744, %swap3A_745] {strides = array<i32>} : memref<4x128x128xf32, #tpu.memory_space<vmem>>, vector<1x1x16xf32>,
        %swap3A_747 = vector.shape_cast %swap3A_746 : vector<1x1x16xf32> to vector<16xf32>
        %swap3A_748 = vector.shape_cast %add3A_741 : vector<16xf32> to vector<1x1x16xf32>
        tpu.vector_store %arg8[%swap3A_743, %swap3A_744, %swap3A_745], %swap3A_748 {strides = array<i32>} : memref<4x128x128xf32, #tpu.memory_space<vmem>>, vector<1x1x16xf32>,
        %scan3A_749 = arith.constant 3 : i32
        %scan3A_750 = arith.addi %scan3A_349, %scan3A_749 : i32
        %add3A_751 = arith.addi %rem3A_269, %scan3A_750 : i32
        %jit3A_752 = arith.constant 2 : i32
        %div3A_753 = arith.divsi %add3A_751, %jit3A_752 : i32
        %sign3A_754 = arith.constant 0 : i32
        %sign3A_755 = arith.cmpi sgt, %add3A_751, %sign3A_754 : i32
        %sign3A_756 = arith.extui %sign3A_755 : i1 to i32
        %sign3A_757 = arith.constant 0 : i32
        %sign3A_758 = arith.cmpi slt, %add3A_751, %sign3A_757 : i32
        %sign3A_759 = arith.extui %sign3A_758 : i1 to i32
        %sign3A_760 = arith.subi %sign3A_756, %sign3A_759 : i32
        %sign3A_761 = arith.constant 0 : i32
        %sign3A_762 = arith.cmpi sgt, %jit3A_752, %sign3A_761 : i32
        %sign3A_763 = arith.extui %sign3A_762 : i1 to i32
        %sign3A_764 = arith.constant 0 : i32
        %sign3A_765 = arith.cmpi slt, %jit3A_752, %sign3A_764 : i32
        %sign3A_766 = arith.extui %sign3A_765 : i1 to i32
        %sign3A_767 = arith.subi %sign3A_763, %sign3A_766 : i32
        %ne3A_768 = arith.cmpi ne, %sign3A_760, %sign3A_767 : i32
        %rem3A_769 = arith.remsi %add3A_751, %jit3A_752 : i32
        %ne3A_770 = arith.constant 0 : i32
        %ne3A_771 = arith.cmpi ne, %rem3A_769, %ne3A_770 : i32
        %and3A_772 = arith.andi %ne3A_768, %ne3A_771 : i1
        %sub3A_773 = arith.constant 1 : i32
        %sub3A_774 = arith.subi %div3A_753, %sub3A_773 : i32
        %select_n3A_775 = arith.select %and3A_772, %sub3A_774, %div3A_753 : i32
        %jit3A_776 = arith.constant 2 : i32
        %eq3A_777 = arith.constant 0 : i32
        %eq3A_778 = arith.cmpi eq, %jit3A_776, %eq3A_777 : i32
        %jit3A_779 = arith.constant 1 : i32
        %select_n3A_780 = arith.select %eq3A_778, %jit3A_779, %jit3A_776 : i32
        %rem3A_781 = arith.remsi %add3A_751, %select_n3A_780 : i32
        %ne3A_782 = arith.constant 0 : i32
        %ne3A_783 = arith.cmpi ne, %rem3A_781, %ne3A_782 : i32
        %lt3A_784 = arith.constant 0 : i32
        %lt3A_785 = arith.cmpi slt, %rem3A_781, %lt3A_784 : i32
        %lt3A_786 = arith.constant 0 : i32
        %lt3A_787 = arith.cmpi slt, %select_n3A_780, %lt3A_786 : i32
        %ne3A_788 = arith.xori %lt3A_785, %lt3A_787 : i1
        %and3A_789 = arith.andi %ne3A_788, %ne3A_783 : i1
        %add3A_790 = arith.addi %rem3A_781, %select_n3A_780 : i32
        %select_n3A_791 = arith.select %and3A_789, %add3A_790, %rem3A_781 : i32
        %mul3A_792 = arith.constant 64 : i32
        %mul3A_793 = arith.muli %select_n3A_791, %mul3A_792 : i32
        %get3A_794 = arith.constant 2 : i32
        %get3A_795 = arith.index_cast %get3A_794 : i32 to index
        %get3A_796 = arith.index_cast %scan3A_750 : i32 to index
        %get3A_797 = arith.constant 0 : index
        %get3A_798 = tpu.vector_load %arg8[%get3A_795, %get3A_796, %get3A_797] {strides = array<i32>} : memref<4x128x128xf32, #tpu.memory_space<vmem>>, vector<1x1x16xf32>,
        %get3A_799 = vector.shape_cast %get3A_798 : vector<1x1x16xf32> to vector<16xf32>
        %mul3A_800 = arith.constant 8.000000e+00 : f32
        %mul3A_801 = vector.broadcast %mul3A_800 : f32 to vector<16xf32>
        %mul3A_802 = arith.mulf %get3A_799, %mul3A_801 : vector<16xf32>
        %add3A_803 = arith.constant 0 : i32
        %add3A_804 = arith.addi %mul3A_793, %add3A_803 : i32
        %get3A_805 = arith.index_cast %select_n3A_775 : i32 to index
        %get3A_806 = arith.index_cast %add3A_804 : i32 to index
        %get3A_807 = tpu.vector_load %arg7[%get3A_805, %get3A_806] {strides = array<i32>} : memref<164x128xf32, #tpu.memory_space<vmem>>, vector<1x16xf32>,
        %get3A_808 = vector.shape_cast %get3A_807 : vector<1x16xf32> to vector<16xf32>
        %add3A_809 = arith.addf %mul3A_802, %get3A_808 : vector<16xf32>
        %swap3A_810 = arith.constant 2 : i32
        %swap3A_811 = arith.index_cast %swap3A_810 : i32 to index
        %swap3A_812 = arith.index_cast %scan3A_750 : i32 to index
        %swap3A_813 = arith.constant 0 : index
        %swap3A_814 = tpu.vector_load %arg8[%swap3A_811, %swap3A_812, %swap3A_813] {strides = array<i32>} : memref<4x128x128xf32, #tpu.memory_space<vmem>>, vector<1x1x16xf32>,
        %swap3A_815 = vector.shape_cast %swap3A_814 : vector<1x1x16xf32> to vector<16xf32>
        %swap3A_816 = vector.shape_cast %add3A_809 : vector<16xf32> to vector<1x1x16xf32>
        tpu.vector_store %arg8[%swap3A_811, %swap3A_812, %swap3A_813], %swap3A_816 {strides = array<i32>} : memref<4x128x128xf32, #tpu.memory_space<vmem>>, vector<1x1x16xf32>,
        %get3A_817 = arith.constant 2 : i32
        %get3A_818 = arith.index_cast %get3A_817 : i32 to index
        %get3A_819 = arith.index_cast %scan3A_750 : i32 to index
        %get3A_820 = arith.constant 16 : index
        %get3A_821 = tpu.vector_load %arg8[%get3A_818, %get3A_819, %get3A_820] {strides = array<i32>} : memref<4x128x128xf32, #tpu.memory_space<vmem>>, vector<1x1x16xf32>,
        %get3A_822 = vector.shape_cast %get3A_821 : vector<1x1x16xf32> to vector<16xf32>
        %mul3A_823 = arith.constant 8.000000e+00 : f32
        %mul3A_824 = vector.broadcast %mul3A_823 : f32 to vector<16xf32>
        %mul3A_825 = arith.mulf %get3A_822, %mul3A_824 : vector<16xf32>
        %add3A_826 = arith.constant 16 : i32
        %add3A_827 = arith.addi %mul3A_793, %add3A_826 : i32
        %get3A_828 = arith.index_cast %select_n3A_775 : i32 to index
        %get3A_829 = arith.index_cast %add3A_827 : i32 to index
        %get3A_830 = tpu.vector_load %arg7[%get3A_828, %get3A_829] {strides = array<i32>} : memref<164x128xf32, #tpu.memory_space<vmem>>, vector<1x16xf32>,
        %get3A_831 = vector.shape_cast %get3A_830 : vector<1x16xf32> to vector<16xf32>
        %add3A_832 = arith.addf %mul3A_825, %get3A_831 : vector<16xf32>
        %swap3A_833 = arith.constant 2 : i32
        %swap3A_834 = arith.index_cast %swap3A_833 : i32 to index
        %swap3A_835 = arith.index_cast %scan3A_750 : i32 to index
        %swap3A_836 = arith.constant 16 : index
        %swap3A_837 = tpu.vector_load %arg8[%swap3A_834, %swap3A_835, %swap3A_836] {strides = array<i32>} : memref<4x128x128xf32, #tpu.memory_space<vmem>>, vector<1x1x16xf32>,
        %swap3A_838 = vector.shape_cast %swap3A_837 : vector<1x1x16xf32> to vector<16xf32>
        %swap3A_839 = vector.shape_cast %add3A_832 : vector<16xf32> to vector<1x1x16xf32>
        tpu.vector_store %arg8[%swap3A_834, %swap3A_835, %swap3A_836], %swap3A_839 {strides = array<i32>} : memref<4x128x128xf32, #tpu.memory_space<vmem>>, vector<1x1x16xf32>,
        %get3A_840 = arith.constant 2 : i32
        %get3A_841 = arith.index_cast %get3A_840 : i32 to index
        %get3A_842 = arith.index_cast %scan3A_750 : i32 to index
        %get3A_843 = arith.constant 32 : index
        %get3A_844 = tpu.vector_load %arg8[%get3A_841, %get3A_842, %get3A_843] {strides = array<i32>} : memref<4x128x128xf32, #tpu.memory_space<vmem>>, vector<1x1x16xf32>,
        %get3A_845 = vector.shape_cast %get3A_844 : vector<1x1x16xf32> to vector<16xf32>
        %mul3A_846 = arith.constant 8.000000e+00 : f32
        %mul3A_847 = vector.broadcast %mul3A_846 : f32 to vector<16xf32>
        %mul3A_848 = arith.mulf %get3A_845, %mul3A_847 : vector<16xf32>
        %add3A_849 = arith.constant 32 : i32
        %add3A_850 = arith.addi %mul3A_793, %add3A_849 : i32
        %get3A_851 = arith.index_cast %select_n3A_775 : i32 to index
        %get3A_852 = arith.index_cast %add3A_850 : i32 to index
        %get3A_853 = tpu.vector_load %arg7[%get3A_851, %get3A_852] {strides = array<i32>} : memref<164x128xf32, #tpu.memory_space<vmem>>, vector<1x16xf32>,
        %get3A_854 = vector.shape_cast %get3A_853 : vector<1x16xf32> to vector<16xf32>
        %add3A_855 = arith.addf %mul3A_848, %get3A_854 : vector<16xf32>
        %swap3A_856 = arith.constant 2 : i32
        %swap3A_857 = arith.index_cast %swap3A_856 : i32 to index
        %swap3A_858 = arith.index_cast %scan3A_750 : i32 to index
        %swap3A_859 = arith.constant 32 : index
        %swap3A_860 = tpu.vector_load %arg8[%swap3A_857, %swap3A_858, %swap3A_859] {strides = array<i32>} : memref<4x128x128xf32, #tpu.memory_space<vmem>>, vector<1x1x16xf32>,
        %swap3A_861 = vector.shape_cast %swap3A_860 : vector<1x1x16xf32> to vector<16xf32>
        %swap3A_862 = vector.shape_cast %add3A_855 : vector<16xf32> to vector<1x1x16xf32>
        tpu.vector_store %arg8[%swap3A_857, %swap3A_858, %swap3A_859], %swap3A_862 {strides = array<i32>} : memref<4x128x128xf32, #tpu.memory_space<vmem>>, vector<1x1x16xf32>,
        %get3A_863 = arith.constant 2 : i32
        %get3A_864 = arith.index_cast %get3A_863 : i32 to index
        %get3A_865 = arith.index_cast %scan3A_750 : i32 to index
        %get3A_866 = arith.constant 48 : index
        %get3A_867 = tpu.vector_load %arg8[%get3A_864, %get3A_865, %get3A_866] {strides = array<i32>} : memref<4x128x128xf32, #tpu.memory_space<vmem>>, vector<1x1x16xf32>,
        %get3A_868 = vector.shape_cast %get3A_867 : vector<1x1x16xf32> to vector<16xf32>
        %mul3A_869 = arith.constant 8.000000e+00 : f32
        %mul3A_870 = vector.broadcast %mul3A_869 : f32 to vector<16xf32>
        %mul3A_871 = arith.mulf %get3A_868, %mul3A_870 : vector<16xf32>
        %add3A_872 = arith.constant 48 : i32
        %add3A_873 = arith.addi %mul3A_793, %add3A_872 : i32
        %get3A_874 = arith.index_cast %select_n3A_775 : i32 to index
        %get3A_875 = arith.index_cast %add3A_873 : i32 to index
        %get3A_876 = tpu.vector_load %arg7[%get3A_874, %get3A_875] {strides = array<i32>} : memref<164x128xf32, #tpu.memory_space<vmem>>, vector<1x16xf32>,
        %get3A_877 = vector.shape_cast %get3A_876 : vector<1x16xf32> to vector<16xf32>
        %add3A_878 = arith.addf %mul3A_871, %get3A_877 : vector<16xf32>
        %swap3A_879 = arith.constant 2 : i32
        %swap3A_880 = arith.index_cast %swap3A_879 : i32 to index
        %swap3A_881 = arith.index_cast %scan3A_750 : i32 to index
        %swap3A_882 = arith.constant 48 : index
        %swap3A_883 = tpu.vector_load %arg8[%swap3A_880, %swap3A_881, %swap3A_882] {strides = array<i32>} : memref<4x128x128xf32, #tpu.memory_space<vmem>>, vector<1x1x16xf32>,
        %swap3A_884 = vector.shape_cast %swap3A_883 : vector<1x1x16xf32> to vector<16xf32>
        %swap3A_885 = vector.shape_cast %add3A_878 : vector<16xf32> to vector<1x1x16xf32>
        tpu.vector_store %arg8[%swap3A_880, %swap3A_881, %swap3A_882], %swap3A_885 {strides = array<i32>} : memref<4x128x128xf32, #tpu.memory_space<vmem>>, vector<1x1x16xf32>,
      }
      %scan3A_275 = arith.constant 128 : i32
      %mul3A_276 = arith.constant 128 : i32
      %mul3A_277 = arith.muli %add3A_244, %mul3A_276 : i32
      %add3A_278 = arith.addi %mul3A_2, %mul3A_277 : i32
      %dma_start3A_279 = arith.constant 2 : i32
      %dma_start3A_280 = arith.constant 2 : i32
      %dma_start3A_281 = arith.constant 0 : i32
      %dma_start3A_282 = arith.constant 0 : i32
      %dma_start3A_283 = tpu.memref_slice %arg8[%dma_start3A_279, %dma_start3A_281, %dma_start3A_282] : memref<4x128x128xf32, #tpu.memory_space<vmem>> -> memref<1x128x128xf32, #tpu.memory_space<vmem>>
      %dma_start3A_284 = tpu.memref_squeeze %dma_start3A_283 : memref<1x128x128xf32, #tpu.memory_space<vmem>> -> memref<128x128xf32, #tpu.memory_space<vmem>>
      %dma_start3A_285 = arith.constant 0 : i32
      %dma_start3A_286 = tpu.memref_slice %arg5[%add3A_278, %dma_start3A_285] : memref<819200x128xf32, #tpu.memory_space<hbm>> -> memref<128x128xf32, #tpu.memory_space<hbm>>
      %dma_start3A_287 = tpu.memref_slice %arg10[%dma_start3A_280] : memref<4x!tpu.dma_semaphore, #tpu.memory_space<semaphore_mem>> -> memref<1x!tpu.dma_semaphore, #tpu.memory_space<semaphore_mem>>
      %dma_start3A_288 = tpu.memref_squeeze %dma_start3A_287 : memref<1x!tpu.dma_semaphore, #tpu.memory_space<semaphore_mem>> -> memref<!tpu.dma_semaphore, #tpu.memory_space<semaphore_mem>>
      %dma_start3A_289 = arith.constant 0 : i32
      %dma_start3A_290 = tpu.memref_slice %arg5[%add3A_278, %dma_start3A_289] : memref<819200x128xf32, #tpu.memory_space<hbm>> -> memref<128x128xf32, #tpu.memory_space<hbm>>
      %dma_start3A_291 = arith.constant 0 : i32
      %dma_start3A_292 = arith.constant 0 : i32
      %dma_start3A_293 = tpu.memref_slice %arg8[%dma_start3A_279, %dma_start3A_291, %dma_start3A_292] : memref<4x128x128xf32, #tpu.memory_space<vmem>> -> memref<1x128x128xf32, #tpu.memory_space<vmem>>
      %dma_start3A_294 = tpu.memref_squeeze %dma_start3A_293 : memref<1x128x128xf32, #tpu.memory_space<vmem>> -> memref<128x128xf32, #tpu.memory_space<vmem>>
      tpu.enqueue_dma source(%dma_start3A_294 : memref<128x128xf32, #tpu.memory_space<vmem>>) target(%dma_start3A_290 : memref<128x128xf32, #tpu.memory_space<hbm>>) target_semaphore(%dma_start3A_288 : memref<!tpu.dma_semaphore, #tpu.memory_space<semaphore_mem>>)
      %mul3A_295 = arith.constant 4 : i32
      %mul3A_296 = arith.muli %scan3A_123, %mul3A_295 : i32
      %add3A_297 = arith.constant 3 : i32
      %add3A_298 = arith.addi %mul3A_296, %add3A_297 : i32
      %add3A_299 = arith.constant 3 : i32
      %add3A_300 = arith.addi %add3A_298, %add3A_299 : i32
      %lt3A_301 = arith.constant 200 : i32
      %lt3A_302 = arith.cmpi slt, %add3A_300, %lt3A_301 : i32
      %convert_element_type3A_303 = arith.extui %lt3A_302 : i1 to i32
      %cond3A_304 = arith.constant 0 : i32
      %cond3A_305 = arith.cmpi ne, %convert_element_type3A_303, %cond3A_304 : i32
      scf.if %cond3A_305 {
        %sub3A = arith.constant 1 : i32
        %sub3A_349 = arith.subi %add3A_298, %sub3A : i32
        %mul3A_350 = arith.constant 128 : i32
        %mul3A_351 = arith.muli %sub3A_349, %mul3A_350 : i32
        %add3A_352 = arith.addi %mul3A_2, %mul3A_351 : i32
        %dma_wait3A_353 = arith.constant 2 : i32
        %dma_wait3A_354 = arith.constant 2 : i32
        %dma_wait3A_355 = arith.constant 0 : i32
        %dma_wait3A_356 = arith.constant 0 : i32
        %dma_wait3A_357 = tpu.memref_slice %arg8[%dma_wait3A_353, %dma_wait3A_355, %dma_wait3A_356] : memref<4x128x128xf32, #tpu.memory_space<vmem>> -> memref<1x128x128xf32, #tpu.memory_space<vmem>>
        %dma_wait3A_358 = tpu.memref_squeeze %dma_wait3A_357 : memref<1x128x128xf32, #tpu.memory_space<vmem>> -> memref<128x128xf32, #tpu.memory_space<vmem>>
        %dma_wait3A_359 = arith.constant 0 : i32
        %dma_wait3A_360 = tpu.memref_slice %arg5[%add3A_352, %dma_wait3A_359] : memref<819200x128xf32, #tpu.memory_space<hbm>> -> memref<128x128xf32, #tpu.memory_space<hbm>>
        %dma_wait3A_361 = tpu.memref_slice %arg10[%dma_wait3A_354] : memref<4x!tpu.dma_semaphore, #tpu.memory_space<semaphore_mem>> -> memref<1x!tpu.dma_semaphore, #tpu.memory_space<semaphore_mem>>
        %dma_wait3A_362 = tpu.memref_squeeze %dma_wait3A_361 : memref<1x!tpu.dma_semaphore, #tpu.memory_space<semaphore_mem>> -> memref<!tpu.dma_semaphore, #tpu.memory_space<semaphore_mem>>
        %dma_wait3A_363 = arith.constant 0 : i32
        %dma_wait3A_364 = tpu.memref_slice %arg5[%add3A_352, %dma_wait3A_363] : memref<819200x128xf32, #tpu.memory_space<hbm>> -> memref<128x128xf32, #tpu.memory_space<hbm>>
        %dma_wait3A_365 = arith.constant 0 : i32
        %dma_wait3A_366 = arith.constant 0 : i32
        %dma_wait3A_367 = tpu.memref_slice %arg8[%dma_wait3A_353, %dma_wait3A_365, %dma_wait3A_366] : memref<4x128x128xf32, #tpu.memory_space<vmem>> -> memref<1x128x128xf32, #tpu.memory_space<vmem>>
        %dma_wait3A_368 = tpu.memref_squeeze %dma_wait3A_367 : memref<1x128x128xf32, #tpu.memory_space<vmem>> -> memref<128x128xf32, #tpu.memory_space<vmem>>
        tpu.wait_dma2 semaphore(%dma_wait3A_362 : memref<!tpu.dma_semaphore, #tpu.memory_space<semaphore_mem>>) src(%dma_wait3A_368 : memref<128x128xf32, #tpu.memory_space<vmem>>) dst(%dma_wait3A_364 : memref<128x128xf32, #tpu.memory_space<hbm>>)
        %dma_start3A_369 = arith.constant 2 : i32
        %dma_start3A_370 = arith.constant 2 : i32
        %dma_start3A_371 = arith.constant 0 : i32
        %dma_start3A_372 = arith.constant 0 : i32
        %dma_start3A_373 = tpu.memref_slice %arg8[%dma_start3A_369, %dma_start3A_371, %dma_start3A_372] : memref<4x128x128xf32, #tpu.memory_space<vmem>> -> memref<1x128x128xf32, #tpu.memory_space<vmem>>
        %dma_start3A_374 = tpu.memref_squeeze %dma_start3A_373 : memref<1x128x128xf32, #tpu.memory_space<vmem>> -> memref<128x128xf32, #tpu.memory_space<vmem>>
        %dma_start3A_375 = arith.constant 0 : i32
        %dma_start3A_376 = tpu.memref_slice %arg6[%add3A_300, %dma_start3A_375] : memref<200x128xi32, #tpu.memory_space<vmem>> -> memref<1x128xi32, #tpu.memory_space<vmem>>
        %dma_start3A_377 = tpu.memref_squeeze %dma_start3A_376 : memref<1x128xi32, #tpu.memory_space<vmem>> -> memref<128xi32, #tpu.memory_space<vmem>>
        %dma_start3A_378 = arith.constant 0 : i32
        %dma_start3A_379 = arith.constant 0 : i32
        %dma_start3A_380 = tpu.memref_slice %arg3[%dma_start3A_378, %dma_start3A_379] : memref<1000000x128xf32, #tpu.memory_space<hbm>> -> memref<1000000x128xf32, #tpu.memory_space<hbm>>
        %dma_start3A_381 = tpu.memref_slice %arg9[%dma_start3A_370] : memref<4x!tpu.dma_semaphore, #tpu.memory_space<semaphore_mem>> -> memref<1x!tpu.dma_semaphore, #tpu.memory_space<semaphore_mem>>
        %dma_start3A_382 = tpu.memref_squeeze %dma_start3A_381 : memref<1x!tpu.dma_semaphore, #tpu.memory_space<semaphore_mem>> -> memref<!tpu.dma_semaphore, #tpu.memory_space<semaphore_mem>>
        tpu.enqueue_indirect_dma source(%dma_start3A_380 : memref<1000000x128xf32, #tpu.memory_space<hbm>>) target(%dma_start3A_374 : memref<128x128xf32, #tpu.memory_space<vmem>>) offsets(%dma_start3A_377 : memref<128xi32, #tpu.memory_space<vmem>>) semaphore(%dma_start3A_382 : memref<!tpu.dma_semaphore, #tpu.memory_space<semaphore_mem>>)
      } else {
      }
      %dma_wait3A_306 = arith.constant 3 : i32
      %dma_wait3A_307 = arith.constant 3 : i32
      %dma_wait3A_308 = arith.constant 0 : i32
      %dma_wait3A_309 = arith.constant 0 : i32
      %dma_wait3A_310 = tpu.memref_slice %arg8[%dma_wait3A_306, %dma_wait3A_308, %dma_wait3A_309] : memref<4x128x128xf32, #tpu.memory_space<vmem>> -> memref<1x128x128xf32, #tpu.memory_space<vmem>>
      %dma_wait3A_311 = tpu.memref_squeeze %dma_wait3A_310 : memref<1x128x128xf32, #tpu.memory_space<vmem>> -> memref<128x128xf32, #tpu.memory_space<vmem>>
      %dma_wait3A_312 = arith.constant 0 : i32
      %dma_wait3A_313 = tpu.memref_slice %arg6[%add3A_298, %dma_wait3A_312] : memref<200x128xi32, #tpu.memory_space<vmem>> -> memref<1x128xi32, #tpu.memory_space<vmem>>
      %dma_wait3A_314 = tpu.memref_squeeze %dma_wait3A_313 : memref<1x128xi32, #tpu.memory_space<vmem>> -> memref<128xi32, #tpu.memory_space<vmem>>
      %dma_wait3A_315 = arith.constant 0 : i32
      %dma_wait3A_316 = arith.constant 0 : i32
      %dma_wait3A_317 = tpu.memref_slice %arg3[%dma_wait3A_315, %dma_wait3A_316] : memref<1000000x128xf32, #tpu.memory_space<hbm>> -> memref<1000000x128xf32, #tpu.memory_space<hbm>>
      %dma_wait3A_318 = tpu.memref_slice %arg9[%dma_wait3A_307] : memref<4x!tpu.dma_semaphore, #tpu.memory_space<semaphore_mem>> -> memref<1x!tpu.dma_semaphore, #tpu.memory_space<semaphore_mem>>
      %dma_wait3A_319 = tpu.memref_squeeze %dma_wait3A_318 : memref<1x!tpu.dma_semaphore, #tpu.memory_space<semaphore_mem>> -> memref<!tpu.dma_semaphore, #tpu.memory_space<semaphore_mem>>
      tpu.wait_indirect_dma semaphore(%dma_wait3A_319 : memref<!tpu.dma_semaphore, #tpu.memory_space<semaphore_mem>>) src(%dma_wait3A_317 : memref<1000000x128xf32, #tpu.memory_space<hbm>>) dst(%dma_wait3A_311 : memref<128x128xf32, #tpu.memory_space<vmem>>)
      %mul3A_320 = arith.constant 128 : i32
      %mul3A_321 = arith.muli %add3A_298, %mul3A_320 : i32
      %rem3A_322 = arith.constant 200 : i32
      %rem3A_323 = arith.remsi %mul3A_321, %rem3A_322 : i32
      %scan3A_324 = arith.constant 0 : i32
      %scan3A_325 = arith.constant 0 : i32
      %scan3A_326 = arith.constant 128 : i32
      %scan3A_327 = arith.addi %scan3A_325, %scan3A_326 : i32
      %scan3A_328 = arith.constant 4 : i32
      scf.for %scan3A_349 = %scan3A_325 to %scan3A_327 step %scan3A_328  : i32 {
        %add3A_350 = arith.addi %rem3A_323, %scan3A_349 : i32
        %jit3A = arith.constant 2 : i32
        %div3A = arith.divsi %add3A_350, %jit3A : i32
        %sign3A = arith.constant 0 : i32
        %sign3A_351 = arith.cmpi sgt, %add3A_350, %sign3A : i32
        %sign3A_352 = arith.extui %sign3A_351 : i1 to i32
        %sign3A_353 = arith.constant 0 : i32
        %sign3A_354 = arith.cmpi slt, %add3A_350, %sign3A_353 : i32
        %sign3A_355 = arith.extui %sign3A_354 : i1 to i32
        %sign3A_356 = arith.subi %sign3A_352, %sign3A_355 : i32
        %sign3A_357 = arith.constant 0 : i32
        %sign3A_358 = arith.cmpi sgt, %jit3A, %sign3A_357 : i32
        %sign3A_359 = arith.extui %sign3A_358 : i1 to i32
        %sign3A_360 = arith.constant 0 : i32
        %sign3A_361 = arith.cmpi slt, %jit3A, %sign3A_360 : i32
        %sign3A_362 = arith.extui %sign3A_361 : i1 to i32
        %sign3A_363 = arith.subi %sign3A_359, %sign3A_362 : i32
        %ne3A = arith.cmpi ne, %sign3A_356, %sign3A_363 : i32
        %rem3A_364 = arith.remsi %add3A_350, %jit3A : i32
        %ne3A_365 = arith.constant 0 : i32
        %ne3A_366 = arith.cmpi ne, %rem3A_364, %ne3A_365 : i32
        %and3A = arith.andi %ne3A, %ne3A_366 : i1
        %sub3A = arith.constant 1 : i32
        %sub3A_367 = arith.subi %div3A, %sub3A : i32
        %select_n3A = arith.select %and3A, %sub3A_367, %div3A : i32
        %jit3A_368 = arith.constant 2 : i32
        %eq3A = arith.constant 0 : i32
        %eq3A_369 = arith.cmpi eq, %jit3A_368, %eq3A : i32
        %jit3A_370 = arith.constant 1 : i32
        %select_n3A_371 = arith.select %eq3A_369, %jit3A_370, %jit3A_368 : i32
        %rem3A_372 = arith.remsi %add3A_350, %select_n3A_371 : i32
        %ne3A_373 = arith.constant 0 : i32
        %ne3A_374 = arith.cmpi ne, %rem3A_372, %ne3A_373 : i32
        %lt3A_375 = arith.constant 0 : i32
        %lt3A_376 = arith.cmpi slt, %rem3A_372, %lt3A_375 : i32
        %lt3A_377 = arith.constant 0 : i32
        %lt3A_378 = arith.cmpi slt, %select_n3A_371, %lt3A_377 : i32
        %ne3A_379 = arith.xori %lt3A_376, %lt3A_378 : i1
        %and3A_380 = arith.andi %ne3A_379, %ne3A_374 : i1
        %add3A_381 = arith.addi %rem3A_372, %select_n3A_371 : i32
        %select_n3A_382 = arith.select %and3A_380, %add3A_381, %rem3A_372 : i32
        %mul3A_383 = arith.constant 64 : i32
        %mul3A_384 = arith.muli %select_n3A_382, %mul3A_383 : i32
        %get3A = arith.constant 3 : i32
        %get3A_385 = arith.index_cast %get3A : i32 to index
        %get3A_386 = arith.index_cast %scan3A_349 : i32 to index
        %get3A_387 = arith.constant 0 : index
        %get3A_388 = tpu.vector_load %arg8[%get3A_385, %get3A_386, %get3A_387] {strides = array<i32>} : memref<4x128x128xf32, #tpu.memory_space<vmem>>, vector<1x1x16xf32>,
        %get3A_389 = vector.shape_cast %get3A_388 : vector<1x1x16xf32> to vector<16xf32>
        %mul3A_390 = arith.constant 8.000000e+00 : f32
        %mul3A_391 = vector.broadcast %mul3A_390 : f32 to vector<16xf32>
        %mul3A_392 = arith.mulf %get3A_389, %mul3A_391 : vector<16xf32>
        %add3A_393 = arith.constant 0 : i32
        %add3A_394 = arith.addi %mul3A_384, %add3A_393 : i32
        %get3A_395 = arith.index_cast %select_n3A : i32 to index
        %get3A_396 = arith.index_cast %add3A_394 : i32 to index
        %get3A_397 = tpu.vector_load %arg7[%get3A_395, %get3A_396] {strides = array<i32>} : memref<164x128xf32, #tpu.memory_space<vmem>>, vector<1x16xf32>,
        %get3A_398 = vector.shape_cast %get3A_397 : vector<1x16xf32> to vector<16xf32>
        %add3A_399 = arith.addf %mul3A_392, %get3A_398 : vector<16xf32>
        %swap3A = arith.constant 3 : i32
        %swap3A_400 = arith.index_cast %swap3A : i32 to index
        %swap3A_401 = arith.index_cast %scan3A_349 : i32 to index
        %swap3A_402 = arith.constant 0 : index
        %swap3A_403 = tpu.vector_load %arg8[%swap3A_400, %swap3A_401, %swap3A_402] {strides = array<i32>} : memref<4x128x128xf32, #tpu.memory_space<vmem>>, vector<1x1x16xf32>,
        %swap3A_404 = vector.shape_cast %swap3A_403 : vector<1x1x16xf32> to vector<16xf32>
        %swap3A_405 = vector.shape_cast %add3A_399 : vector<16xf32> to vector<1x1x16xf32>
        tpu.vector_store %arg8[%swap3A_400, %swap3A_401, %swap3A_402], %swap3A_405 {strides = array<i32>} : memref<4x128x128xf32, #tpu.memory_space<vmem>>, vector<1x1x16xf32>,
        %get3A_406 = arith.constant 3 : i32
        %get3A_407 = arith.index_cast %get3A_406 : i32 to index
        %get3A_408 = arith.index_cast %scan3A_349 : i32 to index
        %get3A_409 = arith.constant 16 : index
        %get3A_410 = tpu.vector_load %arg8[%get3A_407, %get3A_408, %get3A_409] {strides = array<i32>} : memref<4x128x128xf32, #tpu.memory_space<vmem>>, vector<1x1x16xf32>,
        %get3A_411 = vector.shape_cast %get3A_410 : vector<1x1x16xf32> to vector<16xf32>
        %mul3A_412 = arith.constant 8.000000e+00 : f32
        %mul3A_413 = vector.broadcast %mul3A_412 : f32 to vector<16xf32>
        %mul3A_414 = arith.mulf %get3A_411, %mul3A_413 : vector<16xf32>
        %add3A_415 = arith.constant 16 : i32
        %add3A_416 = arith.addi %mul3A_384, %add3A_415 : i32
        %get3A_417 = arith.index_cast %select_n3A : i32 to index
        %get3A_418 = arith.index_cast %add3A_416 : i32 to index
        %get3A_419 = tpu.vector_load %arg7[%get3A_417, %get3A_418] {strides = array<i32>} : memref<164x128xf32, #tpu.memory_space<vmem>>, vector<1x16xf32>,
        %get3A_420 = vector.shape_cast %get3A_419 : vector<1x16xf32> to vector<16xf32>
        %add3A_421 = arith.addf %mul3A_414, %get3A_420 : vector<16xf32>
        %swap3A_422 = arith.constant 3 : i32
        %swap3A_423 = arith.index_cast %swap3A_422 : i32 to index
        %swap3A_424 = arith.index_cast %scan3A_349 : i32 to index
        %swap3A_425 = arith.constant 16 : index
        %swap3A_426 = tpu.vector_load %arg8[%swap3A_423, %swap3A_424, %swap3A_425] {strides = array<i32>} : memref<4x128x128xf32, #tpu.memory_space<vmem>>, vector<1x1x16xf32>,
        %swap3A_427 = vector.shape_cast %swap3A_426 : vector<1x1x16xf32> to vector<16xf32>
        %swap3A_428 = vector.shape_cast %add3A_421 : vector<16xf32> to vector<1x1x16xf32>
        tpu.vector_store %arg8[%swap3A_423, %swap3A_424, %swap3A_425], %swap3A_428 {strides = array<i32>} : memref<4x128x128xf32, #tpu.memory_space<vmem>>, vector<1x1x16xf32>,
        %get3A_429 = arith.constant 3 : i32
        %get3A_430 = arith.index_cast %get3A_429 : i32 to index
        %get3A_431 = arith.index_cast %scan3A_349 : i32 to index
        %get3A_432 = arith.constant 32 : index
        %get3A_433 = tpu.vector_load %arg8[%get3A_430, %get3A_431, %get3A_432] {strides = array<i32>} : memref<4x128x128xf32, #tpu.memory_space<vmem>>, vector<1x1x16xf32>,
        %get3A_434 = vector.shape_cast %get3A_433 : vector<1x1x16xf32> to vector<16xf32>
        %mul3A_435 = arith.constant 8.000000e+00 : f32
        %mul3A_436 = vector.broadcast %mul3A_435 : f32 to vector<16xf32>
        %mul3A_437 = arith.mulf %get3A_434, %mul3A_436 : vector<16xf32>
        %add3A_438 = arith.constant 32 : i32
        %add3A_439 = arith.addi %mul3A_384, %add3A_438 : i32
        %get3A_440 = arith.index_cast %select_n3A : i32 to index
        %get3A_441 = arith.index_cast %add3A_439 : i32 to index
        %get3A_442 = tpu.vector_load %arg7[%get3A_440, %get3A_441] {strides = array<i32>} : memref<164x128xf32, #tpu.memory_space<vmem>>, vector<1x16xf32>,
        %get3A_443 = vector.shape_cast %get3A_442 : vector<1x16xf32> to vector<16xf32>
        %add3A_444 = arith.addf %mul3A_437, %get3A_443 : vector<16xf32>
        %swap3A_445 = arith.constant 3 : i32
        %swap3A_446 = arith.index_cast %swap3A_445 : i32 to index
        %swap3A_447 = arith.index_cast %scan3A_349 : i32 to index
        %swap3A_448 = arith.constant 32 : index
        %swap3A_449 = tpu.vector_load %arg8[%swap3A_446, %swap3A_447, %swap3A_448] {strides = array<i32>} : memref<4x128x128xf32, #tpu.memory_space<vmem>>, vector<1x1x16xf32>,
        %swap3A_450 = vector.shape_cast %swap3A_449 : vector<1x1x16xf32> to vector<16xf32>
        %swap3A_451 = vector.shape_cast %add3A_444 : vector<16xf32> to vector<1x1x16xf32>
        tpu.vector_store %arg8[%swap3A_446, %swap3A_447, %swap3A_448], %swap3A_451 {strides = array<i32>} : memref<4x128x128xf32, #tpu.memory_space<vmem>>, vector<1x1x16xf32>,
        %get3A_452 = arith.constant 3 : i32
        %get3A_453 = arith.index_cast %get3A_452 : i32 to index
        %get3A_454 = arith.index_cast %scan3A_349 : i32 to index
        %get3A_455 = arith.constant 48 : index
        %get3A_456 = tpu.vector_load %arg8[%get3A_453, %get3A_454, %get3A_455] {strides = array<i32>} : memref<4x128x128xf32, #tpu.memory_space<vmem>>, vector<1x1x16xf32>,
        %get3A_457 = vector.shape_cast %get3A_456 : vector<1x1x16xf32> to vector<16xf32>
        %mul3A_458 = arith.constant 8.000000e+00 : f32
        %mul3A_459 = vector.broadcast %mul3A_458 : f32 to vector<16xf32>
        %mul3A_460 = arith.mulf %get3A_457, %mul3A_459 : vector<16xf32>
        %add3A_461 = arith.constant 48 : i32
        %add3A_462 = arith.addi %mul3A_384, %add3A_461 : i32
        %get3A_463 = arith.index_cast %select_n3A : i32 to index
        %get3A_464 = arith.index_cast %add3A_462 : i32 to index
        %get3A_465 = tpu.vector_load %arg7[%get3A_463, %get3A_464] {strides = array<i32>} : memref<164x128xf32, #tpu.memory_space<vmem>>, vector<1x16xf32>,
        %get3A_466 = vector.shape_cast %get3A_465 : vector<1x16xf32> to vector<16xf32>
        %add3A_467 = arith.addf %mul3A_460, %get3A_466 : vector<16xf32>
        %swap3A_468 = arith.constant 3 : i32
        %swap3A_469 = arith.index_cast %swap3A_468 : i32 to index
        %swap3A_470 = arith.index_cast %scan3A_349 : i32 to index
        %swap3A_471 = arith.constant 48 : index
        %swap3A_472 = tpu.vector_load %arg8[%swap3A_469, %swap3A_470, %swap3A_471] {strides = array<i32>} : memref<4x128x128xf32, #tpu.memory_space<vmem>>, vector<1x1x16xf32>,
        %swap3A_473 = vector.shape_cast %swap3A_472 : vector<1x1x16xf32> to vector<16xf32>
        %swap3A_474 = vector.shape_cast %add3A_467 : vector<16xf32> to vector<1x1x16xf32>
        tpu.vector_store %arg8[%swap3A_469, %swap3A_470, %swap3A_471], %swap3A_474 {strides = array<i32>} : memref<4x128x128xf32, #tpu.memory_space<vmem>>, vector<1x1x16xf32>,
        %scan3A_475 = arith.constant 1 : i32
        %scan3A_476 = arith.addi %scan3A_349, %scan3A_475 : i32
        %add3A_477 = arith.addi %rem3A_323, %scan3A_476 : i32
        %jit3A_478 = arith.constant 2 : i32
        %div3A_479 = arith.divsi %add3A_477, %jit3A_478 : i32
        %sign3A_480 = arith.constant 0 : i32
        %sign3A_481 = arith.cmpi sgt, %add3A_477, %sign3A_480 : i32
        %sign3A_482 = arith.extui %sign3A_481 : i1 to i32
        %sign3A_483 = arith.constant 0 : i32
        %sign3A_484 = arith.cmpi slt, %add3A_477, %sign3A_483 : i32
        %sign3A_485 = arith.extui %sign3A_484 : i1 to i32
        %sign3A_486 = arith.subi %sign3A_482, %sign3A_485 : i32
        %sign3A_487 = arith.constant 0 : i32
        %sign3A_488 = arith.cmpi sgt, %jit3A_478, %sign3A_487 : i32
        %sign3A_489 = arith.extui %sign3A_488 : i1 to i32
        %sign3A_490 = arith.constant 0 : i32
        %sign3A_491 = arith.cmpi slt, %jit3A_478, %sign3A_490 : i32
        %sign3A_492 = arith.extui %sign3A_491 : i1 to i32
        %sign3A_493 = arith.subi %sign3A_489, %sign3A_492 : i32
        %ne3A_494 = arith.cmpi ne, %sign3A_486, %sign3A_493 : i32
        %rem3A_495 = arith.remsi %add3A_477, %jit3A_478 : i32
        %ne3A_496 = arith.constant 0 : i32
        %ne3A_497 = arith.cmpi ne, %rem3A_495, %ne3A_496 : i32
        %and3A_498 = arith.andi %ne3A_494, %ne3A_497 : i1
        %sub3A_499 = arith.constant 1 : i32
        %sub3A_500 = arith.subi %div3A_479, %sub3A_499 : i32
        %select_n3A_501 = arith.select %and3A_498, %sub3A_500, %div3A_479 : i32
        %jit3A_502 = arith.constant 2 : i32
        %eq3A_503 = arith.constant 0 : i32
        %eq3A_504 = arith.cmpi eq, %jit3A_502, %eq3A_503 : i32
        %jit3A_505 = arith.constant 1 : i32
        %select_n3A_506 = arith.select %eq3A_504, %jit3A_505, %jit3A_502 : i32
        %rem3A_507 = arith.remsi %add3A_477, %select_n3A_506 : i32
        %ne3A_508 = arith.constant 0 : i32
        %ne3A_509 = arith.cmpi ne, %rem3A_507, %ne3A_508 : i32
        %lt3A_510 = arith.constant 0 : i32
        %lt3A_511 = arith.cmpi slt, %rem3A_507, %lt3A_510 : i32
        %lt3A_512 = arith.constant 0 : i32
        %lt3A_513 = arith.cmpi slt, %select_n3A_506, %lt3A_512 : i32
        %ne3A_514 = arith.xori %lt3A_511, %lt3A_513 : i1
        %and3A_515 = arith.andi %ne3A_514, %ne3A_509 : i1
        %add3A_516 = arith.addi %rem3A_507, %select_n3A_506 : i32
        %select_n3A_517 = arith.select %and3A_515, %add3A_516, %rem3A_507 : i32
        %mul3A_518 = arith.constant 64 : i32
        %mul3A_519 = arith.muli %select_n3A_517, %mul3A_518 : i32
        %get3A_520 = arith.constant 3 : i32
        %get3A_521 = arith.index_cast %get3A_520 : i32 to index
        %get3A_522 = arith.index_cast %scan3A_476 : i32 to index
        %get3A_523 = arith.constant 0 : index
        %get3A_524 = tpu.vector_load %arg8[%get3A_521, %get3A_522, %get3A_523] {strides = array<i32>} : memref<4x128x128xf32, #tpu.memory_space<vmem>>, vector<1x1x16xf32>,
        %get3A_525 = vector.shape_cast %get3A_524 : vector<1x1x16xf32> to vector<16xf32>
        %mul3A_526 = arith.constant 8.000000e+00 : f32
        %mul3A_527 = vector.broadcast %mul3A_526 : f32 to vector<16xf32>
        %mul3A_528 = arith.mulf %get3A_525, %mul3A_527 : vector<16xf32>
        %add3A_529 = arith.constant 0 : i32
        %add3A_530 = arith.addi %mul3A_519, %add3A_529 : i32
        %get3A_531 = arith.index_cast %select_n3A_501 : i32 to index
        %get3A_532 = arith.index_cast %add3A_530 : i32 to index
        %get3A_533 = tpu.vector_load %arg7[%get3A_531, %get3A_532] {strides = array<i32>} : memref<164x128xf32, #tpu.memory_space<vmem>>, vector<1x16xf32>,
        %get3A_534 = vector.shape_cast %get3A_533 : vector<1x16xf32> to vector<16xf32>
        %add3A_535 = arith.addf %mul3A_528, %get3A_534 : vector<16xf32>
        %swap3A_536 = arith.constant 3 : i32
        %swap3A_537 = arith.index_cast %swap3A_536 : i32 to index
        %swap3A_538 = arith.index_cast %scan3A_476 : i32 to index
        %swap3A_539 = arith.constant 0 : index
        %swap3A_540 = tpu.vector_load %arg8[%swap3A_537, %swap3A_538, %swap3A_539] {strides = array<i32>} : memref<4x128x128xf32, #tpu.memory_space<vmem>>, vector<1x1x16xf32>,
        %swap3A_541 = vector.shape_cast %swap3A_540 : vector<1x1x16xf32> to vector<16xf32>
        %swap3A_542 = vector.shape_cast %add3A_535 : vector<16xf32> to vector<1x1x16xf32>
        tpu.vector_store %arg8[%swap3A_537, %swap3A_538, %swap3A_539], %swap3A_542 {strides = array<i32>} : memref<4x128x128xf32, #tpu.memory_space<vmem>>, vector<1x1x16xf32>,
        %get3A_543 = arith.constant 3 : i32
        %get3A_544 = arith.index_cast %get3A_543 : i32 to index
        %get3A_545 = arith.index_cast %scan3A_476 : i32 to index
        %get3A_546 = arith.constant 16 : index
        %get3A_547 = tpu.vector_load %arg8[%get3A_544, %get3A_545, %get3A_546] {strides = array<i32>} : memref<4x128x128xf32, #tpu.memory_space<vmem>>, vector<1x1x16xf32>,
        %get3A_548 = vector.shape_cast %get3A_547 : vector<1x1x16xf32> to vector<16xf32>
        %mul3A_549 = arith.constant 8.000000e+00 : f32
        %mul3A_550 = vector.broadcast %mul3A_549 : f32 to vector<16xf32>
        %mul3A_551 = arith.mulf %get3A_548, %mul3A_550 : vector<16xf32>
        %add3A_552 = arith.constant 16 : i32
        %add3A_553 = arith.addi %mul3A_519, %add3A_552 : i32
        %get3A_554 = arith.index_cast %select_n3A_501 : i32 to index
        %get3A_555 = arith.index_cast %add3A_553 : i32 to index
        %get3A_556 = tpu.vector_load %arg7[%get3A_554, %get3A_555] {strides = array<i32>} : memref<164x128xf32, #tpu.memory_space<vmem>>, vector<1x16xf32>,
        %get3A_557 = vector.shape_cast %get3A_556 : vector<1x16xf32> to vector<16xf32>
        %add3A_558 = arith.addf %mul3A_551, %get3A_557 : vector<16xf32>
        %swap3A_559 = arith.constant 3 : i32
        %swap3A_560 = arith.index_cast %swap3A_559 : i32 to index
        %swap3A_561 = arith.index_cast %scan3A_476 : i32 to index
        %swap3A_562 = arith.constant 16 : index
        %swap3A_563 = tpu.vector_load %arg8[%swap3A_560, %swap3A_561, %swap3A_562] {strides = array<i32>} : memref<4x128x128xf32, #tpu.memory_space<vmem>>, vector<1x1x16xf32>,
        %swap3A_564 = vector.shape_cast %swap3A_563 : vector<1x1x16xf32> to vector<16xf32>
        %swap3A_565 = vector.shape_cast %add3A_558 : vector<16xf32> to vector<1x1x16xf32>
        tpu.vector_store %arg8[%swap3A_560, %swap3A_561, %swap3A_562], %swap3A_565 {strides = array<i32>} : memref<4x128x128xf32, #tpu.memory_space<vmem>>, vector<1x1x16xf32>,
        %get3A_566 = arith.constant 3 : i32
        %get3A_567 = arith.index_cast %get3A_566 : i32 to index
        %get3A_568 = arith.index_cast %scan3A_476 : i32 to index
        %get3A_569 = arith.constant 32 : index
        %get3A_570 = tpu.vector_load %arg8[%get3A_567, %get3A_568, %get3A_569] {strides = array<i32>} : memref<4x128x128xf32, #tpu.memory_space<vmem>>, vector<1x1x16xf32>,
        %get3A_571 = vector.shape_cast %get3A_570 : vector<1x1x16xf32> to vector<16xf32>
        %mul3A_572 = arith.constant 8.000000e+00 : f32
        %mul3A_573 = vector.broadcast %mul3A_572 : f32 to vector<16xf32>
        %mul3A_574 = arith.mulf %get3A_571, %mul3A_573 : vector<16xf32>
        %add3A_575 = arith.constant 32 : i32
        %add3A_576 = arith.addi %mul3A_519, %add3A_575 : i32
        %get3A_577 = arith.index_cast %select_n3A_501 : i32 to index
        %get3A_578 = arith.index_cast %add3A_576 : i32 to index
        %get3A_579 = tpu.vector_load %arg7[%get3A_577, %get3A_578] {strides = array<i32>} : memref<164x128xf32, #tpu.memory_space<vmem>>, vector<1x16xf32>,
        %get3A_580 = vector.shape_cast %get3A_579 : vector<1x16xf32> to vector<16xf32>
        %add3A_581 = arith.addf %mul3A_574, %get3A_580 : vector<16xf32>
        %swap3A_582 = arith.constant 3 : i32
        %swap3A_583 = arith.index_cast %swap3A_582 : i32 to index
        %swap3A_584 = arith.index_cast %scan3A_476 : i32 to index
        %swap3A_585 = arith.constant 32 : index
        %swap3A_586 = tpu.vector_load %arg8[%swap3A_583, %swap3A_584, %swap3A_585] {strides = array<i32>} : memref<4x128x128xf32, #tpu.memory_space<vmem>>, vector<1x1x16xf32>,
        %swap3A_587 = vector.shape_cast %swap3A_586 : vector<1x1x16xf32> to vector<16xf32>
        %swap3A_588 = vector.shape_cast %add3A_581 : vector<16xf32> to vector<1x1x16xf32>
        tpu.vector_store %arg8[%swap3A_583, %swap3A_584, %swap3A_585], %swap3A_588 {strides = array<i32>} : memref<4x128x128xf32, #tpu.memory_space<vmem>>, vector<1x1x16xf32>,
        %get3A_589 = arith.constant 3 : i32
        %get3A_590 = arith.index_cast %get3A_589 : i32 to index
        %get3A_591 = arith.index_cast %scan3A_476 : i32 to index
        %get3A_592 = arith.constant 48 : index
        %get3A_593 = tpu.vector_load %arg8[%get3A_590, %get3A_591, %get3A_592] {strides = array<i32>} : memref<4x128x128xf32, #tpu.memory_space<vmem>>, vector<1x1x16xf32>,
        %get3A_594 = vector.shape_cast %get3A_593 : vector<1x1x16xf32> to vector<16xf32>
        %mul3A_595 = arith.constant 8.000000e+00 : f32
        %mul3A_596 = vector.broadcast %mul3A_595 : f32 to vector<16xf32>
        %mul3A_597 = arith.mulf %get3A_594, %mul3A_596 : vector<16xf32>
        %add3A_598 = arith.constant 48 : i32
        %add3A_599 = arith.addi %mul3A_519, %add3A_598 : i32
        %get3A_600 = arith.index_cast %select_n3A_501 : i32 to index
        %get3A_601 = arith.index_cast %add3A_599 : i32 to index
        %get3A_602 = tpu.vector_load %arg7[%get3A_600, %get3A_601] {strides = array<i32>} : memref<164x128xf32, #tpu.memory_space<vmem>>, vector<1x16xf32>,
        %get3A_603 = vector.shape_cast %get3A_602 : vector<1x16xf32> to vector<16xf32>
        %add3A_604 = arith.addf %mul3A_597, %get3A_603 : vector<16xf32>
        %swap3A_605 = arith.constant 3 : i32
        %swap3A_606 = arith.index_cast %swap3A_605 : i32 to index
        %swap3A_607 = arith.index_cast %scan3A_476 : i32 to index
        %swap3A_608 = arith.constant 48 : index
        %swap3A_609 = tpu.vector_load %arg8[%swap3A_606, %swap3A_607, %swap3A_608] {strides = array<i32>} : memref<4x128x128xf32, #tpu.memory_space<vmem>>, vector<1x1x16xf32>,
        %swap3A_610 = vector.shape_cast %swap3A_609 : vector<1x1x16xf32> to vector<16xf32>
        %swap3A_611 = vector.shape_cast %add3A_604 : vector<16xf32> to vector<1x1x16xf32>
        tpu.vector_store %arg8[%swap3A_606, %swap3A_607, %swap3A_608], %swap3A_611 {strides = array<i32>} : memref<4x128x128xf32, #tpu.memory_space<vmem>>, vector<1x1x16xf32>,
        %scan3A_612 = arith.constant 2 : i32
        %scan3A_613 = arith.addi %scan3A_349, %scan3A_612 : i32
        %add3A_614 = arith.addi %rem3A_323, %scan3A_613 : i32
        %jit3A_615 = arith.constant 2 : i32
        %div3A_616 = arith.divsi %add3A_614, %jit3A_615 : i32
        %sign3A_617 = arith.constant 0 : i32
        %sign3A_618 = arith.cmpi sgt, %add3A_614, %sign3A_617 : i32
        %sign3A_619 = arith.extui %sign3A_618 : i1 to i32
        %sign3A_620 = arith.constant 0 : i32
        %sign3A_621 = arith.cmpi slt, %add3A_614, %sign3A_620 : i32
        %sign3A_622 = arith.extui %sign3A_621 : i1 to i32
        %sign3A_623 = arith.subi %sign3A_619, %sign3A_622 : i32
        %sign3A_624 = arith.constant 0 : i32
        %sign3A_625 = arith.cmpi sgt, %jit3A_615, %sign3A_624 : i32
        %sign3A_626 = arith.extui %sign3A_625 : i1 to i32
        %sign3A_627 = arith.constant 0 : i32
        %sign3A_628 = arith.cmpi slt, %jit3A_615, %sign3A_627 : i32
        %sign3A_629 = arith.extui %sign3A_628 : i1 to i32
        %sign3A_630 = arith.subi %sign3A_626, %sign3A_629 : i32
        %ne3A_631 = arith.cmpi ne, %sign3A_623, %sign3A_630 : i32
        %rem3A_632 = arith.remsi %add3A_614, %jit3A_615 : i32
        %ne3A_633 = arith.constant 0 : i32
        %ne3A_634 = arith.cmpi ne, %rem3A_632, %ne3A_633 : i32
        %and3A_635 = arith.andi %ne3A_631, %ne3A_634 : i1
        %sub3A_636 = arith.constant 1 : i32
        %sub3A_637 = arith.subi %div3A_616, %sub3A_636 : i32
        %select_n3A_638 = arith.select %and3A_635, %sub3A_637, %div3A_616 : i32
        %jit3A_639 = arith.constant 2 : i32
        %eq3A_640 = arith.constant 0 : i32
        %eq3A_641 = arith.cmpi eq, %jit3A_639, %eq3A_640 : i32
        %jit3A_642 = arith.constant 1 : i32
        %select_n3A_643 = arith.select %eq3A_641, %jit3A_642, %jit3A_639 : i32
        %rem3A_644 = arith.remsi %add3A_614, %select_n3A_643 : i32
        %ne3A_645 = arith.constant 0 : i32
        %ne3A_646 = arith.cmpi ne, %rem3A_644, %ne3A_645 : i32
        %lt3A_647 = arith.constant 0 : i32
        %lt3A_648 = arith.cmpi slt, %rem3A_644, %lt3A_647 : i32
        %lt3A_649 = arith.constant 0 : i32
        %lt3A_650 = arith.cmpi slt, %select_n3A_643, %lt3A_649 : i32
        %ne3A_651 = arith.xori %lt3A_648, %lt3A_650 : i1
        %and3A_652 = arith.andi %ne3A_651, %ne3A_646 : i1
        %add3A_653 = arith.addi %rem3A_644, %select_n3A_643 : i32
        %select_n3A_654 = arith.select %and3A_652, %add3A_653, %rem3A_644 : i32
        %mul3A_655 = arith.constant 64 : i32
        %mul3A_656 = arith.muli %select_n3A_654, %mul3A_655 : i32
        %get3A_657 = arith.constant 3 : i32
        %get3A_658 = arith.index_cast %get3A_657 : i32 to index
        %get3A_659 = arith.index_cast %scan3A_613 : i32 to index
        %get3A_660 = arith.constant 0 : index
        %get3A_661 = tpu.vector_load %arg8[%get3A_658, %get3A_659, %get3A_660] {strides = array<i32>} : memref<4x128x128xf32, #tpu.memory_space<vmem>>, vector<1x1x16xf32>,
        %get3A_662 = vector.shape_cast %get3A_661 : vector<1x1x16xf32> to vector<16xf32>
        %mul3A_663 = arith.constant 8.000000e+00 : f32
        %mul3A_664 = vector.broadcast %mul3A_663 : f32 to vector<16xf32>
        %mul3A_665 = arith.mulf %get3A_662, %mul3A_664 : vector<16xf32>
        %add3A_666 = arith.constant 0 : i32
        %add3A_667 = arith.addi %mul3A_656, %add3A_666 : i32
        %get3A_668 = arith.index_cast %select_n3A_638 : i32 to index
        %get3A_669 = arith.index_cast %add3A_667 : i32 to index
        %get3A_670 = tpu.vector_load %arg7[%get3A_668, %get3A_669] {strides = array<i32>} : memref<164x128xf32, #tpu.memory_space<vmem>>, vector<1x16xf32>,
        %get3A_671 = vector.shape_cast %get3A_670 : vector<1x16xf32> to vector<16xf32>
        %add3A_672 = arith.addf %mul3A_665, %get3A_671 : vector<16xf32>
        %swap3A_673 = arith.constant 3 : i32
        %swap3A_674 = arith.index_cast %swap3A_673 : i32 to index
        %swap3A_675 = arith.index_cast %scan3A_613 : i32 to index
        %swap3A_676 = arith.constant 0 : index
        %swap3A_677 = tpu.vector_load %arg8[%swap3A_674, %swap3A_675, %swap3A_676] {strides = array<i32>} : memref<4x128x128xf32, #tpu.memory_space<vmem>>, vector<1x1x16xf32>,
        %swap3A_678 = vector.shape_cast %swap3A_677 : vector<1x1x16xf32> to vector<16xf32>
        %swap3A_679 = vector.shape_cast %add3A_672 : vector<16xf32> to vector<1x1x16xf32>
        tpu.vector_store %arg8[%swap3A_674, %swap3A_675, %swap3A_676], %swap3A_679 {strides = array<i32>} : memref<4x128x128xf32, #tpu.memory_space<vmem>>, vector<1x1x16xf32>,
        %get3A_680 = arith.constant 3 : i32
        %get3A_681 = arith.index_cast %get3A_680 : i32 to index
        %get3A_682 = arith.index_cast %scan3A_613 : i32 to index
        %get3A_683 = arith.constant 16 : index
        %get3A_684 = tpu.vector_load %arg8[%get3A_681, %get3A_682, %get3A_683] {strides = array<i32>} : memref<4x128x128xf32, #tpu.memory_space<vmem>>, vector<1x1x16xf32>,
        %get3A_685 = vector.shape_cast %get3A_684 : vector<1x1x16xf32> to vector<16xf32>
        %mul3A_686 = arith.constant 8.000000e+00 : f32
        %mul3A_687 = vector.broadcast %mul3A_686 : f32 to vector<16xf32>
        %mul3A_688 = arith.mulf %get3A_685, %mul3A_687 : vector<16xf32>
        %add3A_689 = arith.constant 16 : i32
        %add3A_690 = arith.addi %mul3A_656, %add3A_689 : i32
        %get3A_691 = arith.index_cast %select_n3A_638 : i32 to index
        %get3A_692 = arith.index_cast %add3A_690 : i32 to index
        %get3A_693 = tpu.vector_load %arg7[%get3A_691, %get3A_692] {strides = array<i32>} : memref<164x128xf32, #tpu.memory_space<vmem>>, vector<1x16xf32>,
        %get3A_694 = vector.shape_cast %get3A_693 : vector<1x16xf32> to vector<16xf32>
        %add3A_695 = arith.addf %mul3A_688, %get3A_694 : vector<16xf32>
        %swap3A_696 = arith.constant 3 : i32
        %swap3A_697 = arith.index_cast %swap3A_696 : i32 to index
        %swap3A_698 = arith.index_cast %scan3A_613 : i32 to index
        %swap3A_699 = arith.constant 16 : index
        %swap3A_700 = tpu.vector_load %arg8[%swap3A_697, %swap3A_698, %swap3A_699] {strides = array<i32>} : memref<4x128x128xf32, #tpu.memory_space<vmem>>, vector<1x1x16xf32>,
        %swap3A_701 = vector.shape_cast %swap3A_700 : vector<1x1x16xf32> to vector<16xf32>
        %swap3A_702 = vector.shape_cast %add3A_695 : vector<16xf32> to vector<1x1x16xf32>
        tpu.vector_store %arg8[%swap3A_697, %swap3A_698, %swap3A_699], %swap3A_702 {strides = array<i32>} : memref<4x128x128xf32, #tpu.memory_space<vmem>>, vector<1x1x16xf32>,
        %get3A_703 = arith.constant 3 : i32
        %get3A_704 = arith.index_cast %get3A_703 : i32 to index
        %get3A_705 = arith.index_cast %scan3A_613 : i32 to index
        %get3A_706 = arith.constant 32 : index
        %get3A_707 = tpu.vector_load %arg8[%get3A_704, %get3A_705, %get3A_706] {strides = array<i32>} : memref<4x128x128xf32, #tpu.memory_space<vmem>>, vector<1x1x16xf32>,
        %get3A_708 = vector.shape_cast %get3A_707 : vector<1x1x16xf32> to vector<16xf32>
        %mul3A_709 = arith.constant 8.000000e+00 : f32
        %mul3A_710 = vector.broadcast %mul3A_709 : f32 to vector<16xf32>
        %mul3A_711 = arith.mulf %get3A_708, %mul3A_710 : vector<16xf32>
        %add3A_712 = arith.constant 32 : i32
        %add3A_713 = arith.addi %mul3A_656, %add3A_712 : i32
        %get3A_714 = arith.index_cast %select_n3A_638 : i32 to index
        %get3A_715 = arith.index_cast %add3A_713 : i32 to index
        %get3A_716 = tpu.vector_load %arg7[%get3A_714, %get3A_715] {strides = array<i32>} : memref<164x128xf32, #tpu.memory_space<vmem>>, vector<1x16xf32>,
        %get3A_717 = vector.shape_cast %get3A_716 : vector<1x16xf32> to vector<16xf32>
        %add3A_718 = arith.addf %mul3A_711, %get3A_717 : vector<16xf32>
        %swap3A_719 = arith.constant 3 : i32
        %swap3A_720 = arith.index_cast %swap3A_719 : i32 to index
        %swap3A_721 = arith.index_cast %scan3A_613 : i32 to index
        %swap3A_722 = arith.constant 32 : index
        %swap3A_723 = tpu.vector_load %arg8[%swap3A_720, %swap3A_721, %swap3A_722] {strides = array<i32>} : memref<4x128x128xf32, #tpu.memory_space<vmem>>, vector<1x1x16xf32>,
        %swap3A_724 = vector.shape_cast %swap3A_723 : vector<1x1x16xf32> to vector<16xf32>
        %swap3A_725 = vector.shape_cast %add3A_718 : vector<16xf32> to vector<1x1x16xf32>
        tpu.vector_store %arg8[%swap3A_720, %swap3A_721, %swap3A_722], %swap3A_725 {strides = array<i32>} : memref<4x128x128xf32, #tpu.memory_space<vmem>>, vector<1x1x16xf32>,
        %get3A_726 = arith.constant 3 : i32
        %get3A_727 = arith.index_cast %get3A_726 : i32 to index
        %get3A_728 = arith.index_cast %scan3A_613 : i32 to index
        %get3A_729 = arith.constant 48 : index
        %get3A_730 = tpu.vector_load %arg8[%get3A_727, %get3A_728, %get3A_729] {strides = array<i32>} : memref<4x128x128xf32, #tpu.memory_space<vmem>>, vector<1x1x16xf32>,
        %get3A_731 = vector.shape_cast %get3A_730 : vector<1x1x16xf32> to vector<16xf32>
        %mul3A_732 = arith.constant 8.000000e+00 : f32
        %mul3A_733 = vector.broadcast %mul3A_732 : f32 to vector<16xf32>
        %mul3A_734 = arith.mulf %get3A_731, %mul3A_733 : vector<16xf32>
        %add3A_735 = arith.constant 48 : i32
        %add3A_736 = arith.addi %mul3A_656, %add3A_735 : i32
        %get3A_737 = arith.index_cast %select_n3A_638 : i32 to index
        %get3A_738 = arith.index_cast %add3A_736 : i32 to index
        %get3A_739 = tpu.vector_load %arg7[%get3A_737, %get3A_738] {strides = array<i32>} : memref<164x128xf32, #tpu.memory_space<vmem>>, vector<1x16xf32>,
        %get3A_740 = vector.shape_cast %get3A_739 : vector<1x16xf32> to vector<16xf32>
        %add3A_741 = arith.addf %mul3A_734, %get3A_740 : vector<16xf32>
        %swap3A_742 = arith.constant 3 : i32
        %swap3A_743 = arith.index_cast %swap3A_742 : i32 to index
        %swap3A_744 = arith.index_cast %scan3A_613 : i32 to index
        %swap3A_745 = arith.constant 48 : index
        %swap3A_746 = tpu.vector_load %arg8[%swap3A_743, %swap3A_744, %swap3A_745] {strides = array<i32>} : memref<4x128x128xf32, #tpu.memory_space<vmem>>, vector<1x1x16xf32>,
        %swap3A_747 = vector.shape_cast %swap3A_746 : vector<1x1x16xf32> to vector<16xf32>
        %swap3A_748 = vector.shape_cast %add3A_741 : vector<16xf32> to vector<1x1x16xf32>
        tpu.vector_store %arg8[%swap3A_743, %swap3A_744, %swap3A_745], %swap3A_748 {strides = array<i32>} : memref<4x128x128xf32, #tpu.memory_space<vmem>>, vector<1x1x16xf32>,
        %scan3A_749 = arith.constant 3 : i32
        %scan3A_750 = arith.addi %scan3A_349, %scan3A_749 : i32
        %add3A_751 = arith.addi %rem3A_323, %scan3A_750 : i32
        %jit3A_752 = arith.constant 2 : i32
        %div3A_753 = arith.divsi %add3A_751, %jit3A_752 : i32
        %sign3A_754 = arith.constant 0 : i32
        %sign3A_755 = arith.cmpi sgt, %add3A_751, %sign3A_754 : i32
        %sign3A_756 = arith.extui %sign3A_755 : i1 to i32
        %sign3A_757 = arith.constant 0 : i32
        %sign3A_758 = arith.cmpi slt, %add3A_751, %sign3A_757 : i32
        %sign3A_759 = arith.extui %sign3A_758 : i1 to i32
        %sign3A_760 = arith.subi %sign3A_756, %sign3A_759 : i32
        %sign3A_761 = arith.constant 0 : i32
        %sign3A_762 = arith.cmpi sgt, %jit3A_752, %sign3A_761 : i32
        %sign3A_763 = arith.extui %sign3A_762 : i1 to i32
        %sign3A_764 = arith.constant 0 : i32
        %sign3A_765 = arith.cmpi slt, %jit3A_752, %sign3A_764 : i32
        %sign3A_766 = arith.extui %sign3A_765 : i1 to i32
        %sign3A_767 = arith.subi %sign3A_763, %sign3A_766 : i32
        %ne3A_768 = arith.cmpi ne, %sign3A_760, %sign3A_767 : i32
        %rem3A_769 = arith.remsi %add3A_751, %jit3A_752 : i32
        %ne3A_770 = arith.constant 0 : i32
        %ne3A_771 = arith.cmpi ne, %rem3A_769, %ne3A_770 : i32
        %and3A_772 = arith.andi %ne3A_768, %ne3A_771 : i1
        %sub3A_773 = arith.constant 1 : i32
        %sub3A_774 = arith.subi %div3A_753, %sub3A_773 : i32
        %select_n3A_775 = arith.select %and3A_772, %sub3A_774, %div3A_753 : i32
        %jit3A_776 = arith.constant 2 : i32
        %eq3A_777 = arith.constant 0 : i32
        %eq3A_778 = arith.cmpi eq, %jit3A_776, %eq3A_777 : i32
        %jit3A_779 = arith.constant 1 : i32
        %select_n3A_780 = arith.select %eq3A_778, %jit3A_779, %jit3A_776 : i32
        %rem3A_781 = arith.remsi %add3A_751, %select_n3A_780 : i32
        %ne3A_782 = arith.constant 0 : i32
        %ne3A_783 = arith.cmpi ne, %rem3A_781, %ne3A_782 : i32
        %lt3A_784 = arith.constant 0 : i32
        %lt3A_785 = arith.cmpi slt, %rem3A_781, %lt3A_784 : i32
        %lt3A_786 = arith.constant 0 : i32
        %lt3A_787 = arith.cmpi slt, %select_n3A_780, %lt3A_786 : i32
        %ne3A_788 = arith.xori %lt3A_785, %lt3A_787 : i1
        %and3A_789 = arith.andi %ne3A_788, %ne3A_783 : i1
        %add3A_790 = arith.addi %rem3A_781, %select_n3A_780 : i32
        %select_n3A_791 = arith.select %and3A_789, %add3A_790, %rem3A_781 : i32
        %mul3A_792 = arith.constant 64 : i32
        %mul3A_793 = arith.muli %select_n3A_791, %mul3A_792 : i32
        %get3A_794 = arith.constant 3 : i32
        %get3A_795 = arith.index_cast %get3A_794 : i32 to index
        %get3A_796 = arith.index_cast %scan3A_750 : i32 to index
        %get3A_797 = arith.constant 0 : index
        %get3A_798 = tpu.vector_load %arg8[%get3A_795, %get3A_796, %get3A_797] {strides = array<i32>} : memref<4x128x128xf32, #tpu.memory_space<vmem>>, vector<1x1x16xf32>,
        %get3A_799 = vector.shape_cast %get3A_798 : vector<1x1x16xf32> to vector<16xf32>
        %mul3A_800 = arith.constant 8.000000e+00 : f32
        %mul3A_801 = vector.broadcast %mul3A_800 : f32 to vector<16xf32>
        %mul3A_802 = arith.mulf %get3A_799, %mul3A_801 : vector<16xf32>
        %add3A_803 = arith.constant 0 : i32
        %add3A_804 = arith.addi %mul3A_793, %add3A_803 : i32
        %get3A_805 = arith.index_cast %select_n3A_775 : i32 to index
        %get3A_806 = arith.index_cast %add3A_804 : i32 to index
        %get3A_807 = tpu.vector_load %arg7[%get3A_805, %get3A_806] {strides = array<i32>} : memref<164x128xf32, #tpu.memory_space<vmem>>, vector<1x16xf32>,
        %get3A_808 = vector.shape_cast %get3A_807 : vector<1x16xf32> to vector<16xf32>
        %add3A_809 = arith.addf %mul3A_802, %get3A_808 : vector<16xf32>
        %swap3A_810 = arith.constant 3 : i32
        %swap3A_811 = arith.index_cast %swap3A_810 : i32 to index
        %swap3A_812 = arith.index_cast %scan3A_750 : i32 to index
        %swap3A_813 = arith.constant 0 : index
        %swap3A_814 = tpu.vector_load %arg8[%swap3A_811, %swap3A_812, %swap3A_813] {strides = array<i32>} : memref<4x128x128xf32, #tpu.memory_space<vmem>>, vector<1x1x16xf32>,
        %swap3A_815 = vector.shape_cast %swap3A_814 : vector<1x1x16xf32> to vector<16xf32>
        %swap3A_816 = vector.shape_cast %add3A_809 : vector<16xf32> to vector<1x1x16xf32>
        tpu.vector_store %arg8[%swap3A_811, %swap3A_812, %swap3A_813], %swap3A_816 {strides = array<i32>} : memref<4x128x128xf32, #tpu.memory_space<vmem>>, vector<1x1x16xf32>,
        %get3A_817 = arith.constant 3 : i32
        %get3A_818 = arith.index_cast %get3A_817 : i32 to index
        %get3A_819 = arith.index_cast %scan3A_750 : i32 to index
        %get3A_820 = arith.constant 16 : index
        %get3A_821 = tpu.vector_load %arg8[%get3A_818, %get3A_819, %get3A_820] {strides = array<i32>} : memref<4x128x128xf32, #tpu.memory_space<vmem>>, vector<1x1x16xf32>,
        %get3A_822 = vector.shape_cast %get3A_821 : vector<1x1x16xf32> to vector<16xf32>
        %mul3A_823 = arith.constant 8.000000e+00 : f32
        %mul3A_824 = vector.broadcast %mul3A_823 : f32 to vector<16xf32>
        %mul3A_825 = arith.mulf %get3A_822, %mul3A_824 : vector<16xf32>
        %add3A_826 = arith.constant 16 : i32
        %add3A_827 = arith.addi %mul3A_793, %add3A_826 : i32
        %get3A_828 = arith.index_cast %select_n3A_775 : i32 to index
        %get3A_829 = arith.index_cast %add3A_827 : i32 to index
        %get3A_830 = tpu.vector_load %arg7[%get3A_828, %get3A_829] {strides = array<i32>} : memref<164x128xf32, #tpu.memory_space<vmem>>, vector<1x16xf32>,
        %get3A_831 = vector.shape_cast %get3A_830 : vector<1x16xf32> to vector<16xf32>
        %add3A_832 = arith.addf %mul3A_825, %get3A_831 : vector<16xf32>
        %swap3A_833 = arith.constant 3 : i32
        %swap3A_834 = arith.index_cast %swap3A_833 : i32 to index
        %swap3A_835 = arith.index_cast %scan3A_750 : i32 to index
        %swap3A_836 = arith.constant 16 : index
        %swap3A_837 = tpu.vector_load %arg8[%swap3A_834, %swap3A_835, %swap3A_836] {strides = array<i32>} : memref<4x128x128xf32, #tpu.memory_space<vmem>>, vector<1x1x16xf32>,
        %swap3A_838 = vector.shape_cast %swap3A_837 : vector<1x1x16xf32> to vector<16xf32>
        %swap3A_839 = vector.shape_cast %add3A_832 : vector<16xf32> to vector<1x1x16xf32>
        tpu.vector_store %arg8[%swap3A_834, %swap3A_835, %swap3A_836], %swap3A_839 {strides = array<i32>} : memref<4x128x128xf32, #tpu.memory_space<vmem>>, vector<1x1x16xf32>,
        %get3A_840 = arith.constant 3 : i32
        %get3A_841 = arith.index_cast %get3A_840 : i32 to index
        %get3A_842 = arith.index_cast %scan3A_750 : i32 to index
        %get3A_843 = arith.constant 32 : index
        %get3A_844 = tpu.vector_load %arg8[%get3A_841, %get3A_842, %get3A_843] {strides = array<i32>} : memref<4x128x128xf32, #tpu.memory_space<vmem>>, vector<1x1x16xf32>,
        %get3A_845 = vector.shape_cast %get3A_844 : vector<1x1x16xf32> to vector<16xf32>
        %mul3A_846 = arith.constant 8.000000e+00 : f32
        %mul3A_847 = vector.broadcast %mul3A_846 : f32 to vector<16xf32>
        %mul3A_848 = arith.mulf %get3A_845, %mul3A_847 : vector<16xf32>
        %add3A_849 = arith.constant 32 : i32
        %add3A_850 = arith.addi %mul3A_793, %add3A_849 : i32
        %get3A_851 = arith.index_cast %select_n3A_775 : i32 to index
        %get3A_852 = arith.index_cast %add3A_850 : i32 to index
        %get3A_853 = tpu.vector_load %arg7[%get3A_851, %get3A_852] {strides = array<i32>} : memref<164x128xf32, #tpu.memory_space<vmem>>, vector<1x16xf32>,
        %get3A_854 = vector.shape_cast %get3A_853 : vector<1x16xf32> to vector<16xf32>
        %add3A_855 = arith.addf %mul3A_848, %get3A_854 : vector<16xf32>
        %swap3A_856 = arith.constant 3 : i32
        %swap3A_857 = arith.index_cast %swap3A_856 : i32 to index
        %swap3A_858 = arith.index_cast %scan3A_750 : i32 to index
        %swap3A_859 = arith.constant 32 : index
        %swap3A_860 = tpu.vector_load %arg8[%swap3A_857, %swap3A_858, %swap3A_859] {strides = array<i32>} : memref<4x128x128xf32, #tpu.memory_space<vmem>>, vector<1x1x16xf32>,
        %swap3A_861 = vector.shape_cast %swap3A_860 : vector<1x1x16xf32> to vector<16xf32>
        %swap3A_862 = vector.shape_cast %add3A_855 : vector<16xf32> to vector<1x1x16xf32>
        tpu.vector_store %arg8[%swap3A_857, %swap3A_858, %swap3A_859], %swap3A_862 {strides = array<i32>} : memref<4x128x128xf32, #tpu.memory_space<vmem>>, vector<1x1x16xf32>,
        %get3A_863 = arith.constant 3 : i32
        %get3A_864 = arith.index_cast %get3A_863 : i32 to index
        %get3A_865 = arith.index_cast %scan3A_750 : i32 to index
        %get3A_866 = arith.constant 48 : index
        %get3A_867 = tpu.vector_load %arg8[%get3A_864, %get3A_865, %get3A_866] {strides = array<i32>} : memref<4x128x128xf32, #tpu.memory_space<vmem>>, vector<1x1x16xf32>,
        %get3A_868 = vector.shape_cast %get3A_867 : vector<1x1x16xf32> to vector<16xf32>
        %mul3A_869 = arith.constant 8.000000e+00 : f32
        %mul3A_870 = vector.broadcast %mul3A_869 : f32 to vector<16xf32>
        %mul3A_871 = arith.mulf %get3A_868, %mul3A_870 : vector<16xf32>
        %add3A_872 = arith.constant 48 : i32
        %add3A_873 = arith.addi %mul3A_793, %add3A_872 : i32
        %get3A_874 = arith.index_cast %select_n3A_775 : i32 to index
        %get3A_875 = arith.index_cast %add3A_873 : i32 to index
        %get3A_876 = tpu.vector_load %arg7[%get3A_874, %get3A_875] {strides = array<i32>} : memref<164x128xf32, #tpu.memory_space<vmem>>, vector<1x16xf32>,
        %get3A_877 = vector.shape_cast %get3A_876 : vector<1x16xf32> to vector<16xf32>
        %add3A_878 = arith.addf %mul3A_871, %get3A_877 : vector<16xf32>
        %swap3A_879 = arith.constant 3 : i32
        %swap3A_880 = arith.index_cast %swap3A_879 : i32 to index
        %swap3A_881 = arith.index_cast %scan3A_750 : i32 to index
        %swap3A_882 = arith.constant 48 : index
        %swap3A_883 = tpu.vector_load %arg8[%swap3A_880, %swap3A_881, %swap3A_882] {strides = array<i32>} : memref<4x128x128xf32, #tpu.memory_space<vmem>>, vector<1x1x16xf32>,
        %swap3A_884 = vector.shape_cast %swap3A_883 : vector<1x1x16xf32> to vector<16xf32>
        %swap3A_885 = vector.shape_cast %add3A_878 : vector<16xf32> to vector<1x1x16xf32>
        tpu.vector_store %arg8[%swap3A_880, %swap3A_881, %swap3A_882], %swap3A_885 {strides = array<i32>} : memref<4x128x128xf32, #tpu.memory_space<vmem>>, vector<1x1x16xf32>,
      }
      %scan3A_329 = arith.constant 128 : i32
      %mul3A_330 = arith.constant 128 : i32
      %mul3A_331 = arith.muli %add3A_298, %mul3A_330 : i32
      %add3A_332 = arith.addi %mul3A_2, %mul3A_331 : i32
      %dma_start3A_333 = arith.constant 3 : i32
      %dma_start3A_334 = arith.constant 3 : i32
      %dma_start3A_335 = arith.constant 0 : i32
      %dma_start3A_336 = arith.constant 0 : i32
      %dma_start3A_337 = tpu.memref_slice %arg8[%dma_start3A_333, %dma_start3A_335, %dma_start3A_336] : memref<4x128x128xf32, #tpu.memory_space<vmem>> -> memref<1x128x128xf32, #tpu.memory_space<vmem>>
      %dma_start3A_338 = tpu.memref_squeeze %dma_start3A_337 : memref<1x128x128xf32, #tpu.memory_space<vmem>> -> memref<128x128xf32, #tpu.memory_space<vmem>>
      %dma_start3A_339 = arith.constant 0 : i32
      %dma_start3A_340 = tpu.memref_slice %arg5[%add3A_332, %dma_start3A_339] : memref<819200x128xf32, #tpu.memory_space<hbm>> -> memref<128x128xf32, #tpu.memory_space<hbm>>
      %dma_start3A_341 = tpu.memref_slice %arg10[%dma_start3A_334] : memref<4x!tpu.dma_semaphore, #tpu.memory_space<semaphore_mem>> -> memref<1x!tpu.dma_semaphore, #tpu.memory_space<semaphore_mem>>
      %dma_start3A_342 = tpu.memref_squeeze %dma_start3A_341 : memref<1x!tpu.dma_semaphore, #tpu.memory_space<semaphore_mem>> -> memref<!tpu.dma_semaphore, #tpu.memory_space<semaphore_mem>>
      %dma_start3A_343 = arith.constant 0 : i32
      %dma_start3A_344 = tpu.memref_slice %arg5[%add3A_332, %dma_start3A_343] : memref<819200x128xf32, #tpu.memory_space<hbm>> -> memref<128x128xf32, #tpu.memory_space<hbm>>
      %dma_start3A_345 = arith.constant 0 : i32
      %dma_start3A_346 = arith.constant 0 : i32
      %dma_start3A_347 = tpu.memref_slice %arg8[%dma_start3A_333, %dma_start3A_345, %dma_start3A_346] : memref<4x128x128xf32, #tpu.memory_space<vmem>> -> memref<1x128x128xf32, #tpu.memory_space<vmem>>
      %dma_start3A_348 = tpu.memref_squeeze %dma_start3A_347 : memref<1x128x128xf32, #tpu.memory_space<vmem>> -> memref<128x128xf32, #tpu.memory_space<vmem>>
      tpu.enqueue_dma source(%dma_start3A_348 : memref<128x128xf32, #tpu.memory_space<vmem>>) target(%dma_start3A_344 : memref<128x128xf32, #tpu.memory_space<hbm>>) target_semaphore(%dma_start3A_342 : memref<!tpu.dma_semaphore, #tpu.memory_space<semaphore_mem>>)
    }
    %scan3A_51 = arith.constant 50 : i32
    %add3A_52 = arith.constant 25088 : i32
    %add3A_53 = arith.addi %mul3A_2, %add3A_52 : i32
    %dma_wait3A = arith.constant 0 : i32
    %dma_wait3A_54 = arith.constant 0 : i32
    %dma_wait3A_55 = arith.constant 0 : i32
    %dma_wait3A_56 = arith.constant 0 : i32
    %dma_wait3A_57 = tpu.memref_slice %arg8[%dma_wait3A, %dma_wait3A_55, %dma_wait3A_56] : memref<4x128x128xf32, #tpu.memory_space<vmem>> -> memref<1x128x128xf32, #tpu.memory_space<vmem>>
    %dma_wait3A_58 = tpu.memref_squeeze %dma_wait3A_57 : memref<1x128x128xf32, #tpu.memory_space<vmem>> -> memref<128x128xf32, #tpu.memory_space<vmem>>
    %dma_wait3A_59 = arith.constant 0 : i32
    %dma_wait3A_60 = tpu.memref_slice %arg5[%add3A_53, %dma_wait3A_59] : memref<819200x128xf32, #tpu.memory_space<hbm>> -> memref<128x128xf32, #tpu.memory_space<hbm>>
    %dma_wait3A_61 = tpu.memref_slice %arg10[%dma_wait3A_54] : memref<4x!tpu.dma_semaphore, #tpu.memory_space<semaphore_mem>> -> memref<1x!tpu.dma_semaphore, #tpu.memory_space<semaphore_mem>>
    %dma_wait3A_62 = tpu.memref_squeeze %dma_wait3A_61 : memref<1x!tpu.dma_semaphore, #tpu.memory_space<semaphore_mem>> -> memref<!tpu.dma_semaphore, #tpu.memory_space<semaphore_mem>>
    %dma_wait3A_63 = arith.constant 0 : i32
    %dma_wait3A_64 = tpu.memref_slice %arg5[%add3A_53, %dma_wait3A_63] : memref<819200x128xf32, #tpu.memory_space<hbm>> -> memref<128x128xf32, #tpu.memory_space<hbm>>
    %dma_wait3A_65 = arith.constant 0 : i32
    %dma_wait3A_66 = arith.constant 0 : i32
    %dma_wait3A_67 = tpu.memref_slice %arg8[%dma_wait3A, %dma_wait3A_65, %dma_wait3A_66] : memref<4x128x128xf32, #tpu.memory_space<vmem>> -> memref<1x128x128xf32, #tpu.memory_space<vmem>>
    %dma_wait3A_68 = tpu.memref_squeeze %dma_wait3A_67 : memref<1x128x128xf32, #tpu.memory_space<vmem>> -> memref<128x128xf32, #tpu.memory_space<vmem>>
    tpu.wait_dma2 semaphore(%dma_wait3A_62 : memref<!tpu.dma_semaphore, #tpu.memory_space<semaphore_mem>>) src(%dma_wait3A_68 : memref<128x128xf32, #tpu.memory_space<vmem>>) dst(%dma_wait3A_64 : memref<128x128xf32, #tpu.memory_space<hbm>>)
    %add3A_69 = arith.constant 25216 : i32
    %add3A_70 = arith.addi %mul3A_2, %add3A_69 : i32
    %dma_wait3A_71 = arith.constant 1 : i32
    %dma_wait3A_72 = arith.constant 1 : i32
    %dma_wait3A_73 = arith.constant 0 : i32
    %dma_wait3A_74 = arith.constant 0 : i32
    %dma_wait3A_75 = tpu.memref_slice %arg8[%dma_wait3A_71, %dma_wait3A_73, %dma_wait3A_74] : memref<4x128x128xf32, #tpu.memory_space<vmem>> -> memref<1x128x128xf32, #tpu.memory_space<vmem>>
    %dma_wait3A_76 = tpu.memref_squeeze %dma_wait3A_75 : memref<1x128x128xf32, #tpu.memory_space<vmem>> -> memref<128x128xf32, #tpu.memory_space<vmem>>
    %dma_wait3A_77 = arith.constant 0 : i32
    %dma_wait3A_78 = tpu.memref_slice %arg5[%add3A_70, %dma_wait3A_77] : memref<819200x128xf32, #tpu.memory_space<hbm>> -> memref<128x128xf32, #tpu.memory_space<hbm>>
    %dma_wait3A_79 = tpu.memref_slice %arg10[%dma_wait3A_72] : memref<4x!tpu.dma_semaphore, #tpu.memory_space<semaphore_mem>> -> memref<1x!tpu.dma_semaphore, #tpu.memory_space<semaphore_mem>>
    %dma_wait3A_80 = tpu.memref_squeeze %dma_wait3A_79 : memref<1x!tpu.dma_semaphore, #tpu.memory_space<semaphore_mem>> -> memref<!tpu.dma_semaphore, #tpu.memory_space<semaphore_mem>>
    %dma_wait3A_81 = arith.constant 0 : i32
    %dma_wait3A_82 = tpu.memref_slice %arg5[%add3A_70, %dma_wait3A_81] : memref<819200x128xf32, #tpu.memory_space<hbm>> -> memref<128x128xf32, #tpu.memory_space<hbm>>
    %dma_wait3A_83 = arith.constant 0 : i32
    %dma_wait3A_84 = arith.constant 0 : i32
    %dma_wait3A_85 = tpu.memref_slice %arg8[%dma_wait3A_71, %dma_wait3A_83, %dma_wait3A_84] : memref<4x128x128xf32, #tpu.memory_space<vmem>> -> memref<1x128x128xf32, #tpu.memory_space<vmem>>
    %dma_wait3A_86 = tpu.memref_squeeze %dma_wait3A_85 : memref<1x128x128xf32, #tpu.memory_space<vmem>> -> memref<128x128xf32, #tpu.memory_space<vmem>>
    tpu.wait_dma2 semaphore(%dma_wait3A_80 : memref<!tpu.dma_semaphore, #tpu.memory_space<semaphore_mem>>) src(%dma_wait3A_86 : memref<128x128xf32, #tpu.memory_space<vmem>>) dst(%dma_wait3A_82 : memref<128x128xf32, #tpu.memory_space<hbm>>)
    %add3A_87 = arith.constant 25344 : i32
    %add3A_88 = arith.addi %mul3A_2, %add3A_87 : i32
    %dma_wait3A_89 = arith.constant 2 : i32
    %dma_wait3A_90 = arith.constant 2 : i32
    %dma_wait3A_91 = arith.constant 0 : i32
    %dma_wait3A_92 = arith.constant 0 : i32
    %dma_wait3A_93 = tpu.memref_slice %arg8[%dma_wait3A_89, %dma_wait3A_91, %dma_wait3A_92] : memref<4x128x128xf32, #tpu.memory_space<vmem>> -> memref<1x128x128xf32, #tpu.memory_space<vmem>>
    %dma_wait3A_94 = tpu.memref_squeeze %dma_wait3A_93 : memref<1x128x128xf32, #tpu.memory_space<vmem>> -> memref<128x128xf32, #tpu.memory_space<vmem>>
    %dma_wait3A_95 = arith.constant 0 : i32
    %dma_wait3A_96 = tpu.memref_slice %arg5[%add3A_88, %dma_wait3A_95] : memref<819200x128xf32, #tpu.memory_space<hbm>> -> memref<128x128xf32, #tpu.memory_space<hbm>>
    %dma_wait3A_97 = tpu.memref_slice %arg10[%dma_wait3A_90] : memref<4x!tpu.dma_semaphore, #tpu.memory_space<semaphore_mem>> -> memref<1x!tpu.dma_semaphore, #tpu.memory_space<semaphore_mem>>
    %dma_wait3A_98 = tpu.memref_squeeze %dma_wait3A_97 : memref<1x!tpu.dma_semaphore, #tpu.memory_space<semaphore_mem>> -> memref<!tpu.dma_semaphore, #tpu.memory_space<semaphore_mem>>
    %dma_wait3A_99 = arith.constant 0 : i32
    %dma_wait3A_100 = tpu.memref_slice %arg5[%add3A_88, %dma_wait3A_99] : memref<819200x128xf32, #tpu.memory_space<hbm>> -> memref<128x128xf32, #tpu.memory_space<hbm>>
    %dma_wait3A_101 = arith.constant 0 : i32
    %dma_wait3A_102 = arith.constant 0 : i32
    %dma_wait3A_103 = tpu.memref_slice %arg8[%dma_wait3A_89, %dma_wait3A_101, %dma_wait3A_102] : memref<4x128x128xf32, #tpu.memory_space<vmem>> -> memref<1x128x128xf32, #tpu.memory_space<vmem>>
    %dma_wait3A_104 = tpu.memref_squeeze %dma_wait3A_103 : memref<1x128x128xf32, #tpu.memory_space<vmem>> -> memref<128x128xf32, #tpu.memory_space<vmem>>
    tpu.wait_dma2 semaphore(%dma_wait3A_98 : memref<!tpu.dma_semaphore, #tpu.memory_space<semaphore_mem>>) src(%dma_wait3A_104 : memref<128x128xf32, #tpu.memory_space<vmem>>) dst(%dma_wait3A_100 : memref<128x128xf32, #tpu.memory_space<hbm>>)
    %add3A_105 = arith.constant 25472 : i32
    %add3A_106 = arith.addi %mul3A_2, %add3A_105 : i32
    %dma_wait3A_107 = arith.constant 3 : i32
    %dma_wait3A_108 = arith.constant 3 : i32
    %dma_wait3A_109 = arith.constant 0 : i32
    %dma_wait3A_110 = arith.constant 0 : i32
    %dma_wait3A_111 = tpu.memref_slice %arg8[%dma_wait3A_107, %dma_wait3A_109, %dma_wait3A_110] : memref<4x128x128xf32, #tpu.memory_space<vmem>> -> memref<1x128x128xf32, #tpu.memory_space<vmem>>
    %dma_wait3A_112 = tpu.memref_squeeze %dma_wait3A_111 : memref<1x128x128xf32, #tpu.memory_space<vmem>> -> memref<128x128xf32, #tpu.memory_space<vmem>>
    %dma_wait3A_113 = arith.constant 0 : i32
    %dma_wait3A_114 = tpu.memref_slice %arg5[%add3A_106, %dma_wait3A_113] : memref<819200x128xf32, #tpu.memory_space<hbm>> -> memref<128x128xf32, #tpu.memory_space<hbm>>
    %dma_wait3A_115 = tpu.memref_slice %arg10[%dma_wait3A_108] : memref<4x!tpu.dma_semaphore, #tpu.memory_space<semaphore_mem>> -> memref<1x!tpu.dma_semaphore, #tpu.memory_space<semaphore_mem>>
    %dma_wait3A_116 = tpu.memref_squeeze %dma_wait3A_115 : memref<1x!tpu.dma_semaphore, #tpu.memory_space<semaphore_mem>> -> memref<!tpu.dma_semaphore, #tpu.memory_space<semaphore_mem>>
    %dma_wait3A_117 = arith.constant 0 : i32
    %dma_wait3A_118 = tpu.memref_slice %arg5[%add3A_106, %dma_wait3A_117] : memref<819200x128xf32, #tpu.memory_space<hbm>> -> memref<128x128xf32, #tpu.memory_space<hbm>>
    %dma_wait3A_119 = arith.constant 0 : i32
    %dma_wait3A_120 = arith.constant 0 : i32
    %dma_wait3A_121 = tpu.memref_slice %arg8[%dma_wait3A_107, %dma_wait3A_119, %dma_wait3A_120] : memref<4x128x128xf32, #tpu.memory_space<vmem>> -> memref<1x128x128xf32, #tpu.memory_space<vmem>>
    %dma_wait3A_122 = tpu.memref_squeeze %dma_wait3A_121 : memref<1x128x128xf32, #tpu.memory_space<vmem>> -> memref<128x128xf32, #tpu.memory_space<vmem>>
    tpu.wait_dma2 semaphore(%dma_wait3A_116 : memref<!tpu.dma_semaphore, #tpu.memory_space<semaphore_mem>>) src(%dma_wait3A_122 : memref<128x128xf32, #tpu.memory_space<vmem>>) dst(%dma_wait3A_118 : memref<128x128xf32, #tpu.memory_space<hbm>>)
    return
  }
}

</mosaic_0001>

<sc_bundles>
// kernel: kernel.3.cloned.1.call-start
scs
__scs_entry_jumppad:
0x0: {  	(pc) =	sbr.rel $0x88, $3  }
0x1: {  	(tag) =	ssettag $0x0;
	lr =	simm.s32 $0x1  }
0x2: {  	[smem:$0x3F9F] =	sst lr;
	_ =	strace $0xD0000000  }
0x3: {  	_ = 	snop  }
0x4: {  	_ = 	snop  }
0x5: {  	_ = 	snop  }
0x6: {  	_ = 	snop  }
0x7: {  	_ = 	snop  }
__scs_overlays_trampoline_lowered:
0x8: {  	[smem:$0x3FAE] =	sst s0  }
0x9: {  	[smem:$0x3FAF] =	sst s1  }
0xa: {  	[smem:$0x3FB0] =	sst s2  }
0xb: {  	[smem:$0x3FB1] =	sst s3  }
0xc: {  	[smem:$0x3FB2] =	sst s4  }
0xd: {  	[smem:$0x3FB3] =	sst s5  }
0xe: {  	[smem:$0x3FB4] =	sst s6  }
0xf: {  	[smem:$0x3FB5] =	sst s7  }
0x10: {  	[smem:$0x3FB6] =	sst s8  }
0x11: {  	[smem:$0x3FB7] =	sst s9;
	s0 =	simm.s32 @!p0 $0x0  }
0x12: {  	s1 =	sld [smem:$0x3F9D];
	s0 =	simm.s32 @p0 $0x1  }
0x13: {  	[smem:$0x3FB8] =	sst s0;
	s0 =	simm.s32 @!p1 $0x0  }
0x14: {  	s2 =	sld [smem:$0x3F9C];
	s0 =	simm.s32 @p1 $0x1  }
0x15: {  	[smem:$0x3FB9] =	sst s0;
	s0 =	simm.s32 @!p2 $0x0  }
0x16: {  	s3 =	sld [smem:$0x3FDB];
	s0 =	simm.s32 @p2 $0x1  }
0x17: {  	s4 =	simm.s32 $0x1BF5;
	[smem:$0x3FBB] =	sst s0  }
0x18: {  	s0 =	sld [smem:$0x3F9E];
	_ =	swait.ge [sflag:s4], $0x0  }
0x19: {  	s7 =	sld [smem:$0x3F9F]  }
0x1a: {  	s8 =	sadd.s32 $0xFFFFE003, lr  }
0x1b: {  	s9 =	sadd.s32 $0xFFFFFEF7, lr;
	s5 =	simm.s32 $0xFFFFFFFF;
	p2 =	slt.u32 s8, $0xFFFFF086  }
0x1c: {  	p1 =	slt.u32 s9, $0xF7A;
	s5 =	simm.s32 @!p2 $0x0  }
0x1d: {  	s5 =	simm.s32 @p1 $0x1;
	p0 =	seq.s32 s7, s2  }
0x1e: {  	s7 =	smul.u32 @!p0 $0xF7A, s2;
	p2 =	seq.s32 @!p0 s5, $0x0  }
0x1f: {  	s9 =	smul.u32 $0xF7A, s1;
	s8 =	simm.s32 @!p0 $0x1BF5;
	p2 =	por !p2, p0  }
0x20: {  	[sflag:s8] =	ssyncset.s32 @!p0 $0xFFFFF086;
	s6 =	sadd.s32 @!p0 s3, s7;
	s7 =	simm.s32 @!p0 $0x108  }
0x21: {  	s3 =	sadd.s32 s3, s9;
	s6 =	sadd.s32 @!p0 $0x88, s6;
	s7 =	simm.s32 @p2 $0x1082  }
0x22: {  	[simem:s7], [sflag:s8] =	dma.local @!p0 [hbm:s6], $0xF7A  }
0x23: {  	s9 =	sor.u32 $0xD0000000, s2;
	s6 =	simm.s32 $0x108;
	_ =	swait.ge @!p0 [sflag:s8], $0x0  }
0x24: {  	s3 =	sadd.s32 $0x88, s3;
	s6 =	simm.s32 @!p1 $0x1082;
	[sflag:s4] =	ssyncset.s32 $0xFFFFF086  }
0x25: {  	[simem:s6], [sflag:s4] =	dma.local [hbm:s3], $0xF7A  }
0x26: {  	[smem:$0x3F9F] =	sst s1;
	(tag) =	ssettag s2;
	_ =	strace s9  }
0x27: {  	s1 =	sld [smem:$0x3FAF]  }
0x28: {  	s2 =	sld [smem:$0x3FB0]  }
0x29: {  	s4 =	sld [smem:$0x3FB2]  }
0x2a: {  	p0 =	seq.s32 s5, $0x0;
	s5 =	sld [smem:$0x3FB3]  }
0x2b: {  	s6 =	sld [smem:$0x3FB4]  }
0x2c: {  	s7 =	sld [smem:$0x3FB5]  }
0x2d: {  	s3 =	simm.s32 $0x108;
	s8 =	sld [smem:$0x3FB6]  }
0x2e: {  	s3 =	simm.s32 @!p0 $0x1082;
	s9 =	sld [smem:$0x3FB7]  }
0x2f: {  	lr =	sadd.s32 s0, s3;
	s0 =	sld [smem:$0x3FAE]  }
0x30: {  	s3 =	sld [smem:$0x3FB1]  }
0x31: {  	[smem:$0x3FBA] =	sst s10  }
0x32: {  	s10 =	sld [smem:$0x3FB8];
	_ =	sdelay $0x3  }
0x33: {  	p0 =	seq.s32 s10, $0x1;
	s10 =	sld [smem:$0x3FBA];
	_ =	sdelay $0x3  }
0x34: {  	[smem:$0x3FBA] =	sst s10  }
0x35: {  	s10 =	sld [smem:$0x3FB9];
	_ =	sdelay $0x3  }
0x36: {  	p1 =	seq.s32 s10, $0x1;
	s10 =	sld [smem:$0x3FBA];
	_ =	sdelay $0x3  }
0x37: {  	[smem:$0x3FBA] =	sst s10  }
0x38: {  	s10 =	sld [smem:$0x3FBB]  }
0x39: {  	_ = 	snop;
	(pc) =	sbr.ind lr, $3  }
0x3a: {  	_ = 	snop  }
0x3b: {  	_ = 	snop  }
0x3c: {  	p2 =	seq.s32 s10, $0x1;
	s10 =	sld [smem:$0x3FBA]  }
0x3d: {  	_ =	shalt  }
0x3e: {  	_ =	shalt  }
0x3f: {  	_ =	shalt  }
0x40: {  	_ =	shalt  }
0x41: {  	_ =	shalt  }
0x42: {  	_ =	shalt  }
0x43: {  	_ =	shalt  }
0x44: {  	_ =	shalt  }
0x45: {  	_ =	shalt  }
0x46: {  	_ =	shalt  }
0x47: {  	_ =	shalt  }
0x48: {  	_ =	shalt  }
0x49: {  	_ =	shalt  }
0x4a: {  	_ =	shalt  }
0x4b: {  	_ =	shalt  }
0x4c: {  	_ =	shalt  }
0x4d: {  	_ =	shalt  }
0x4e: {  	_ =	shalt  }
0x4f: {  	_ =	shalt  }
0x50: {  	_ =	shalt  }
0x51: {  	_ =	shalt  }
0x52: {  	_ =	shalt  }
0x53: {  	_ =	shalt  }
0x54: {  	_ =	shalt  }
0x55: {  	_ =	shalt  }
0x56: {  	_ =	shalt  }
0x57: {  	_ =	shalt  }
0x58: {  	_ =	shalt  }
0x59: {  	_ =	shalt  }
0x5a: {  	_ =	shalt  }
0x5b: {  	_ =	shalt  }
0x5c: {  	_ =	shalt  }
0x5d: {  	_ =	shalt  }
0x5e: {  	_ =	shalt  }
0x5f: {  	_ =	shalt  }
0x60: {  	_ =	shalt  }
0x61: {  	_ =	shalt  }
0x62: {  	_ =	shalt  }
0x63: {  	_ =	shalt  }
0x64: {  	_ =	shalt  }
0x65: {  	_ =	shalt  }
0x66: {  	_ =	shalt  }
0x67: {  	_ =	shalt  }
0x68: {  	_ =	shalt  }
0x69: {  	_ =	shalt  }
0x6a: {  	_ =	shalt  }
0x6b: {  	_ =	shalt  }
0x6c: {  	_ =	shalt  }
0x6d: {  	_ =	shalt  }
0x6e: {  	_ =	shalt  }
0x6f: {  	_ =	shalt  }
0x70: {  	_ =	shalt  }
0x71: {  	_ =	shalt  }
0x72: {  	_ =	shalt  }
0x73: {  	_ =	shalt  }
0x74: {  	_ =	shalt  }
0x75: {  	_ =	shalt  }
0x76: {  	_ =	shalt  }
0x77: {  	_ =	shalt  }
0x78: {  	_ =	shalt  }
0x79: {  	_ =	shalt  }
0x7a: {  	_ =	shalt  }
0x7b: {  	_ =	shalt  }
0x7c: {  	_ =	shalt  }
0x7d: {  	_ =	shalt  }
0x7e: {  	_ =	shalt  }
0x7f: {  	_ =	shalt  }
0x80: {  	_ =	shalt  }
0x81: {  	_ =	shalt  }
0x82: {  	_ =	shalt  }
0x83: {  	_ =	shalt  }
0x84: {  	_ =	shalt  }
0x85: {  	_ =	shalt  }
0x86: {  	_ =	shalt  }
0x87: {  	_ =	shalt  }
.Lfunc_end0:
.L_simem_size_0:
called_computation.1_lowered:
.L_overlay_start_0:
0x88: {  	s2 =	sld [smem:$0x3FD9]  }
0x89: {  	s3 =	sld [smem:$0x3FFE];
	_ =	sdelay $0x1  }
0x8a: {  	s1 =	srdreg.scid  }
0x8b: {  	s0 =	sand.u32 $0x1, s1  }
0x8c: {  	s17 =	sshll.u32 s0, $0xA;
	s2 =	sadd.s32 s3, s2  }
0x8d: {  	s2 =	sadd.s32 s2, s17  }
0x8e: {  	[smem:$0x3FC6] =	sst s2  }
0x8f: {  	_ = 	snop  }
0x90: {  	s2 =	sld [smem:$0x3FD0];
	(tm) =	ssettm $0x1  }
0x91: {  	s18 =	sld [smem:$0x3FFB];
	_ =	sdelay $0x3  }
0x92: {  	_ =	strace s18  }
0x93: {  	s3 =	sld [smem:$0x3FFC];
	_ =	sdelay $0x3  }
0x94: {  	_ =	strace s3  }
0x95: {  	s3 =	sld [smem:$0x3FFD];
	_ =	sdelay $0x3  }
0x96: {  	_ =	strace s3  }
0x97: {  	_ =	strace $0x8FFFFFFF  }
0x98: {  	s19 =	sld [smem:$0x3FDB];
	_ =	sdelay $0x1  }
0x99: {  	s4 =	simm.s32 $_scs_section_size  }
0x9a: {  	s5 =	simm.s32 $_size__tile_overlayer_lowered;
	s6 =	simm.s32 $_tile_overlayer_lowered  }
0x9b: {  	s22 =	simm.s32 $0x1BFF;
	s21 =	sshll.u32 s6, $0x1;
	s3 =	sadd.s32 s4, s19  }
0x9c: {  	s7 =	simm.s32 $0x0;
	s20 =	sshll.u32 s5, $0x1;
	s5 =	sadd.s32 s21, s3  }
0x9d: {  	[timem:s7], [sflag:s22] =	dma.local [hbm:s5], s20  }
0x9e: {  	_ =	swait.ge [sflag:s22], s20  }
0x9f: {  	s4 =	ssub.s32 $0x0, s20;
	[sflag:s22] =	ssyncset.done $0x0  }
0xa0: {  	[sflag:s22] =	ssyncadd.s32 s4;
	_ =	sdelay $0x1  }
0xa1: {  	s23 =	simm.s32 $0x1B8B  }
0xa2: {  	_ =	swait.ge [sflag:s23], $0x1  }
0xa3: {  	[sflag:s23] =	ssyncset.done $0x0  }
0xa4: {  	s25 =	simm.s32 $0x1B8E;
	s24 =	sld [smem:$0x3FFE];
	[sflag:s23] =	ssyncadd.s32 $0xFFFFFFFF  }
0xa5: {  	s26 =	simm.s32 $execute0_lowered;
	[smem:$0x3FD2] =	sst s25  }
0xa6: {  	s5 =	sshll.u32 s26, $0x1;
	_ =	strace $0x80000046;
	[dreg:$0x1] =	wrdreg $0xFFFFFFFF  }
0xa7: {  	s28 =	simm.s32 $_size_execute0_lowered;
	s3 =	sadd.s32 s3, s5;
	[dreg:$0x0] =	wrdreg $0x0  }
0xa8: {  	s5 =	sshll.u32 s28, $0x1;
	[dreg:$0x2] =	wrdreg s3  }
0xa9: {  	[dreg:$0x3] =	wrdreg s5  }
0xaa: {  	[dreg:$0x4] =	wrdreg $0xC0  }
0xab: {  	_ =	task [dreg:s7], $0x5FFFF  }
0xac: {  	[dreg:$0x1] =	wrdreg $0xFFFFFFFF  }
0xad: {  	[dreg:$0x0] =	wrdreg $0x60  }
0xae: {  	[dreg:$0x2] =	wrdreg s2  }
0xaf: {  	[dreg:$0x3] =	wrdreg s24  }
0xb0: {  	[dreg:$0x4] =	wrdreg $0x9  }
0xb1: {  	_ =	task.clear_ibuf [dreg:s7], $0x5FFFF;
	_ =	strace $0x90000046  }
0xb2: {  	s29 =	simm.s32 $0x9;
	_ =	strace $0x80000048  }
0xb3: {  	_ =	swait.ge [sflag:s29], $0x1  }
0xb4: {  	[sflag:s29] =	ssyncadd.s32 $0xFFFFFFFF  }
0xb5: {  	_ =	strace $0x90000048  }
0xb6: {  	_ =	sfence  }
0xb7: {  	s30 =	sld [smem:$0x0];
	_ =	sdelay $0x2  }
0xb8: {  	s31 =	sshll.u32 s1, $0xD;
	s1 =	sshrl.u32 s1, $0x2  }
0xb9: {  	s3 =	sand.u32 $0x4000, s31;
	s1 =	sadd.s32 s1, s30  }
0xba: {  	s0 =	sor.u32 s3, s0;
	s1 =	sshll.u32 s1, $0x11  }
0xbb: {  	s0 =	sor.u32 s1, s0  }
0xbc: {  	s0 =	sadd.s32 $0x8F2B, s0  }
0xbd: {  	[sflag:s0] =	ssyncadd.remote.s32 $0x1  }
0xbe: {  	_ =	sfence.sel $0xFFFF  }
0xbf: {  	[dreg:$0x0] =	wrdreg $0xFFFFFFFF;
	(pc) =	sbr.abs _section_cstart, $3  }
0xc0: {  	[dreg:$0x1] =	wrdreg $0xFFFFFFFF  }
0xc1: {  	_ =	task.clear_ibuf [dreg:s7], $0x2FFFF;
	_ =	strace $0x9FFFFFFF  }
0xc2: {  	(tm) =	ssettm $0x7FFFFFFF  }
0xc3: {  	_ =	shalt  }
tec
execute0_lowered:
.L_overlay_start_1:
0x0: {  	(tag) =	ssettag $0x1  }
0x1: {  	s0 =	rddreg [dreg:$0x0];
	s1 =	srdreg.scid  }
0x2: {  	s2 =	stileid.u32;
	s5 =	rddreg [dreg:$0x1];
	s9 =	simm.s32 $0x17800  }
0x3: {  	s15 =	simm.s32 $0x1;
	s16 =	simm.s32 $0x2;
	s17 =	simm.s32 $0x3  }
0x4: {  	s18 =	simm.s32 $0x4;
	s1 =	sand.u32 $0x1, s1;
	s3 =	sshll.u32 s2, $0x1  }
0x5: {  	s2 =	simm.s32 $0x0;
	s3 =	sor.u32 s1, s3;
	s1 =	ssub.s32 $0x2, s1  }
0x6: {  	[smem:$0x7FF] =	sst s2;
	s3 =	smul.u32 $0x6400, s3;
	s6 =	sshrl.u32 s1, $0x1  }
0x7: {  	s7 =	sadd.s32 $0xC00, s5;
	_ =	strace $0x80000047;
	s1 =	ssub.s32 s1, s6  }
0x8: {  	[dreg:$0x3] =	wrdreg s7;
	s30 =	sshrl.u32 s3, $0x3;
	s31 =	smax.u32 s1, $0x1  }
0x9: {  	s4 =	sadd.s32 $0xF43000, s5;
	s0 =	sadd.s32 s0, s30;
	[dreg:$0x5] =	wrdreg s31  }
0xa: {  	s6 =	sadd.s32 $0x1800, s5;
	s5 =	simm.s32 $0x0;
	[dreg:$0x4] =	wrdreg s0  }
.LBB2_1:
0xb: {  	[dreg:$0x6] =	wrdreg s5  }
0xc: {  	s0 =	rddreg [dreg:$0x4];
	s1 =	simm.s32 $0x9  }
0xd: {  	[tilespmem:s2], [sflag:$0x9] =	stream.linear.gather [hbm4b:s0+s2], $0x6400, $0x38;
	[tilespmem:$0x1B800] =	vst v63  }
0xe: {  	_ =	swait.ge [sflag:s1], $0x6400  }
0xf: {  	[sflag:s1] =	ssyncset.done $0x0  }
0x10: {  	s24 =	simm.s32 $0x6400;
	s21 =	rddreg [dreg:$0x3];
	[sflag:s1] =	ssyncadd.s32 $0xFFFF9C00  }
0x11: {  	[tilespmem:s24], [sflag:$0x9] =	stream.linear.gather [hbm4b:s21+s2], $0x5200, $0x38;
	[tilespmem:$0x1B800] =	vst v63  }
0x12: {  	s22 =	simm.s32 $0xB800;
	_ =	swait.ge [sflag:s1], $0x5200  }
0x13: {  	s23 =	simm.s32 $0x80;
	s25 =	simm.s32 $0xF800;
	[sflag:s1] =	ssyncset.done $0x0  }
0x14: {  	s26 =	simm.s32 $0x13800;
	s13 =	simm.s32 $0x6480;
	[sflag:s1] =	ssyncadd.s32 $0xFFFFAE00  }
0x15: {  	[tilespmem:s22], [sflag:$0x1] =	stream.indirect.gather [hbm4b:s4+s23], $0x80, s2, s23, $0xb8;
	[tilespmem:$0x1B800] =	vst v63  }
0x16: {  	s28 =	simm.s32 $0x180;
	s29 =	simm.s32 $0x80;
	s30 =	simm.s32 $0x0  }
0x17: {  	[tilespmem:s25], [sflag:$0x2] =	stream.indirect.gather [hbm4b:s4+s23], $0x80, s23, s23, $0xb8;
	[tilespmem:$0x1B800] =	vst v63  }
0x18: {  	s31 =	simm.s32 $0x0;
	s1 =	simm.s32 $0x0;
	s25 =	simm.s32 $0x100  }
0x19: {  	[tilespmem:s26], [sflag:$0x3] =	stream.indirect.gather [hbm4b:s4+s23], $0x80, s25, s23, $0xb8;
	[tilespmem:$0x1B800] =	vst v63  }
.LBB2_2:
0x1a: {  	p0 =	seq.s32 s1, $0x0  }
0x1b: {  	s0 =	smulhi.u32 $0x51EB851F, s30;
	s5 =	simm.s32 @!p0 $0x8  }
0x1c: {  	s19 =	sshll.u32 s1, $0x9;
	_ =	swait.ge @!p0 [sflag:s5], $0x4000  }
0x1d: {  	s14 =	simm.s32 $0x80;
	s7 =	sshrl.u32 s0, $0x6;
	[sflag:s5] =	ssyncset.done @!p0 $0x0  }
0x1e: {  	s0 =	sor.u32 $0x180, s19;
	s8 =	smul.u32 $0xFFFF3800, s7;
	[sflag:s5] =	ssyncadd.s32 @!p0 $0xFFFFC000  }
0x1f: {  	[tilespmem:s9], [sflag:$0x4] =	stream.indirect.gather [hbm4b:s4+s14], $0x80, s0, s14, $0xb8;
	[tilespmem:$0x1B800] =	vst v63  }
0x20: {  	s20 =	sshra.s32 s8, $0x2  }
0x21: {  	_ =	swait.ge [sflag:s15], $0x4000;
	v0 =	vmov s20  }
0x22: {  	[sflag:s15] =	ssyncset.done $0x0  }
0x23: {  	s20 =	simm.s32 $0xB900;
	[sflag:s15] =	ssyncadd.s32 $0xFFFFC000  }
0x24: {  	v1 =	vld [tilespmem:s20+$0xFFFFFF00];
	_ =	sdelay $0x1  }
0x25: {  	v2 =	vld.idx.msk [tilespmem:v0+s13+$0xFFFFFF80 ss:$0x1], $0xffff;
	_ =	sdelay $0x2  }
0x26: {  	v1 =	vmul.f32 $8.000000000e+00, v1;
	_ =	sdelay $0x1  }
0x27: {  	v1 =	vadd.f32 v2, v1;
	_ =	sdelay $0x1  }
0x28: {  	[tilespmem:s20+$0xFFFFFF00] =	vst v1;
	v1 =	vld [tilespmem:s20+$0xFFFFFF10];
	_ =	sdelay $0x1  }
0x29: {  	v2 =	vld.idx.msk [tilespmem:v0+s13+$0xFFFFFF90 ss:$0x1], $0xffff;
	_ =	sdelay $0x2  }
0x2a: {  	v1 =	vmul.f32 $8.000000000e+00, v1;
	_ =	sdelay $0x1  }
0x2b: {  	v1 =	vadd.f32 v2, v1;
	_ =	sdelay $0x1  }
0x2c: {  	[tilespmem:s20+$0xFFFFFF10] =	vst v1;
	v1 =	vld [tilespmem:s20+$0xFFFFFF20];
	_ =	sdelay $0x1  }
0x2d: {  	v2 =	vld.idx.msk [tilespmem:v0+s13+$0xFFFFFFA0 ss:$0x1], $0xffff;
	_ =	sdelay $0x2  }
0x2e: {  	v1 =	vmul.f32 $8.000000000e+00, v1;
	_ =	sdelay $0x1  }
0x2f: {  	v1 =	vadd.f32 v2, v1;
	_ =	sdelay $0x1  }
0x30: {  	[tilespmem:s20+$0xFFFFFF20] =	vst v1;
	v1 =	vld [tilespmem:s20+$0xFFFFFF30];
	_ =	sdelay $0x1  }
0x31: {  	v2 =	vld.idx.msk [tilespmem:v0+s13+$0xFFFFFFB0 ss:$0x1], $0xffff;
	_ =	sdelay $0x2  }
0x32: {  	s21 =	smul.u32 $0x3200, s7;
	v1 =	vmul.f32 $8.000000000e+00, v1;
	_ =	sdelay $0x1  }
0x33: {  	s9 =	ssub.s32 s31, s21;
	v1 =	vadd.f32 v2, v1  }
0x34: {  	s5 =	sadd.s32 $0x40, s9;
	v2 =	vld [tilespmem:s20+$0xFFFFFF80]  }
0x35: {  	s5 =	sand.u32 $0x7F00, s5;
	[tilespmem:s20+$0xFFFFFF30] =	vst v1  }
0x36: {  	v1 =	vld [tilespmem:s5+$0x6440];
	_ =	sdelay $0x2  }
0x37: {  	v2 =	vmul.f32 $8.000000000e+00, v2;
	_ =	sdelay $0x1  }
0x38: {  	v1 =	vadd.f32 v1, v2  }
0x39: {  	v2 =	vld [tilespmem:s20+$0xFFFFFF90]  }
0x3a: {  	[tilespmem:s20+$0xFFFFFF80] =	vst v1  }
0x3b: {  	v1 =	vld [tilespmem:s5+$0x6450];
	_ =	sdelay $0x2  }
0x3c: {  	v2 =	vmul.f32 $8.000000000e+00, v2;
	_ =	sdelay $0x1  }
0x3d: {  	v1 =	vadd.f32 v1, v2  }
0x3e: {  	v2 =	vld [tilespmem:s20+$0xFFFFFFA0]  }
0x3f: {  	[tilespmem:s20+$0xFFFFFF90] =	vst v1  }
0x40: {  	v1 =	vld [tilespmem:s5+$0x6460];
	_ =	sdelay $0x2  }
0x41: {  	v2 =	vmul.f32 $8.000000000e+00, v2;
	_ =	sdelay $0x1  }
0x42: {  	v1 =	vadd.f32 v1, v2  }
0x43: {  	v2 =	vld [tilespmem:s20+$0xFFFFFFB0]  }
0x44: {  	[tilespmem:s20+$0xFFFFFFA0] =	vst v1  }
0x45: {  	v1 =	vld [tilespmem:s5+$0x6470];
	_ =	sdelay $0x2  }
0x46: {  	v2 =	vmul.f32 $8.000000000e+00, v2;
	_ =	sdelay $0x1  }
0x47: {  	v1 =	vadd.f32 v1, v2  }
0x48: {  	v2 =	vld [tilespmem:s20+$0x0]  }
0x49: {  	[tilespmem:s20+$0xFFFFFFB0] =	vst v1  }
0x4a: {  	v1 =	vld.idx.msk [tilespmem:v0+s13+$0x0 ss:$0x1], $0xffff;
	_ =	sdelay $0x2  }
0x4b: {  	v2 =	vmul.f32 $8.000000000e+00, v2;
	_ =	sdelay $0x1  }
0x4c: {  	v1 =	vadd.f32 v1, v2;
	_ =	sdelay $0x1  }
0x4d: {  	[tilespmem:s20+$0x0] =	vst v1;
	v1 =	vld [tilespmem:s20+$0x10];
	_ =	sdelay $0x1  }
0x4e: {  	v2 =	vld.idx.msk [tilespmem:v0+s13+$0x10 ss:$0x1], $0xffff;
	_ =	sdelay $0x2  }
0x4f: {  	v1 =	vmul.f32 $8.000000000e+00, v1;
	_ =	sdelay $0x1  }
0x50: {  	v1 =	vadd.f32 v2, v1;
	_ =	sdelay $0x1  }
0x51: {  	[tilespmem:s20+$0x10] =	vst v1;
	v1 =	vld [tilespmem:s20+$0x20];
	_ =	sdelay $0x1  }
0x52: {  	v2 =	vld.idx.msk [tilespmem:v0+s13+$0x20 ss:$0x1], $0xffff;
	_ =	sdelay $0x2  }
0x53: {  	v1 =	vmul.f32 $8.000000000e+00, v1;
	_ =	sdelay $0x1  }
0x54: {  	v1 =	vadd.f32 v2, v1;
	_ =	sdelay $0x1  }
0x55: {  	[tilespmem:s20+$0x20] =	vst v1;
	v1 =	vld [tilespmem:s20+$0x30];
	_ =	sdelay $0x1  }
0x56: {  	v2 =	vld.idx.msk [tilespmem:v0+s13+$0x30 ss:$0x1], $0xffff;
	_ =	sdelay $0x2  }
0x57: {  	v1 =	vmul.f32 $8.000000000e+00, v1;
	_ =	sdelay $0x1  }
0x58: {  	v1 =	vadd.f32 v2, v1  }
0x59: {  	s22 =	sadd.s32 $0xC0, s9;
	v2 =	vld [tilespmem:s20+$0x80]  }
0x5a: {  	s5 =	sand.u32 $0x7F80, s22;
	[tilespmem:s20+$0x30] =	vst v1  }
0x5b: {  	v1 =	vld [tilespmem:s5+$0x6440];
	_ =	sdelay $0x2  }
0x5c: {  	v2 =	vmul.f32 $8.000000000e+00, v2;
	_ =	sdelay $0x1  }
0x5d: {  	v1 =	vadd.f32 v1, v2  }
0x5e: {  	v2 =	vld [tilespmem:s20+$0x90]  }
0x5f: {  	[tilespmem:s20+$0x80] =	vst v1  }
0x60: {  	v1 =	vld [tilespmem:s5+$0x6450];
	_ =	sdelay $0x2  }
0x61: {  	v2 =	vmul.f32 $8.000000000e+00, v2;
	_ =	sdelay $0x1  }
0x62: {  	v1 =	vadd.f32 v1, v2  }
0x63: {  	v2 =	vld [tilespmem:s20+$0xA0]  }
0x64: {  	[tilespmem:s20+$0x90] =	vst v1  }
0x65: {  	v1 =	vld [tilespmem:s5+$0x6460];
	_ =	sdelay $0x2  }
0x66: {  	v2 =	vmul.f32 $8.000000000e+00, v2  }
0x67: {  	s10 =	smulhi.u32 $0x51EB851F, s25  }
0x68: {  	s11 =	smulhi.u32 $0x51EB851F, s29;
	v1 =	vadd.f32 v1, v2  }
0x69: {  	s23 =	smulhi.u32 $0x51EB851F, s28;
	s10 =	sshrl.u32 s10, $0x6;
	v2 =	vld [tilespmem:s20+$0xB0]  }
0x6a: {  	s11 =	sshrl.u32 s11, $0x6;
	s12 =	smul.u32 $0x3200, s10;
	[tilespmem:s20+$0xA0] =	vst v1  }
0x6b: {  	s7 =	sshrl.u32 s23, $0x6;
	s23 =	smul.u32 $0xFFFF3800, s11;
	v1 =	vld [tilespmem:s5+$0x6470]  }
0x6c: {  	s26 =	smul.u32 $0x3200, s7  }
0x6d: {  	s7 =	smul.u32 $0xFFFF3800, s7  }
0x6e: {  	s21 =	smul.u32 $0xFFFF3800, s10;
	v2 =	vmul.f32 $8.000000000e+00, v2  }
0x6f: {  	s8 =	ssub.s32 s31, s12;
	s22 =	smul.u32 $0x3200, s11  }
0x70: {  	s10 =	sshll.u32 s1, $0xB;
	s12 =	simm.s32 $0xBB00;
	s11 =	simm.s32 $0x0;
	v1 =	vadd.f32 v1, v2  }
0x71: {  	s22 =	ssub.s32 s31, s22;
	s5 =	ssub.s32 s31, s26;
	s26 =	smov.u32 s13  }
.LBB2_3:
0x72: {  	v2 =	vld [tilespmem:s12+$0xFFFFFF00];
	s11 =	sadd.s32 $0x4, s11;
	[tilespmem:s20+$0xB0] =	vst v1;
	s26 =	sadd.s32 $0x100, s26;
	s20 =	smov.u32 s12  }
0x73: {  	v1 =	vld.idx.msk [tilespmem:v0+s26+$0xFFFFFF80 ss:$0x1], $0xffff;
	p0 =	slt.u32 s11, $0x7C;
	_ =	sdelay $0x3  }
0x74: {  	v2 =	vmul.f32 $8.000000000e+00, v2;
	_ =	sdelay $0x1  }
0x75: {  	v1 =	vadd.f32 v1, v2;
	_ =	sdelay $0x1  }
0x76: {  	[tilespmem:s12+$0xFFFFFF00] =	vst v1;
	v1 =	vld [tilespmem:s12+$0xFFFFFF10]  }
0x77: {  	v2 =	vld.idx.msk [tilespmem:v0+s26+$0xFFFFFF90 ss:$0x1], $0xffff;
	_ =	sdelay $0x3  }
0x78: {  	v1 =	vmul.f32 $8.000000000e+00, v1;
	_ =	sdelay $0x1  }
0x79: {  	v1 =	vadd.f32 v2, v1;
	_ =	sdelay $0x1  }
0x7a: {  	[tilespmem:s12+$0xFFFFFF10] =	vst v1;
	v1 =	vld [tilespmem:s12+$0xFFFFFF20]  }
0x7b: {  	v2 =	vld.idx.msk [tilespmem:v0+s26+$0xFFFFFFA0 ss:$0x1], $0xffff;
	_ =	sdelay $0x3  }
0x7c: {  	v1 =	vmul.f32 $8.000000000e+00, v1;
	_ =	sdelay $0x1  }
0x7d: {  	v1 =	vadd.f32 v2, v1;
	_ =	sdelay $0x1  }
0x7e: {  	[tilespmem:s12+$0xFFFFFF20] =	vst v1;
	v1 =	vld [tilespmem:s12+$0xFFFFFF30]  }
0x7f: {  	v2 =	vld.idx.msk [tilespmem:v0+s26+$0xFFFFFFB0 ss:$0x1], $0xffff;
	_ =	sdelay $0x3  }
0x80: {  	v1 =	vmul.f32 $8.000000000e+00, v1;
	_ =	sdelay $0x1  }
0x81: {  	s9 =	sadd.s32 $0x100, s9;
	v1 =	vadd.f32 v2, v1  }
0x82: {  	s14 =	sadd.s32 $0x40, s9;
	v2 =	vld [tilespmem:s12+$0xFFFFFF80]  }
0x83: {  	s14 =	sand.u32 $0x7F00, s14;
	[tilespmem:s12+$0xFFFFFF30] =	vst v1  }
0x84: {  	v1 =	vld [tilespmem:s14+$0x6440];
	_ =	sdelay $0x2  }
0x85: {  	v2 =	vmul.f32 $8.000000000e+00, v2;
	_ =	sdelay $0x1  }
0x86: {  	v1 =	vadd.f32 v1, v2  }
0x87: {  	v2 =	vld [tilespmem:s12+$0xFFFFFF90]  }
0x88: {  	[tilespmem:s12+$0xFFFFFF80] =	vst v1  }
0x89: {  	v1 =	vld [tilespmem:s14+$0x6450];
	_ =	sdelay $0x2  }
0x8a: {  	v2 =	vmul.f32 $8.000000000e+00, v2;
	_ =	sdelay $0x1  }
0x8b: {  	v1 =	vadd.f32 v1, v2  }
0x8c: {  	v2 =	vld [tilespmem:s12+$0xFFFFFFA0]  }
0x8d: {  	[tilespmem:s12+$0xFFFFFF90] =	vst v1  }
0x8e: {  	v1 =	vld [tilespmem:s14+$0x6460];
	_ =	sdelay $0x2  }
0x8f: {  	v2 =	vmul.f32 $8.000000000e+00, v2;
	_ =	sdelay $0x1  }
0x90: {  	v1 =	vadd.f32 v1, v2  }
0x91: {  	v2 =	vld [tilespmem:s12+$0xFFFFFFB0]  }
0x92: {  	[tilespmem:s12+$0xFFFFFFA0] =	vst v1  }
0x93: {  	v1 =	vld [tilespmem:s14+$0x6470];
	_ =	sdelay $0x2  }
0x94: {  	v2 =	vmul.f32 $8.000000000e+00, v2;
	_ =	sdelay $0x1  }
0x95: {  	v1 =	vadd.f32 v1, v2;
	_ =	sdelay $0x1  }
0x96: {  	[tilespmem:s12+$0xFFFFFFB0] =	vst v1;
	v1 =	vld [tilespmem:s12+$0x0]  }
0x97: {  	v2 =	vld.idx.msk [tilespmem:v0+s26+$0x0 ss:$0x1], $0xffff;
	_ =	sdelay $0x3  }
0x98: {  	v1 =	vmul.f32 $8.000000000e+00, v1;
	_ =	sdelay $0x1  }
0x99: {  	v1 =	vadd.f32 v2, v1;
	_ =	sdelay $0x1  }
0x9a: {  	[tilespmem:s12+$0x0] =	vst v1;
	v1 =	vld [tilespmem:s12+$0x10]  }
0x9b: {  	v2 =	vld.idx.msk [tilespmem:v0+s26+$0x10 ss:$0x1], $0xffff;
	_ =	sdelay $0x3  }
0x9c: {  	v1 =	vmul.f32 $8.000000000e+00, v1;
	_ =	sdelay $0x1  }
0x9d: {  	v1 =	vadd.f32 v2, v1;
	_ =	sdelay $0x1  }
0x9e: {  	[tilespmem:s12+$0x10] =	vst v1;
	v1 =	vld [tilespmem:s12+$0x20]  }
0x9f: {  	v2 =	vld.idx.msk [tilespmem:v0+s26+$0x20 ss:$0x1], $0xffff;
	_ =	sdelay $0x3  }
0xa0: {  	v1 =	vmul.f32 $8.000000000e+00, v1;
	_ =	sdelay $0x1  }
0xa1: {  	v1 =	vadd.f32 v2, v1;
	_ =	sdelay $0x1  }
0xa2: {  	[tilespmem:s12+$0x20] =	vst v1;
	v1 =	vld [tilespmem:s12+$0x30]  }
0xa3: {  	v2 =	vld.idx.msk [tilespmem:v0+s26+$0x30 ss:$0x1], $0xffff;
	_ =	sdelay $0x3  }
0xa4: {  	v1 =	vmul.f32 $8.000000000e+00, v1;
	_ =	sdelay $0x1  }
0xa5: {  	v1 =	vadd.f32 v2, v1  }
0xa6: {  	s14 =	sadd.s32 $0xC0, s9;
	v2 =	vld [tilespmem:s12+$0x80]  }
0xa7: {  	s14 =	sand.u32 $0x7F80, s14;
	[tilespmem:s12+$0x30] =	vst v1  }
0xa8: {  	v1 =	vld [tilespmem:s14+$0x6440];
	_ =	sdelay $0x2  }
0xa9: {  	v2 =	vmul.f32 $8.000000000e+00, v2;
	_ =	sdelay $0x1  }
0xaa: {  	v1 =	vadd.f32 v1, v2  }
0xab: {  	v2 =	vld [tilespmem:s12+$0x90]  }
0xac: {  	[tilespmem:s12+$0x80] =	vst v1  }
0xad: {  	v1 =	vld [tilespmem:s14+$0x6450];
	_ =	sdelay $0x2  }
0xae: {  	v2 =	vmul.f32 $8.000000000e+00, v2;
	_ =	sdelay $0x1  }
0xaf: {  	v1 =	vadd.f32 v1, v2  }
0xb0: {  	v2 =	vld [tilespmem:s12+$0xA0]  }
0xb1: {  	[tilespmem:s12+$0x90] =	vst v1  }
0xb2: {  	v1 =	vld [tilespmem:s14+$0x6460];
	_ =	sdelay $0x2  }
0xb3: {  	v2 =	vmul.f32 $8.000000000e+00, v2;
	_ =	sdelay $0x1  }
0xb4: {  	v1 =	vadd.f32 v1, v2  }
0xb5: {  	v2 =	vld [tilespmem:s12+$0xB0]  }
0xb6: {  	[tilespmem:s12+$0xA0] =	vst v1  }
0xb7: {  	v1 =	vld [tilespmem:s14+$0x6470];
	_ =	sdelay $0x1  }
.Ltmp0:
0xb8: {  	(pc) =	sbr.rel @p0 .LBB2_3-.Ltmp0, $3  }
0xb9: {  	v2 =	vmul.f32 $8.000000000e+00, v2;
	_ =	sdelay $0x1  }
0xba: {  	v1 =	vadd.f32 v1, v2  }
0xbb: {  	s12 =	sadd.s32 $0x200, s12  }
0xbc: {  	s9 =	sadd.s32 s3, s19  }
0xbd: {  	s9 =	sshll.u32 s9, $0x4  }
0xbe: {  	[tilespmem:s20+$0xB0] =	vst v1;
	s11 =	simm.s32 $0xB800;
	p0 =	seq.s32 s1, $0x31;
	s9 =	sadd.s32 s6, s9  }
0xbf: {  	[hbm4b:s9+s2] =	stream.linear.scatter [tilespmem:s11], [sflag:$0x5], $0x4000, $0x38;
	[tilespmem:$0x1B800] =	vst v63  }
0xc0: {  	s9 =	simm.s32 @!p0 $0x5  }
0xc1: {  	s14 =	sshra.s32 s23, $0x2;
	_ =	swait.ge @!p0 [sflag:s9], $0x4000  }
0xc2: {  	s20 =	sshrl.u32 @!p0 s10, $0x2;
	s10 =	simm.s32 @!p0 $0x80;
	[sflag:s9] =	ssyncset.done @!p0 $0x0  }
0xc3: {  	s11 =	simm.s32 @!p0 $0xB800;
	[sflag:s9] =	ssyncadd.s32 @!p0 $0xFFFFC000;
	s9 =	sadd.s32 @!p0 $0x200, s20  }
0xc4: {  	[tilespmem:s11], [sflag:$0x1] =	stream.indirect.gather @!p0 [hbm4b:s4+s10], $0x80, s9, s10, $0xb8;
	[tilespmem:$0x1B800] =	vst v63  }
0xc5: {  	v0 =	vmov s14;
	_ =	swait.ge [sflag:s16], $0x4000  }
0xc6: {  	[sflag:s16] =	ssyncset.done $0x0  }
0xc7: {  	s9 =	simm.s32 $0xF9B0;
	[sflag:s16] =	ssyncadd.s32 $0xFFFFC000  }
0xc8: {  	v1 =	vld [tilespmem:s9+$0xFFFFFE50];
	_ =	sdelay $0x1  }
0xc9: {  	v2 =	vld.idx.msk [tilespmem:v0+s24+$0x2000 ss:$0x1], $0xffff;
	_ =	sdelay $0x2  }
0xca: {  	v1 =	vmul.f32 $8.000000000e+00, v1;
	_ =	sdelay $0x1  }
0xcb: {  	v1 =	vadd.f32 v2, v1;
	_ =	sdelay $0x1  }
0xcc: {  	[tilespmem:s9+$0xFFFFFE50] =	vst v1;
	v1 =	vld [tilespmem:s9+$0xFFFFFE60];
	_ =	sdelay $0x1  }
0xcd: {  	v2 =	vld.idx.msk [tilespmem:v0+s24+$0x2010 ss:$0x1], $0xffff;
	_ =	sdelay $0x2  }
0xce: {  	v1 =	vmul.f32 $8.000000000e+00, v1;
	_ =	sdelay $0x1  }
0xcf: {  	v1 =	vadd.f32 v2, v1;
	_ =	sdelay $0x1  }
0xd0: {  	[tilespmem:s9+$0xFFFFFE60] =	vst v1;
	v1 =	vld [tilespmem:s9+$0xFFFFFE70];
	_ =	sdelay $0x1  }
0xd1: {  	v2 =	vld.idx.msk [tilespmem:v0+s24+$0x2020 ss:$0x1], $0xffff;
	_ =	sdelay $0x2  }
0xd2: {  	v1 =	vmul.f32 $8.000000000e+00, v1;
	_ =	sdelay $0x1  }
0xd3: {  	v1 =	vadd.f32 v2, v1;
	_ =	sdelay $0x1  }
0xd4: {  	[tilespmem:s9+$0xFFFFFE70] =	vst v1;
	v1 =	vld [tilespmem:s9+$0xFFFFFE80];
	_ =	sdelay $0x1  }
0xd5: {  	v2 =	vld.idx.msk [tilespmem:v0+s24+$0x2030 ss:$0x1], $0xffff;
	_ =	sdelay $0x2  }
0xd6: {  	v1 =	vmul.f32 $8.000000000e+00, v1;
	_ =	sdelay $0x1  }
0xd7: {  	v1 =	vadd.f32 v2, v1  }
0xd8: {  	s23 =	sadd.s32 $0x2000, s22;
	v2 =	vld [tilespmem:s9+$0xFFFFFED0]  }
0xd9: {  	s10 =	sand.u32 $0x7F00, s23;
	[tilespmem:s9+$0xFFFFFE80] =	vst v1  }
0xda: {  	v1 =	vld [tilespmem:s10+$0x6440];
	_ =	sdelay $0x2  }
0xdb: {  	v2 =	vmul.f32 $8.000000000e+00, v2;
	_ =	sdelay $0x1  }
0xdc: {  	v1 =	vadd.f32 v1, v2  }
0xdd: {  	v2 =	vld [tilespmem:s9+$0xFFFFFEE0]  }
0xde: {  	[tilespmem:s9+$0xFFFFFED0] =	vst v1  }
0xdf: {  	v1 =	vld [tilespmem:s10+$0x6450];
	_ =	sdelay $0x2  }
0xe0: {  	v2 =	vmul.f32 $8.000000000e+00, v2;
	_ =	sdelay $0x1  }
0xe1: {  	v1 =	vadd.f32 v1, v2  }
0xe2: {  	v2 =	vld [tilespmem:s9+$0xFFFFFEF0]  }
0xe3: {  	[tilespmem:s9+$0xFFFFFEE0] =	vst v1  }
0xe4: {  	v1 =	vld [tilespmem:s10+$0x6460];
	_ =	sdelay $0x2  }
0xe5: {  	v2 =	vmul.f32 $8.000000000e+00, v2;
	_ =	sdelay $0x1  }
0xe6: {  	v1 =	vadd.f32 v1, v2  }
0xe7: {  	v2 =	vld [tilespmem:s9+$0xFFFFFF00]  }
0xe8: {  	[tilespmem:s9+$0xFFFFFEF0] =	vst v1  }
0xe9: {  	v1 =	vld [tilespmem:s10+$0x6470];
	_ =	sdelay $0x2  }
0xea: {  	v2 =	vmul.f32 $8.000000000e+00, v2;
	_ =	sdelay $0x1  }
0xeb: {  	v1 =	vadd.f32 v1, v2  }
0xec: {  	v2 =	vld [tilespmem:s9+$0xFFFFFF50]  }
0xed: {  	[tilespmem:s9+$0xFFFFFF00] =	vst v1  }
0xee: {  	v1 =	vld.idx.msk [tilespmem:v0+s24+$0x2080 ss:$0x1], $0xffff;
	_ =	sdelay $0x2  }
0xef: {  	v2 =	vmul.f32 $8.000000000e+00, v2;
	_ =	sdelay $0x1  }
0xf0: {  	v1 =	vadd.f32 v1, v2;
	_ =	sdelay $0x1  }
0xf1: {  	[tilespmem:s9+$0xFFFFFF50] =	vst v1;
	v1 =	vld [tilespmem:s9+$0xFFFFFF60];
	_ =	sdelay $0x1  }
0xf2: {  	v2 =	vld.idx.msk [tilespmem:v0+s24+$0x2090 ss:$0x1], $0xffff;
	_ =	sdelay $0x2  }
0xf3: {  	v1 =	vmul.f32 $8.000000000e+00, v1;
	_ =	sdelay $0x1  }
0xf4: {  	v1 =	vadd.f32 v2, v1;
	_ =	sdelay $0x1  }
0xf5: {  	[tilespmem:s9+$0xFFFFFF60] =	vst v1;
	v1 =	vld [tilespmem:s9+$0xFFFFFF70];
	_ =	sdelay $0x1  }
0xf6: {  	v2 =	vld.idx.msk [tilespmem:v0+s24+$0x20A0 ss:$0x1], $0xffff;
	_ =	sdelay $0x2  }
0xf7: {  	v1 =	vmul.f32 $8.000000000e+00, v1;
	_ =	sdelay $0x1  }
0xf8: {  	v1 =	vadd.f32 v2, v1;
	_ =	sdelay $0x1  }
0xf9: {  	[tilespmem:s9+$0xFFFFFF70] =	vst v1;
	v1 =	vld [tilespmem:s9+$0xFFFFFF80];
	_ =	sdelay $0x1  }
0xfa: {  	v2 =	vld.idx.msk [tilespmem:v0+s24+$0x20B0 ss:$0x1], $0xffff;
	_ =	sdelay $0x2  }
0xfb: {  	v1 =	vmul.f32 $8.000000000e+00, v1;
	_ =	sdelay $0x1  }
0xfc: {  	v1 =	vadd.f32 v2, v1  }
0xfd: {  	s26 =	sadd.s32 $0x20C0, s22;
	v2 =	vld [tilespmem:s9+$0xFFFFFFD0]  }
0xfe: {  	s10 =	sand.u32 $0x7F80, s26;
	[tilespmem:s9+$0xFFFFFF80] =	vst v1  }
0xff: {  	v1 =	vld [tilespmem:s10+$0x6440];
	_ =	sdelay $0x2  }
0x100: {  	v2 =	vmul.f32 $8.000000000e+00, v2;
	_ =	sdelay $0x1  }
0x101: {  	v1 =	vadd.f32 v1, v2  }
0x102: {  	v2 =	vld [tilespmem:s9+$0xFFFFFFE0]  }
0x103: {  	[tilespmem:s9+$0xFFFFFFD0] =	vst v1  }
0x104: {  	v1 =	vld [tilespmem:s10+$0x6450];
	_ =	sdelay $0x2  }
0x105: {  	v2 =	vmul.f32 $8.000000000e+00, v2;
	_ =	sdelay $0x1  }
0x106: {  	v1 =	vadd.f32 v1, v2  }
0x107: {  	v2 =	vld [tilespmem:s9+$0xFFFFFFF0]  }
0x108: {  	[tilespmem:s9+$0xFFFFFFE0] =	vst v1  }
0x109: {  	v1 =	vld [tilespmem:s10+$0x6460];
	_ =	sdelay $0x2  }
0x10a: {  	v2 =	vmul.f32 $8.000000000e+00, v2;
	_ =	sdelay $0x1  }
0x10b: {  	v1 =	vadd.f32 v1, v2  }
0x10c: {  	v2 =	vld [tilespmem:s9+$0x0]  }
0x10d: {  	[tilespmem:s9+$0xFFFFFFF0] =	vst v1  }
0x10e: {  	v1 =	vld [tilespmem:s10+$0x6470];
	_ =	sdelay $0x2  }
0x10f: {  	v2 =	vmul.f32 $8.000000000e+00, v2;
	_ =	sdelay $0x1  }
0x110: {  	s12 =	simm.s32 $0xFBB0;
	v1 =	vadd.f32 v1, v2  }
0x111: {  	s11 =	simm.s32 $0x0;
	s23 =	smov.u32 s24;
	s10 =	sor.u32 $0x80, s19  }
.LBB2_5:
0x112: {  	v2 =	vld [tilespmem:s12+$0xFFFFFE50];
	s11 =	sadd.s32 $0x4, s11;
	[tilespmem:s9+$0x0] =	vst v1;
	s23 =	sadd.s32 $0x100, s23;
	s9 =	smov.u32 s12  }
0x113: {  	v1 =	vld.idx.msk [tilespmem:v0+s23+$0x2000 ss:$0x1], $0xffff;
	p1 =	slt.u32 s11, $0x7C;
	_ =	sdelay $0x3  }
0x114: {  	v2 =	vmul.f32 $8.000000000e+00, v2;
	_ =	sdelay $0x1  }
0x115: {  	v1 =	vadd.f32 v1, v2;
	_ =	sdelay $0x1  }
0x116: {  	[tilespmem:s12+$0xFFFFFE50] =	vst v1;
	v1 =	vld [tilespmem:s12+$0xFFFFFE60]  }
0x117: {  	v2 =	vld.idx.msk [tilespmem:v0+s23+$0x2010 ss:$0x1], $0xffff;
	_ =	sdelay $0x3  }
0x118: {  	v1 =	vmul.f32 $8.000000000e+00, v1;
	_ =	sdelay $0x1  }
0x119: {  	v1 =	vadd.f32 v2, v1;
	_ =	sdelay $0x1  }
0x11a: {  	[tilespmem:s12+$0xFFFFFE60] =	vst v1;
	v1 =	vld [tilespmem:s12+$0xFFFFFE70]  }
0x11b: {  	v2 =	vld.idx.msk [tilespmem:v0+s23+$0x2020 ss:$0x1], $0xffff;
	_ =	sdelay $0x3  }
0x11c: {  	v1 =	vmul.f32 $8.000000000e+00, v1;
	_ =	sdelay $0x1  }
0x11d: {  	v1 =	vadd.f32 v2, v1;
	_ =	sdelay $0x1  }
0x11e: {  	[tilespmem:s12+$0xFFFFFE70] =	vst v1;
	v1 =	vld [tilespmem:s12+$0xFFFFFE80]  }
0x11f: {  	v2 =	vld.idx.msk [tilespmem:v0+s23+$0x2030 ss:$0x1], $0xffff;
	_ =	sdelay $0x3  }
0x120: {  	v1 =	vmul.f32 $8.000000000e+00, v1;
	_ =	sdelay $0x1  }
0x121: {  	s22 =	sadd.s32 $0x100, s22;
	v1 =	vadd.f32 v2, v1  }
0x122: {  	s14 =	sadd.s32 $0x2000, s22;
	v2 =	vld [tilespmem:s12+$0xFFFFFED0]  }
0x123: {  	s14 =	sand.u32 $0x7F00, s14;
	[tilespmem:s12+$0xFFFFFE80] =	vst v1  }
0x124: {  	v1 =	vld [tilespmem:s14+$0x6440];
	_ =	sdelay $0x2  }
0x125: {  	v2 =	vmul.f32 $8.000000000e+00, v2;
	_ =	sdelay $0x1  }
0x126: {  	v1 =	vadd.f32 v1, v2  }
0x127: {  	v2 =	vld [tilespmem:s12+$0xFFFFFEE0]  }
0x128: {  	[tilespmem:s12+$0xFFFFFED0] =	vst v1  }
0x129: {  	v1 =	vld [tilespmem:s14+$0x6450];
	_ =	sdelay $0x2  }
0x12a: {  	v2 =	vmul.f32 $8.000000000e+00, v2;
	_ =	sdelay $0x1  }
0x12b: {  	v1 =	vadd.f32 v1, v2  }
0x12c: {  	v2 =	vld [tilespmem:s12+$0xFFFFFEF0]  }
0x12d: {  	[tilespmem:s12+$0xFFFFFEE0] =	vst v1  }
0x12e: {  	v1 =	vld [tilespmem:s14+$0x6460];
	_ =	sdelay $0x2  }
0x12f: {  	v2 =	vmul.f32 $8.000000000e+00, v2;
	_ =	sdelay $0x1  }
0x130: {  	v1 =	vadd.f32 v1, v2  }
0x131: {  	v2 =	vld [tilespmem:s12+$0xFFFFFF00]  }
0x132: {  	[tilespmem:s12+$0xFFFFFEF0] =	vst v1  }
0x133: {  	v1 =	vld [tilespmem:s14+$0x6470];
	_ =	sdelay $0x2  }
0x134: {  	v2 =	vmul.f32 $8.000000000e+00, v2;
	_ =	sdelay $0x1  }
0x135: {  	v1 =	vadd.f32 v1, v2;
	_ =	sdelay $0x1  }
0x136: {  	[tilespmem:s12+$0xFFFFFF00] =	vst v1;
	v1 =	vld [tilespmem:s12+$0xFFFFFF50]  }
0x137: {  	v2 =	vld.idx.msk [tilespmem:v0+s23+$0x2080 ss:$0x1], $0xffff;
	_ =	sdelay $0x3  }
0x138: {  	v1 =	vmul.f32 $8.000000000e+00, v1;
	_ =	sdelay $0x1  }
0x139: {  	v1 =	vadd.f32 v2, v1;
	_ =	sdelay $0x1  }
0x13a: {  	[tilespmem:s12+$0xFFFFFF50] =	vst v1;
	v1 =	vld [tilespmem:s12+$0xFFFFFF60]  }
0x13b: {  	v2 =	vld.idx.msk [tilespmem:v0+s23+$0x2090 ss:$0x1], $0xffff;
	_ =	sdelay $0x3  }
0x13c: {  	v1 =	vmul.f32 $8.000000000e+00, v1;
	_ =	sdelay $0x1  }
0x13d: {  	v1 =	vadd.f32 v2, v1;
	_ =	sdelay $0x1  }
0x13e: {  	[tilespmem:s12+$0xFFFFFF60] =	vst v1;
	v1 =	vld [tilespmem:s12+$0xFFFFFF70]  }
0x13f: {  	v2 =	vld.idx.msk [tilespmem:v0+s23+$0x20A0 ss:$0x1], $0xffff;
	_ =	sdelay $0x3  }
0x140: {  	v1 =	vmul.f32 $8.000000000e+00, v1;
	_ =	sdelay $0x1  }
0x141: {  	v1 =	vadd.f32 v2, v1;
	_ =	sdelay $0x1  }
0x142: {  	[tilespmem:s12+$0xFFFFFF70] =	vst v1;
	v1 =	vld [tilespmem:s12+$0xFFFFFF80]  }
0x143: {  	v2 =	vld.idx.msk [tilespmem:v0+s23+$0x20B0 ss:$0x1], $0xffff;
	_ =	sdelay $0x3  }
0x144: {  	v1 =	vmul.f32 $8.000000000e+00, v1;
	_ =	sdelay $0x1  }
0x145: {  	v1 =	vadd.f32 v2, v1  }
0x146: {  	s14 =	sadd.s32 $0x20C0, s22;
	v2 =	vld [tilespmem:s12+$0xFFFFFFD0]  }
0x147: {  	s14 =	sand.u32 $0x7F80, s14;
	[tilespmem:s12+$0xFFFFFF80] =	vst v1  }
0x148: {  	v1 =	vld [tilespmem:s14+$0x6440];
	_ =	sdelay $0x2  }
0x149: {  	v2 =	vmul.f32 $8.000000000e+00, v2;
	_ =	sdelay $0x1  }
0x14a: {  	v1 =	vadd.f32 v1, v2  }
0x14b: {  	v2 =	vld [tilespmem:s12+$0xFFFFFFE0]  }
0x14c: {  	[tilespmem:s12+$0xFFFFFFD0] =	vst v1  }
0x14d: {  	v1 =	vld [tilespmem:s14+$0x6450];
	_ =	sdelay $0x2  }
0x14e: {  	v2 =	vmul.f32 $8.000000000e+00, v2;
	_ =	sdelay $0x1  }
0x14f: {  	v1 =	vadd.f32 v1, v2  }
0x150: {  	v2 =	vld [tilespmem:s12+$0xFFFFFFF0]  }
0x151: {  	[tilespmem:s12+$0xFFFFFFE0] =	vst v1  }
0x152: {  	v1 =	vld [tilespmem:s14+$0x6460];
	_ =	sdelay $0x2  }
0x153: {  	v2 =	vmul.f32 $8.000000000e+00, v2;
	_ =	sdelay $0x1  }
0x154: {  	v1 =	vadd.f32 v1, v2  }
0x155: {  	v2 =	vld [tilespmem:s12+$0x0]  }
0x156: {  	[tilespmem:s12+$0xFFFFFFF0] =	vst v1  }
0x157: {  	v1 =	vld [tilespmem:s14+$0x6470];
	_ =	sdelay $0x1  }
.Ltmp1:
0x158: {  	(pc) =	sbr.rel @p1 .LBB2_5-.Ltmp1, $3  }
0x159: {  	v2 =	vmul.f32 $8.000000000e+00, v2;
	_ =	sdelay $0x1  }
0x15a: {  	v1 =	vadd.f32 v1, v2  }
0x15b: {  	s12 =	sadd.s32 $0x200, s12  }
0x15c: {  	s10 =	sadd.s32 s3, s10  }
0x15d: {  	s10 =	sshll.u32 s10, $0x4  }
0x15e: {  	[tilespmem:s9+$0x0] =	vst v1;
	s14 =	simm.s32 $0xF800;
	s9 =	simm.s32 @!p0 $0x6;
	s12 =	sadd.s32 s6, s10  }
0x15f: {  	[hbm4b:s12+s2] =	stream.linear.scatter [tilespmem:s14], [sflag:$0x6], $0x4000, $0x38;
	[tilespmem:$0x1B800] =	vst v63  }
0x160: {  	_ =	swait.ge @!p0 [sflag:s9], $0x4000  }
0x161: {  	s11 =	simm.s32 @!p0 $0xF800;
	s22 =	sshra.s32 s21, $0x2;
	[sflag:s9] =	ssyncset.done @!p0 $0x0  }
0x162: {  	s10 =	simm.s32 @!p0 $0x80;
	[sflag:s9] =	ssyncadd.s32 @!p0 $0xFFFFC000;
	s9 =	sadd.s32 @!p0 $0x280, s20  }
0x163: {  	[tilespmem:s11], [sflag:$0x2] =	stream.indirect.gather @!p0 [hbm4b:s4+s10], $0x80, s9, s10, $0xb8;
	[tilespmem:$0x1B800] =	vst v63  }
0x164: {  	v0 =	vmov s22;
	_ =	swait.ge [sflag:s17], $0x4000  }
0x165: {  	[sflag:s17] =	ssyncset.done $0x0  }
0x166: {  	s9 =	simm.s32 $0x139B0;
	[sflag:s17] =	ssyncadd.s32 $0xFFFFC000  }
0x167: {  	v1 =	vld [tilespmem:s9+$0xFFFFFE50];
	_ =	sdelay $0x1  }
0x168: {  	v2 =	vld.idx.msk [tilespmem:v0+s24+$0x4000 ss:$0x1], $0xffff;
	_ =	sdelay $0x2  }
0x169: {  	v1 =	vmul.f32 $8.000000000e+00, v1;
	_ =	sdelay $0x1  }
0x16a: {  	v1 =	vadd.f32 v2, v1;
	_ =	sdelay $0x1  }
0x16b: {  	[tilespmem:s9+$0xFFFFFE50] =	vst v1;
	v1 =	vld [tilespmem:s9+$0xFFFFFE60];
	_ =	sdelay $0x1  }
0x16c: {  	v2 =	vld.idx.msk [tilespmem:v0+s24+$0x4010 ss:$0x1], $0xffff;
	_ =	sdelay $0x2  }
0x16d: {  	v1 =	vmul.f32 $8.000000000e+00, v1;
	_ =	sdelay $0x1  }
0x16e: {  	v1 =	vadd.f32 v2, v1;
	_ =	sdelay $0x1  }
0x16f: {  	[tilespmem:s9+$0xFFFFFE60] =	vst v1;
	v1 =	vld [tilespmem:s9+$0xFFFFFE70];
	_ =	sdelay $0x1  }
0x170: {  	v2 =	vld.idx.msk [tilespmem:v0+s24+$0x4020 ss:$0x1], $0xffff;
	_ =	sdelay $0x2  }
0x171: {  	v1 =	vmul.f32 $8.000000000e+00, v1;
	_ =	sdelay $0x1  }
0x172: {  	v1 =	vadd.f32 v2, v1;
	_ =	sdelay $0x1  }
0x173: {  	[tilespmem:s9+$0xFFFFFE70] =	vst v1;
	v1 =	vld [tilespmem:s9+$0xFFFFFE80];
	_ =	sdelay $0x1  }
0x174: {  	v2 =	vld.idx.msk [tilespmem:v0+s24+$0x4030 ss:$0x1], $0xffff;
	_ =	sdelay $0x2  }
0x175: {  	v1 =	vmul.f32 $8.000000000e+00, v1;
	_ =	sdelay $0x1  }
0x176: {  	v1 =	vadd.f32 v2, v1  }
0x177: {  	s23 =	sadd.s32 $0x4000, s8;
	v2 =	vld [tilespmem:s9+$0xFFFFFED0]  }
0x178: {  	s10 =	sand.u32 $0x7F00, s23;
	[tilespmem:s9+$0xFFFFFE80] =	vst v1  }
0x179: {  	v1 =	vld [tilespmem:s10+$0x6440];
	_ =	sdelay $0x2  }
0x17a: {  	v2 =	vmul.f32 $8.000000000e+00, v2;
	_ =	sdelay $0x1  }
0x17b: {  	v1 =	vadd.f32 v1, v2  }
0x17c: {  	v2 =	vld [tilespmem:s9+$0xFFFFFEE0]  }
0x17d: {  	[tilespmem:s9+$0xFFFFFED0] =	vst v1  }
0x17e: {  	v1 =	vld [tilespmem:s10+$0x6450];
	_ =	sdelay $0x2  }
0x17f: {  	v2 =	vmul.f32 $8.000000000e+00, v2;
	_ =	sdelay $0x1  }
0x180: {  	v1 =	vadd.f32 v1, v2  }
0x181: {  	v2 =	vld [tilespmem:s9+$0xFFFFFEF0]  }
0x182: {  	[tilespmem:s9+$0xFFFFFEE0] =	vst v1  }
0x183: {  	v1 =	vld [tilespmem:s10+$0x6460];
	_ =	sdelay $0x2  }
0x184: {  	v2 =	vmul.f32 $8.000000000e+00, v2;
	_ =	sdelay $0x1  }
0x185: {  	v1 =	vadd.f32 v1, v2  }
0x186: {  	v2 =	vld [tilespmem:s9+$0xFFFFFF00]  }
0x187: {  	[tilespmem:s9+$0xFFFFFEF0] =	vst v1  }
0x188: {  	v1 =	vld [tilespmem:s10+$0x6470];
	_ =	sdelay $0x2  }
0x189: {  	v2 =	vmul.f32 $8.000000000e+00, v2;
	_ =	sdelay $0x1  }
0x18a: {  	v1 =	vadd.f32 v1, v2  }
0x18b: {  	v2 =	vld [tilespmem:s9+$0xFFFFFF50]  }
0x18c: {  	[tilespmem:s9+$0xFFFFFF00] =	vst v1  }
0x18d: {  	v1 =	vld.idx.msk [tilespmem:v0+s24+$0x4080 ss:$0x1], $0xffff;
	_ =	sdelay $0x2  }
0x18e: {  	v2 =	vmul.f32 $8.000000000e+00, v2;
	_ =	sdelay $0x1  }
0x18f: {  	v1 =	vadd.f32 v1, v2;
	_ =	sdelay $0x1  }
0x190: {  	[tilespmem:s9+$0xFFFFFF50] =	vst v1;
	v1 =	vld [tilespmem:s9+$0xFFFFFF60];
	_ =	sdelay $0x1  }
0x191: {  	v2 =	vld.idx.msk [tilespmem:v0+s24+$0x4090 ss:$0x1], $0xffff;
	_ =	sdelay $0x2  }
0x192: {  	v1 =	vmul.f32 $8.000000000e+00, v1;
	_ =	sdelay $0x1  }
0x193: {  	v1 =	vadd.f32 v2, v1;
	_ =	sdelay $0x1  }
0x194: {  	[tilespmem:s9+$0xFFFFFF60] =	vst v1;
	v1 =	vld [tilespmem:s9+$0xFFFFFF70];
	_ =	sdelay $0x1  }
0x195: {  	v2 =	vld.idx.msk [tilespmem:v0+s24+$0x40A0 ss:$0x1], $0xffff;
	_ =	sdelay $0x2  }
0x196: {  	v1 =	vmul.f32 $8.000000000e+00, v1;
	_ =	sdelay $0x1  }
0x197: {  	v1 =	vadd.f32 v2, v1;
	_ =	sdelay $0x1  }
0x198: {  	[tilespmem:s9+$0xFFFFFF70] =	vst v1;
	v1 =	vld [tilespmem:s9+$0xFFFFFF80];
	_ =	sdelay $0x1  }
0x199: {  	v2 =	vld.idx.msk [tilespmem:v0+s24+$0x40B0 ss:$0x1], $0xffff;
	_ =	sdelay $0x2  }
0x19a: {  	v1 =	vmul.f32 $8.000000000e+00, v1;
	_ =	sdelay $0x1  }
0x19b: {  	v1 =	vadd.f32 v2, v1  }
0x19c: {  	s26 =	sadd.s32 $0x40C0, s8;
	v2 =	vld [tilespmem:s9+$0xFFFFFFD0]  }
0x19d: {  	s10 =	sand.u32 $0x7F80, s26;
	[tilespmem:s9+$0xFFFFFF80] =	vst v1  }
0x19e: {  	v1 =	vld [tilespmem:s10+$0x6440];
	_ =	sdelay $0x2  }
0x19f: {  	v2 =	vmul.f32 $8.000000000e+00, v2;
	_ =	sdelay $0x1  }
0x1a0: {  	v1 =	vadd.f32 v1, v2  }
0x1a1: {  	v2 =	vld [tilespmem:s9+$0xFFFFFFE0]  }
0x1a2: {  	[tilespmem:s9+$0xFFFFFFD0] =	vst v1  }
0x1a3: {  	v1 =	vld [tilespmem:s10+$0x6450];
	_ =	sdelay $0x2  }
0x1a4: {  	v2 =	vmul.f32 $8.000000000e+00, v2;
	_ =	sdelay $0x1  }
0x1a5: {  	v1 =	vadd.f32 v1, v2  }
0x1a6: {  	v2 =	vld [tilespmem:s9+$0xFFFFFFF0]  }
0x1a7: {  	[tilespmem:s9+$0xFFFFFFE0] =	vst v1  }
0x1a8: {  	v1 =	vld [tilespmem:s10+$0x6460];
	_ =	sdelay $0x2  }
0x1a9: {  	v2 =	vmul.f32 $8.000000000e+00, v2;
	_ =	sdelay $0x1  }
0x1aa: {  	v1 =	vadd.f32 v1, v2  }
0x1ab: {  	v2 =	vld [tilespmem:s9+$0x0]  }
0x1ac: {  	[tilespmem:s9+$0xFFFFFFF0] =	vst v1  }
0x1ad: {  	v1 =	vld [tilespmem:s10+$0x6470];
	_ =	sdelay $0x2  }
0x1ae: {  	v2 =	vmul.f32 $8.000000000e+00, v2;
	_ =	sdelay $0x1  }
0x1af: {  	s12 =	simm.s32 $0x13BB0;
	v1 =	vadd.f32 v1, v2  }
0x1b0: {  	s11 =	simm.s32 $0x0;
	s10 =	sor.u32 $0x100, s19;
	s19 =	smov.u32 s24  }
.LBB2_7:
0x1b1: {  	v2 =	vld [tilespmem:s12+$0xFFFFFE50];
	s11 =	sadd.s32 $0x4, s11;
	[tilespmem:s9+$0x0] =	vst v1;
	s19 =	sadd.s32 $0x100, s19;
	s9 =	smov.u32 s12  }
0x1b2: {  	v1 =	vld.idx.msk [tilespmem:v0+s19+$0x4000 ss:$0x1], $0xffff;
	p1 =	slt.u32 s11, $0x7C;
	_ =	sdelay $0x3  }
0x1b3: {  	v2 =	vmul.f32 $8.000000000e+00, v2;
	_ =	sdelay $0x1  }
0x1b4: {  	v1 =	vadd.f32 v1, v2;
	_ =	sdelay $0x1  }
0x1b5: {  	[tilespmem:s12+$0xFFFFFE50] =	vst v1;
	v1 =	vld [tilespmem:s12+$0xFFFFFE60]  }
0x1b6: {  	v2 =	vld.idx.msk [tilespmem:v0+s19+$0x4010 ss:$0x1], $0xffff;
	_ =	sdelay $0x3  }
0x1b7: {  	v1 =	vmul.f32 $8.000000000e+00, v1;
	_ =	sdelay $0x1  }
0x1b8: {  	v1 =	vadd.f32 v2, v1;
	_ =	sdelay $0x1  }
0x1b9: {  	[tilespmem:s12+$0xFFFFFE60] =	vst v1;
	v1 =	vld [tilespmem:s12+$0xFFFFFE70]  }
0x1ba: {  	v2 =	vld.idx.msk [tilespmem:v0+s19+$0x4020 ss:$0x1], $0xffff;
	_ =	sdelay $0x3  }
0x1bb: {  	v1 =	vmul.f32 $8.000000000e+00, v1;
	_ =	sdelay $0x1  }
0x1bc: {  	v1 =	vadd.f32 v2, v1;
	_ =	sdelay $0x1  }
0x1bd: {  	[tilespmem:s12+$0xFFFFFE70] =	vst v1;
	v1 =	vld [tilespmem:s12+$0xFFFFFE80]  }
0x1be: {  	v2 =	vld.idx.msk [tilespmem:v0+s19+$0x4030 ss:$0x1], $0xffff;
	_ =	sdelay $0x3  }
0x1bf: {  	v1 =	vmul.f32 $8.000000000e+00, v1;
	_ =	sdelay $0x1  }
0x1c0: {  	s8 =	sadd.s32 $0x100, s8;
	v1 =	vadd.f32 v2, v1  }
0x1c1: {  	s14 =	sadd.s32 $0x4000, s8;
	v2 =	vld [tilespmem:s12+$0xFFFFFED0]  }
0x1c2: {  	s14 =	sand.u32 $0x7F00, s14;
	[tilespmem:s12+$0xFFFFFE80] =	vst v1  }
0x1c3: {  	v1 =	vld [tilespmem:s14+$0x6440];
	_ =	sdelay $0x2  }
0x1c4: {  	v2 =	vmul.f32 $8.000000000e+00, v2;
	_ =	sdelay $0x1  }
0x1c5: {  	v1 =	vadd.f32 v1, v2  }
0x1c6: {  	v2 =	vld [tilespmem:s12+$0xFFFFFEE0]  }
0x1c7: {  	[tilespmem:s12+$0xFFFFFED0] =	vst v1  }
0x1c8: {  	v1 =	vld [tilespmem:s14+$0x6450];
	_ =	sdelay $0x2  }
0x1c9: {  	v2 =	vmul.f32 $8.000000000e+00, v2;
	_ =	sdelay $0x1  }
0x1ca: {  	v1 =	vadd.f32 v1, v2  }
0x1cb: {  	v2 =	vld [tilespmem:s12+$0xFFFFFEF0]  }
0x1cc: {  	[tilespmem:s12+$0xFFFFFEE0] =	vst v1  }
0x1cd: {  	v1 =	vld [tilespmem:s14+$0x6460];
	_ =	sdelay $0x2  }
0x1ce: {  	v2 =	vmul.f32 $8.000000000e+00, v2;
	_ =	sdelay $0x1  }
0x1cf: {  	v1 =	vadd.f32 v1, v2  }
0x1d0: {  	v2 =	vld [tilespmem:s12+$0xFFFFFF00]  }
0x1d1: {  	[tilespmem:s12+$0xFFFFFEF0] =	vst v1  }
0x1d2: {  	v1 =	vld [tilespmem:s14+$0x6470];
	_ =	sdelay $0x2  }
0x1d3: {  	v2 =	vmul.f32 $8.000000000e+00, v2;
	_ =	sdelay $0x1  }
0x1d4: {  	v1 =	vadd.f32 v1, v2;
	_ =	sdelay $0x1  }
0x1d5: {  	[tilespmem:s12+$0xFFFFFF00] =	vst v1;
	v1 =	vld [tilespmem:s12+$0xFFFFFF50]  }
0x1d6: {  	v2 =	vld.idx.msk [tilespmem:v0+s19+$0x4080 ss:$0x1], $0xffff;
	_ =	sdelay $0x3  }
0x1d7: {  	v1 =	vmul.f32 $8.000000000e+00, v1;
	_ =	sdelay $0x1  }
0x1d8: {  	v1 =	vadd.f32 v2, v1;
	_ =	sdelay $0x1  }
0x1d9: {  	[tilespmem:s12+$0xFFFFFF50] =	vst v1;
	v1 =	vld [tilespmem:s12+$0xFFFFFF60]  }
0x1da: {  	v2 =	vld.idx.msk [tilespmem:v0+s19+$0x4090 ss:$0x1], $0xffff;
	_ =	sdelay $0x3  }
0x1db: {  	v1 =	vmul.f32 $8.000000000e+00, v1;
	_ =	sdelay $0x1  }
0x1dc: {  	v1 =	vadd.f32 v2, v1;
	_ =	sdelay $0x1  }
0x1dd: {  	[tilespmem:s12+$0xFFFFFF60] =	vst v1;
	v1 =	vld [tilespmem:s12+$0xFFFFFF70]  }
0x1de: {  	v2 =	vld.idx.msk [tilespmem:v0+s19+$0x40A0 ss:$0x1], $0xffff;
	_ =	sdelay $0x3  }
0x1df: {  	v1 =	vmul.f32 $8.000000000e+00, v1;
	_ =	sdelay $0x1  }
0x1e0: {  	v1 =	vadd.f32 v2, v1;
	_ =	sdelay $0x1  }
0x1e1: {  	[tilespmem:s12+$0xFFFFFF70] =	vst v1;
	v1 =	vld [tilespmem:s12+$0xFFFFFF80]  }
0x1e2: {  	v2 =	vld.idx.msk [tilespmem:v0+s19+$0x40B0 ss:$0x1], $0xffff;
	_ =	sdelay $0x3  }
0x1e3: {  	v1 =	vmul.f32 $8.000000000e+00, v1;
	_ =	sdelay $0x1  }
0x1e4: {  	v1 =	vadd.f32 v2, v1  }
0x1e5: {  	s14 =	sadd.s32 $0x40C0, s8;
	v2 =	vld [tilespmem:s12+$0xFFFFFFD0]  }
0x1e6: {  	s14 =	sand.u32 $0x7F80, s14;
	[tilespmem:s12+$0xFFFFFF80] =	vst v1  }
0x1e7: {  	v1 =	vld [tilespmem:s14+$0x6440];
	_ =	sdelay $0x2  }
0x1e8: {  	v2 =	vmul.f32 $8.000000000e+00, v2;
	_ =	sdelay $0x1  }
0x1e9: {  	v1 =	vadd.f32 v1, v2  }
0x1ea: {  	v2 =	vld [tilespmem:s12+$0xFFFFFFE0]  }
0x1eb: {  	[tilespmem:s12+$0xFFFFFFD0] =	vst v1  }
0x1ec: {  	v1 =	vld [tilespmem:s14+$0x6450];
	_ =	sdelay $0x2  }
0x1ed: {  	v2 =	vmul.f32 $8.000000000e+00, v2;
	_ =	sdelay $0x1  }
0x1ee: {  	v1 =	vadd.f32 v1, v2  }
0x1ef: {  	v2 =	vld [tilespmem:s12+$0xFFFFFFF0]  }
0x1f0: {  	[tilespmem:s12+$0xFFFFFFE0] =	vst v1  }
0x1f1: {  	v1 =	vld [tilespmem:s14+$0x6460];
	_ =	sdelay $0x2  }
0x1f2: {  	v2 =	vmul.f32 $8.000000000e+00, v2;
	_ =	sdelay $0x1  }
0x1f3: {  	v1 =	vadd.f32 v1, v2  }
0x1f4: {  	v2 =	vld [tilespmem:s12+$0x0]  }
0x1f5: {  	[tilespmem:s12+$0xFFFFFFF0] =	vst v1  }
0x1f6: {  	v1 =	vld [tilespmem:s14+$0x6470];
	_ =	sdelay $0x1  }
.Ltmp2:
0x1f7: {  	(pc) =	sbr.rel @p1 .LBB2_7-.Ltmp2, $3  }
0x1f8: {  	v2 =	vmul.f32 $8.000000000e+00, v2;
	_ =	sdelay $0x1  }
0x1f9: {  	v1 =	vadd.f32 v1, v2  }
0x1fa: {  	s12 =	sadd.s32 $0x200, s12  }
0x1fb: {  	s8 =	sadd.s32 s3, s10  }
0x1fc: {  	s8 =	sshll.u32 s8, $0x4  }
0x1fd: {  	[tilespmem:s9+$0x0] =	vst v1;
	s22 =	simm.s32 $0x13800;
	s8 =	sadd.s32 s6, s8  }
0x1fe: {  	[hbm4b:s8+s2] =	stream.linear.scatter [tilespmem:s22], [sflag:$0x7], $0x4000, $0x38;
	[tilespmem:$0x1B800] =	vst v63  }
0x1ff: {  	s8 =	simm.s32 @!p0 $0x7  }
0x200: {  	_ =	swait.ge @!p0 [sflag:s8], $0x4000  }
0x201: {  	s9 =	simm.s32 @!p0 $0x80;
	s10 =	simm.s32 @!p0 $0x13800;
	[sflag:s8] =	ssyncset.done @!p0 $0x0  }
0x202: {  	s7 =	sshra.s32 s7, $0x2;
	[sflag:s8] =	ssyncadd.s32 @!p0 $0xFFFFC000;
	s8 =	sadd.s32 @!p0 $0x300, s20  }
0x203: {  	[tilespmem:s10], [sflag:$0x3] =	stream.indirect.gather @!p0 [hbm4b:s4+s9], $0x80, s8, s9, $0xb8;
	[tilespmem:$0x1B800] =	vst v63  }
0x204: {  	v0 =	vmov s7;
	_ =	swait.ge [sflag:s18], $0x4000  }
0x205: {  	[sflag:s18] =	ssyncset.done $0x0  }
0x206: {  	s7 =	simm.s32 $0x179B0;
	[sflag:s18] =	ssyncadd.s32 $0xFFFFC000  }
0x207: {  	v1 =	vld [tilespmem:s7+$0xFFFFFE50];
	_ =	sdelay $0x1  }
0x208: {  	v2 =	vld.idx.msk [tilespmem:v0+s24+$0x6000 ss:$0x1], $0xffff;
	_ =	sdelay $0x2  }
0x209: {  	v1 =	vmul.f32 $8.000000000e+00, v1;
	_ =	sdelay $0x1  }
0x20a: {  	v1 =	vadd.f32 v2, v1;
	_ =	sdelay $0x1  }
0x20b: {  	[tilespmem:s7+$0xFFFFFE50] =	vst v1;
	v1 =	vld [tilespmem:s7+$0xFFFFFE60];
	_ =	sdelay $0x1  }
0x20c: {  	v2 =	vld.idx.msk [tilespmem:v0+s24+$0x6010 ss:$0x1], $0xffff;
	_ =	sdelay $0x2  }
0x20d: {  	v1 =	vmul.f32 $8.000000000e+00, v1;
	_ =	sdelay $0x1  }
0x20e: {  	v1 =	vadd.f32 v2, v1;
	_ =	sdelay $0x1  }
0x20f: {  	[tilespmem:s7+$0xFFFFFE60] =	vst v1;
	v1 =	vld [tilespmem:s7+$0xFFFFFE70];
	_ =	sdelay $0x1  }
0x210: {  	v2 =	vld.idx.msk [tilespmem:v0+s24+$0x6020 ss:$0x1], $0xffff;
	_ =	sdelay $0x2  }
0x211: {  	v1 =	vmul.f32 $8.000000000e+00, v1;
	_ =	sdelay $0x1  }
0x212: {  	v1 =	vadd.f32 v2, v1;
	_ =	sdelay $0x1  }
0x213: {  	[tilespmem:s7+$0xFFFFFE70] =	vst v1;
	v1 =	vld [tilespmem:s7+$0xFFFFFE80];
	_ =	sdelay $0x1  }
0x214: {  	v2 =	vld.idx.msk [tilespmem:v0+s24+$0x6030 ss:$0x1], $0xffff;
	_ =	sdelay $0x2  }
0x215: {  	v1 =	vmul.f32 $8.000000000e+00, v1;
	_ =	sdelay $0x1  }
0x216: {  	v1 =	vadd.f32 v2, v1  }
0x217: {  	s23 =	sadd.s32 $0x6000, s5;
	v2 =	vld [tilespmem:s7+$0xFFFFFED0]  }
0x218: {  	s8 =	sand.u32 $0x7F00, s23;
	[tilespmem:s7+$0xFFFFFE80] =	vst v1  }
0x219: {  	v1 =	vld [tilespmem:s8+$0x6440];
	_ =	sdelay $0x2  }
0x21a: {  	v2 =	vmul.f32 $8.000000000e+00, v2;
	_ =	sdelay $0x1  }
0x21b: {  	v1 =	vadd.f32 v1, v2  }
0x21c: {  	v2 =	vld [tilespmem:s7+$0xFFFFFEE0]  }
0x21d: {  	[tilespmem:s7+$0xFFFFFED0] =	vst v1  }
0x21e: {  	v1 =	vld [tilespmem:s8+$0x6450];
	_ =	sdelay $0x2  }
0x21f: {  	v2 =	vmul.f32 $8.000000000e+00, v2;
	_ =	sdelay $0x1  }
0x220: {  	v1 =	vadd.f32 v1, v2  }
0x221: {  	v2 =	vld [tilespmem:s7+$0xFFFFFEF0]  }
0x222: {  	[tilespmem:s7+$0xFFFFFEE0] =	vst v1  }
0x223: {  	v1 =	vld [tilespmem:s8+$0x6460];
	_ =	sdelay $0x2  }
0x224: {  	v2 =	vmul.f32 $8.000000000e+00, v2;
	_ =	sdelay $0x1  }
0x225: {  	v1 =	vadd.f32 v1, v2  }
0x226: {  	v2 =	vld [tilespmem:s7+$0xFFFFFF00]  }
0x227: {  	[tilespmem:s7+$0xFFFFFEF0] =	vst v1  }
0x228: {  	v1 =	vld [tilespmem:s8+$0x6470];
	_ =	sdelay $0x2  }
0x229: {  	v2 =	vmul.f32 $8.000000000e+00, v2;
	_ =	sdelay $0x1  }
0x22a: {  	v1 =	vadd.f32 v1, v2  }
0x22b: {  	v2 =	vld [tilespmem:s7+$0xFFFFFF50]  }
0x22c: {  	[tilespmem:s7+$0xFFFFFF00] =	vst v1  }
0x22d: {  	v1 =	vld.idx.msk [tilespmem:v0+s24+$0x6080 ss:$0x1], $0xffff;
	_ =	sdelay $0x2  }
0x22e: {  	v2 =	vmul.f32 $8.000000000e+00, v2;
	_ =	sdelay $0x1  }
0x22f: {  	v1 =	vadd.f32 v1, v2;
	_ =	sdelay $0x1  }
0x230: {  	[tilespmem:s7+$0xFFFFFF50] =	vst v1;
	v1 =	vld [tilespmem:s7+$0xFFFFFF60];
	_ =	sdelay $0x1  }
0x231: {  	v2 =	vld.idx.msk [tilespmem:v0+s24+$0x6090 ss:$0x1], $0xffff;
	_ =	sdelay $0x2  }
0x232: {  	v1 =	vmul.f32 $8.000000000e+00, v1;
	_ =	sdelay $0x1  }
0x233: {  	v1 =	vadd.f32 v2, v1;
	_ =	sdelay $0x1  }
0x234: {  	[tilespmem:s7+$0xFFFFFF60] =	vst v1;
	v1 =	vld [tilespmem:s7+$0xFFFFFF70];
	_ =	sdelay $0x1  }
0x235: {  	v2 =	vld.idx.msk [tilespmem:v0+s24+$0x60A0 ss:$0x1], $0xffff;
	_ =	sdelay $0x2  }
0x236: {  	v1 =	vmul.f32 $8.000000000e+00, v1;
	_ =	sdelay $0x1  }
0x237: {  	v1 =	vadd.f32 v2, v1;
	_ =	sdelay $0x1  }
0x238: {  	[tilespmem:s7+$0xFFFFFF70] =	vst v1;
	v1 =	vld [tilespmem:s7+$0xFFFFFF80];
	_ =	sdelay $0x1  }
0x239: {  	v2 =	vld.idx.msk [tilespmem:v0+s24+$0x60B0 ss:$0x1], $0xffff;
	_ =	sdelay $0x2  }
0x23a: {  	v1 =	vmul.f32 $8.000000000e+00, v1;
	_ =	sdelay $0x1  }
0x23b: {  	v1 =	vadd.f32 v2, v1  }
0x23c: {  	s26 =	sadd.s32 $0x60C0, s5;
	v2 =	vld [tilespmem:s7+$0xFFFFFFD0]  }
0x23d: {  	s8 =	sand.u32 $0x7F80, s26;
	[tilespmem:s7+$0xFFFFFF80] =	vst v1  }
0x23e: {  	v1 =	vld [tilespmem:s8+$0x6440];
	_ =	sdelay $0x2  }
0x23f: {  	v2 =	vmul.f32 $8.000000000e+00, v2;
	_ =	sdelay $0x1  }
0x240: {  	v1 =	vadd.f32 v1, v2  }
0x241: {  	v2 =	vld [tilespmem:s7+$0xFFFFFFE0]  }
0x242: {  	[tilespmem:s7+$0xFFFFFFD0] =	vst v1  }
0x243: {  	v1 =	vld [tilespmem:s8+$0x6450];
	_ =	sdelay $0x2  }
0x244: {  	v2 =	vmul.f32 $8.000000000e+00, v2;
	_ =	sdelay $0x1  }
0x245: {  	v1 =	vadd.f32 v1, v2  }
0x246: {  	v2 =	vld [tilespmem:s7+$0xFFFFFFF0]  }
0x247: {  	[tilespmem:s7+$0xFFFFFFE0] =	vst v1  }
0x248: {  	v1 =	vld [tilespmem:s8+$0x6460];
	_ =	sdelay $0x2  }
0x249: {  	v2 =	vmul.f32 $8.000000000e+00, v2;
	_ =	sdelay $0x1  }
0x24a: {  	v1 =	vadd.f32 v1, v2  }
0x24b: {  	v2 =	vld [tilespmem:s7+$0x0]  }
0x24c: {  	[tilespmem:s7+$0xFFFFFFF0] =	vst v1  }
0x24d: {  	v1 =	vld [tilespmem:s8+$0x6470];
	_ =	sdelay $0x2  }
0x24e: {  	v2 =	vmul.f32 $8.000000000e+00, v2;
	_ =	sdelay $0x1  }
0x24f: {  	v1 =	vadd.f32 v1, v2  }
0x250: {  	s9 =	simm.s32 $0x17BB0;
	s10 =	smov.u32 s24;
	s8 =	simm.s32 $0x0  }
.LBB2_9:
0x251: {  	v2 =	vld [tilespmem:s9+$0xFFFFFE50];
	s8 =	sadd.s32 $0x4, s8;
	[tilespmem:s7+$0x0] =	vst v1;
	s10 =	sadd.s32 $0x100, s10;
	s7 =	smov.u32 s9  }
0x252: {  	v1 =	vld.idx.msk [tilespmem:v0+s10+$0x6000 ss:$0x1], $0xffff;
	p0 =	slt.u32 s8, $0x7C;
	_ =	sdelay $0x3  }
0x253: {  	v2 =	vmul.f32 $8.000000000e+00, v2;
	_ =	sdelay $0x1  }
0x254: {  	v1 =	vadd.f32 v1, v2;
	_ =	sdelay $0x1  }
0x255: {  	[tilespmem:s9+$0xFFFFFE50] =	vst v1;
	v1 =	vld [tilespmem:s9+$0xFFFFFE60]  }
0x256: {  	v2 =	vld.idx.msk [tilespmem:v0+s10+$0x6010 ss:$0x1], $0xffff;
	_ =	sdelay $0x3  }
0x257: {  	v1 =	vmul.f32 $8.000000000e+00, v1;
	_ =	sdelay $0x1  }
0x258: {  	v1 =	vadd.f32 v2, v1;
	_ =	sdelay $0x1  }
0x259: {  	[tilespmem:s9+$0xFFFFFE60] =	vst v1;
	v1 =	vld [tilespmem:s9+$0xFFFFFE70]  }
0x25a: {  	v2 =	vld.idx.msk [tilespmem:v0+s10+$0x6020 ss:$0x1], $0xffff;
	_ =	sdelay $0x3  }
0x25b: {  	v1 =	vmul.f32 $8.000000000e+00, v1;
	_ =	sdelay $0x1  }
0x25c: {  	v1 =	vadd.f32 v2, v1;
	_ =	sdelay $0x1  }
0x25d: {  	[tilespmem:s9+$0xFFFFFE70] =	vst v1;
	v1 =	vld [tilespmem:s9+$0xFFFFFE80]  }
0x25e: {  	v2 =	vld.idx.msk [tilespmem:v0+s10+$0x6030 ss:$0x1], $0xffff;
	_ =	sdelay $0x3  }
0x25f: {  	v1 =	vmul.f32 $8.000000000e+00, v1;
	_ =	sdelay $0x1  }
0x260: {  	s5 =	sadd.s32 $0x100, s5;
	v1 =	vadd.f32 v2, v1  }
0x261: {  	s11 =	sadd.s32 $0x6000, s5;
	v2 =	vld [tilespmem:s9+$0xFFFFFED0]  }
0x262: {  	s11 =	sand.u32 $0x7F00, s11;
	[tilespmem:s9+$0xFFFFFE80] =	vst v1  }
0x263: {  	v1 =	vld [tilespmem:s11+$0x6440];
	_ =	sdelay $0x2  }
0x264: {  	v2 =	vmul.f32 $8.000000000e+00, v2;
	_ =	sdelay $0x1  }
0x265: {  	v1 =	vadd.f32 v1, v2  }
0x266: {  	v2 =	vld [tilespmem:s9+$0xFFFFFEE0]  }
0x267: {  	[tilespmem:s9+$0xFFFFFED0] =	vst v1  }
0x268: {  	v1 =	vld [tilespmem:s11+$0x6450];
	_ =	sdelay $0x2  }
0x269: {  	v2 =	vmul.f32 $8.000000000e+00, v2;
	_ =	sdelay $0x1  }
0x26a: {  	v1 =	vadd.f32 v1, v2  }
0x26b: {  	v2 =	vld [tilespmem:s9+$0xFFFFFEF0]  }
0x26c: {  	[tilespmem:s9+$0xFFFFFEE0] =	vst v1  }
0x26d: {  	v1 =	vld [tilespmem:s11+$0x6460];
	_ =	sdelay $0x2  }
0x26e: {  	v2 =	vmul.f32 $8.000000000e+00, v2;
	_ =	sdelay $0x1  }
0x26f: {  	v1 =	vadd.f32 v1, v2  }
0x270: {  	v2 =	vld [tilespmem:s9+$0xFFFFFF00]  }
0x271: {  	[tilespmem:s9+$0xFFFFFEF0] =	vst v1  }
0x272: {  	v1 =	vld [tilespmem:s11+$0x6470];
	_ =	sdelay $0x2  }
0x273: {  	v2 =	vmul.f32 $8.000000000e+00, v2;
	_ =	sdelay $0x1  }
0x274: {  	v1 =	vadd.f32 v1, v2;
	_ =	sdelay $0x1  }
0x275: {  	[tilespmem:s9+$0xFFFFFF00] =	vst v1;
	v1 =	vld [tilespmem:s9+$0xFFFFFF50]  }
0x276: {  	v2 =	vld.idx.msk [tilespmem:v0+s10+$0x6080 ss:$0x1], $0xffff;
	_ =	sdelay $0x3  }
0x277: {  	v1 =	vmul.f32 $8.000000000e+00, v1;
	_ =	sdelay $0x1  }
0x278: {  	v1 =	vadd.f32 v2, v1;
	_ =	sdelay $0x1  }
0x279: {  	[tilespmem:s9+$0xFFFFFF50] =	vst v1;
	v1 =	vld [tilespmem:s9+$0xFFFFFF60]  }
0x27a: {  	v2 =	vld.idx.msk [tilespmem:v0+s10+$0x6090 ss:$0x1], $0xffff;
	_ =	sdelay $0x3  }
0x27b: {  	v1 =	vmul.f32 $8.000000000e+00, v1;
	_ =	sdelay $0x1  }
0x27c: {  	v1 =	vadd.f32 v2, v1;
	_ =	sdelay $0x1  }
0x27d: {  	[tilespmem:s9+$0xFFFFFF60] =	vst v1;
	v1 =	vld [tilespmem:s9+$0xFFFFFF70]  }
0x27e: {  	v2 =	vld.idx.msk [tilespmem:v0+s10+$0x60A0 ss:$0x1], $0xffff;
	_ =	sdelay $0x3  }
0x27f: {  	v1 =	vmul.f32 $8.000000000e+00, v1;
	_ =	sdelay $0x1  }
0x280: {  	v1 =	vadd.f32 v2, v1;
	_ =	sdelay $0x1  }
0x281: {  	[tilespmem:s9+$0xFFFFFF70] =	vst v1;
	v1 =	vld [tilespmem:s9+$0xFFFFFF80]  }
0x282: {  	v2 =	vld.idx.msk [tilespmem:v0+s10+$0x60B0 ss:$0x1], $0xffff;
	_ =	sdelay $0x3  }
0x283: {  	v1 =	vmul.f32 $8.000000000e+00, v1;
	_ =	sdelay $0x1  }
0x284: {  	v1 =	vadd.f32 v2, v1  }
0x285: {  	s11 =	sadd.s32 $0x60C0, s5;
	v2 =	vld [tilespmem:s9+$0xFFFFFFD0]  }
0x286: {  	s11 =	sand.u32 $0x7F80, s11;
	[tilespmem:s9+$0xFFFFFF80] =	vst v1  }
0x287: {  	v1 =	vld [tilespmem:s11+$0x6440];
	_ =	sdelay $0x2  }
0x288: {  	v2 =	vmul.f32 $8.000000000e+00, v2;
	_ =	sdelay $0x1  }
0x289: {  	v1 =	vadd.f32 v1, v2  }
0x28a: {  	v2 =	vld [tilespmem:s9+$0xFFFFFFE0]  }
0x28b: {  	[tilespmem:s9+$0xFFFFFFD0] =	vst v1  }
0x28c: {  	v1 =	vld [tilespmem:s11+$0x6450];
	_ =	sdelay $0x2  }
0x28d: {  	v2 =	vmul.f32 $8.000000000e+00, v2;
	_ =	sdelay $0x1  }
0x28e: {  	v1 =	vadd.f32 v1, v2  }
0x28f: {  	v2 =	vld [tilespmem:s9+$0xFFFFFFF0]  }
0x290: {  	[tilespmem:s9+$0xFFFFFFE0] =	vst v1  }
0x291: {  	v1 =	vld [tilespmem:s11+$0x6460];
	_ =	sdelay $0x2  }
0x292: {  	v2 =	vmul.f32 $8.000000000e+00, v2;
	_ =	sdelay $0x1  }
0x293: {  	v1 =	vadd.f32 v1, v2  }
0x294: {  	v2 =	vld [tilespmem:s9+$0x0]  }
0x295: {  	[tilespmem:s9+$0xFFFFFFF0] =	vst v1  }
0x296: {  	v1 =	vld [tilespmem:s11+$0x6470];
	_ =	sdelay $0x1  }
.Ltmp3:
0x297: {  	(pc) =	sbr.rel @p0 .LBB2_9-.Ltmp3, $3  }
0x298: {  	v2 =	vmul.f32 $8.000000000e+00, v2;
	_ =	sdelay $0x1  }
0x299: {  	v1 =	vadd.f32 v1, v2  }
0x29a: {  	s9 =	sadd.s32 $0x200, s9  }
0x29b: {  	s1 =	sadd.s32 $0x1, s1  }
0x29c: {  	p0 =	sne.s32 s1, $0x32  }
.Ltmp4:
0x29d: {  	s0 =	sadd.s32 s3, s0;
	s9 =	simm.s32 $0x17800;
	(pc) =	sbr.rel @p0 .LBB2_2-.Ltmp4, $4  }
0x29e: {  	s31 =	sadd.s32 $0x8000, s31;
	s30 =	sadd.s32 $0x200, s30;
	s13 =	sadd.s32 $0x8000, s13  }
0x29f: {  	s29 =	sadd.s32 $0x200, s29;
	s24 =	sadd.s32 $0x8000, s24;
	s0 =	sshll.u32 s0, $0x4  }
0x2a0: {  	[tilespmem:s7+$0x0] =	vst v1;
	s25 =	sadd.s32 $0x200, s25;
	s28 =	sadd.s32 $0x200, s28;
	s0 =	sadd.s32 s6, s0  }
0x2a1: {  	[hbm4b:s0+s2] =	stream.linear.scatter [tilespmem:s9], [sflag:$0x8], $0x4000, $0x38;
	[tilespmem:$0x1B800] =	vst v63  }
0x2a2: {  	s0 =	simm.s32 $0x5  }
0x2a3: {  	_ =	swait.ge [sflag:s0], $0x4000  }
0x2a4: {  	[sflag:s0] =	ssyncset.done $0x0  }
0x2a5: {  	s29 =	simm.s32 $0x6;
	[sflag:s0] =	ssyncadd.s32 $0xFFFFC000  }
0x2a6: {  	_ =	swait.ge [sflag:s29], $0x4000  }
0x2a7: {  	[sflag:s29] =	ssyncset.done $0x0  }
0x2a8: {  	s30 =	simm.s32 $0x7;
	[sflag:s29] =	ssyncadd.s32 $0xFFFFC000  }
0x2a9: {  	_ =	swait.ge [sflag:s30], $0x4000  }
0x2aa: {  	[sflag:s30] =	ssyncset.done $0x0  }
0x2ab: {  	s1 =	simm.s32 $0x8;
	[sflag:s30] =	ssyncadd.s32 $0xFFFFC000  }
0x2ac: {  	_ =	swait.ge [sflag:s1], $0x4000  }
0x2ad: {  	s5 =	rddreg [dreg:$0x6]  }
0x2ae: {  	s31 =	rddreg [dreg:$0x5];
	s5 =	sadd.s32 $0x1, s5  }
0x2af: {  	p0 =	sne.s32 s5, s31  }
.Ltmp5:
0x2b0: {  	_ = 	snop;
	(pc) =	sbr.rel @p0 .LBB2_1-.Ltmp5, $3  }
0x2b1: {  	_ =	sdelay $0x1  }
0x2b2: {  	[sflag:s1] =	ssyncset.done $0x0  }
0x2b3: {  	[sflag:s1] =	ssyncadd.s32 $0xFFFFC000  }
0x2b4: {  	_ =	sfence.sel $0x180000  }
0x2b5: {  	[bflag:$0x0] =	sbarrier.arrive $0xFFFF  }
0x2b6: {  	_ =	strace $0x90000047  }
0x2b7: {  	s0 =	stileid.u32;
	[bflag:$0x2] =	sbarrier.arrive $0xFFFF  }
0x2b8: {  	p0 =	sne.s32 s0, $0x0;
	s0 =	rddreg [dreg:$0x2]  }
0x2b9: {  	s0 =	sadd.s32 @!p0 $0x100000, s0  }
0x2ba: {  	[sflag:s0] =	ssyncadd.tile.s32 @!p0 $0x1;
	_ =	shalt  }
.Lfunc_end2:
_tile_overlayer_lowered:
.L_overlay_start_2:
0x2bb: {  	(tag) =	ssettag $0x2  }
0x2bc: {  	s0 =	rddreg [dreg:$0x0];
	s2 =	stileid.u32  }
0x2bd: {  	s1 =	rddreg [dreg:$0x1];
	p0 =	sne.s32 s2, $0x0  }
0x2be: {  	s3 =	rddreg [dreg:$0x2];
	[bflag:$0x3] =	sbarrier.arrive $0xFFFF;
	s2 =	simm.s32 @!p0 $0x1C09  }
0x2bf: {  	[timem:s3], [sflag:s2] =	dma.local @!p0 [hbm:s0], s1  }
0x2c0: {  	s0 =	simm.s32 @!p0 $0x9  }
0x2c1: {  	_ =	swait.ge @!p0 [sflag:s0], s1  }
0x2c2: {  	s1 =	ssub.s32 @!p0 $0x0, s1;
	[sflag:s0] =	ssyncset.done @!p0 $0x0  }
0x2c3: {  	[sflag:s0] =	ssyncadd.s32 @!p0 s1  }
0x2c4: {  	[bflag:$0x3] =	sbarrier.arrive $0xFFFF  }
0x2c5: {  	_ =	shalt  }

// kernel: sparse-core-data-format-call.cloned.1.call-start
scs
called_computation_lowered:
.L_overlay_start_0:
0x0: {  	s2 =	sld [smem:$0x3FD9]  }
0x1: {  	s3 =	sld [smem:$0x3FFE];
	_ =	sdelay $0x1  }
0x2: {  	s1 =	srdreg.scid  }
0x3: {  	s0 =	sand.u32 $0x1, s1  }
0x4: {  	s18 =	sshll.u32 s0, $0xA;
	s2 =	sadd.s32 s3, s2  }
0x5: {  	s2 =	sadd.s32 s2, s18  }
0x6: {  	[smem:$0x3FC6] =	sst s2  }
0x7: {  	_ = 	snop  }
0x8: {  	s2 =	sld [smem:$0x3FD0];
	(tm) =	ssettm $0x1  }
0x9: {  	s19 =	sld [smem:$0x3FFB];
	_ =	sdelay $0x3  }
0xa: {  	_ =	strace s19  }
0xb: {  	s3 =	sld [smem:$0x3FFC];
	_ =	sdelay $0x3  }
0xc: {  	_ =	strace s3  }
0xd: {  	s3 =	sld [smem:$0x3FFD];
	_ =	sdelay $0x3  }
0xe: {  	_ =	strace s3  }
0xf: {  	_ =	strace $0x8FFFFFFF  }
0x10: {  	s20 =	sld [smem:$0x3FDB];
	_ =	sdelay $0x1  }
0x11: {  	s4 =	simm.s32 $_scs_section_size  }
0x12: {  	s5 =	simm.s32 $_size__tile_overlayer_lowered;
	s6 =	simm.s32 $_tile_overlayer_lowered  }
0x13: {  	s23 =	simm.s32 $0x1BFF;
	s22 =	sshll.u32 s6, $0x1;
	s3 =	sadd.s32 s4, s20  }
0x14: {  	s7 =	simm.s32 $0x0;
	s21 =	sshll.u32 s5, $0x1;
	s5 =	sadd.s32 s22, s3  }
0x15: {  	[timem:s7], [sflag:s23] =	dma.local [hbm:s5], s21  }
0x16: {  	_ =	swait.ge [sflag:s23], s21  }
0x17: {  	s4 =	ssub.s32 $0x0, s21;
	[sflag:s23] =	ssyncset.done $0x0  }
0x18: {  	[sflag:s23] =	ssyncadd.s32 s4;
	_ =	sdelay $0x1  }
0x19: {  	s24 =	simm.s32 $0x1B8B  }
0x1a: {  	_ =	swait.ge [sflag:s24], $0x1  }
0x1b: {  	[sflag:s24] =	ssyncset.done $0x0  }
0x1c: {  	s26 =	simm.s32 $0x1B8E;
	s25 =	sld [smem:$0x3FFE];
	[sflag:s24] =	ssyncadd.s32 $0xFFFFFFFF  }
0x1d: {  	s27 =	simm.s32 $execute0_lowered;
	[smem:$0x3FD2] =	sst s26  }
0x1e: {  	s5 =	sshll.u32 s27, $0x1;
	_ =	strace $0x80000049;
	[dreg:$0x1] =	wrdreg $0xFFFFFFFF  }
0x1f: {  	s28 =	simm.s32 $_size_execute0_lowered;
	s3 =	sadd.s32 s3, s5;
	[dreg:$0x0] =	wrdreg $0x0  }
0x20: {  	s5 =	sshll.u32 s28, $0x1;
	[dreg:$0x2] =	wrdreg s3  }
0x21: {  	[dreg:$0x3] =	wrdreg s5  }
0x22: {  	[dreg:$0x4] =	wrdreg $0xC0  }
0x23: {  	_ =	task [dreg:s7], $0x5FFFF  }
0x24: {  	[dreg:$0x1] =	wrdreg $0xFFFFFFFF  }
0x25: {  	[dreg:$0x0] =	wrdreg $0x60  }
0x26: {  	[dreg:$0x2] =	wrdreg s25  }
0x27: {  	[dreg:$0x3] =	wrdreg s2  }
0x28: {  	[dreg:$0x4] =	wrdreg $0x9  }
0x29: {  	_ =	task.clear_ibuf [dreg:s7], $0x5FFFF;
	_ =	strace $0x90000049  }
0x2a: {  	s29 =	simm.s32 $0x9;
	_ =	strace $0x8000004B  }
0x2b: {  	_ =	swait.ge [sflag:s29], $0x1  }
0x2c: {  	[sflag:s29] =	ssyncadd.s32 $0xFFFFFFFF  }
0x2d: {  	_ =	strace $0x9000004B  }
0x2e: {  	_ =	sfence  }
0x2f: {  	s30 =	sld [smem:$0x0];
	_ =	sdelay $0x2  }
0x30: {  	s31 =	sshll.u32 s1, $0xD;
	s1 =	sshrl.u32 s1, $0x2  }
0x31: {  	s3 =	sand.u32 $0x4000, s31;
	s1 =	sadd.s32 s1, s30  }
0x32: {  	s0 =	sor.u32 s3, s0;
	s1 =	sshll.u32 s1, $0x11  }
0x33: {  	s0 =	sor.u32 s1, s0  }
0x34: {  	s0 =	sadd.s32 $0x8F2B, s0  }
0x35: {  	[sflag:s0] =	ssyncadd.remote.s32 $0x1  }
0x36: {  	_ =	sfence.sel $0xFFFF  }
0x37: {  	[dreg:$0x0] =	wrdreg $0xFFFFFFFF;
	(pc) =	sbr.abs _section_cstart, $3  }
0x38: {  	[dreg:$0x1] =	wrdreg $0xFFFFFFFF  }
0x39: {  	_ =	task.clear_ibuf [dreg:s7], $0x2FFFF;
	_ =	strace $0x9FFFFFFF  }
0x3a: {  	(tm) =	ssettm $0x7FFFFFFF  }
0x3b: {  	_ =	shalt  }
tec
execute0_lowered:
.L_overlay_start_1:
0x0: {  	(tag) =	ssettag $0x1  }
0x1: {  	s0 =	srdreg.scid  }
0x2: {  	s1 =	sshll.u32 s0, $0x4  }
0x3: {  	s0 =	stileid.u32;
	s1 =	sand.u32 $0x10, s1  }
0x4: {  	s1 =	sor.u32 s0, s1  }
0x5: {  	s6 =	rddreg [dreg:$0x0];
	s4 =	simm.s32 $0x1;
	s2 =	sshll.u32 s1, $0x7  }
0x6: {  	s7 =	simm.s32 $0x2;
	s12 =	simm.s32 $0x0;
	s1 =	ssub.s32 $0x1000, s2  }
0x7: {  	s8 =	simm.s32 $0x8000;
	s13 =	simm.s32 $0x0;
	s3 =	sand.u32 $0xF80, s1  }
0x8: {  	s9 =	simm.s32 $0x0;
	s5 =	sshrl.u32 s1, $0xC;
	p0 =	sne.s32 s3, $0x0  }
.Ltmp0:
0x9: {  	s1 =	rddreg [dreg:$0x2];
	s4 =	simm.s32 @!p0 $0x0;
	(pc) =	sbr.rel .LBB1_1-.Ltmp0, $4  }
0xa: {  	s11 =	simm.s32 $0x0;
	s3 =	rddreg [dreg:$0x1];
	s5 =	sadd.s32 s4, s5  }
0xb: {  	_ =	strace $0x8000004A;
	s4 =	simm.s32 $0x1;
	s5 =	smul.u32 $0xC8, s5  }
0xc: {  	s6 =	sadd.s32 $0x1800, s6;
	s10 =	smov.u32 s2;
	[sflag:s4] =	ssyncpa.u1 $0x0  }
0xd: {  	p0 =	por $0x0, $0x0;
	[sflag:s7] =	ssyncpa.u1 $0x0;
	s7 =	sor.u32 $0x1, s5  }
.LBB1_4:
0xe: {  	s16 =	sshll.u32 s13, $0x3;
	s17 =	sand.u32 $0x78, s13  }
0xf: {  	s30 =	sand.u32 $0x7E00, s13;
	s12 =	sshll.u32 s12, $0xF;
	s16 =	sand.u32 $0xC00, s16  }
0x10: {  	[tilespmem:s15+$0x810 ss:$0x81] =	vst.msk $0xffff, v2;
	s31 =	sand.u32 $0x7, s13;
	s16 =	sor.u32 s17, s16;
	s17 =	sadd.s32 s3, s30  }
0x11: {  	[tilespmem:s15+$0x1020 ss:$0x81] =	vst.msk $0xffff, v0;
	s13 =	sshll.u32 s31, $0x12;
	s12 =	sadd.s32 s12, s17;
	s16 =	sshrl.u32 s16, $0x3  }
0x12: {  	[tilespmem:s15+$0x0 ss:$0x81] =	vst.msk $0xffff, v1;
	s13 =	sor.u32 $0x400, s13;
	s12 =	sadd.s32 s16, s12  }
0x13: {  	[hbm4b:s12+s13] =	stream.strided.scatter [tilespmem:s14], [sflag:$0x2], $0x2000, s8, s13, $0x20;
	[tilespmem:$0x8080] =	vst v63  }
.LBB1_5:
0x14: {  	s14 =	sadd.s32 $0x1, s9  }
0x15: {  	s12 =	sadd.s32 $0x1000, s10;
	s16 =	smov.u32 s10;
	p2 =	sgt.s32 s14, $0xC7  }
0x16: {  	s16 =	smov.u32 @p2 s12  }
0x17: {  	s14 =	simm.s32 @p2 $0x0;
	p2 =	sgt.s32 s16, $0xFFF  }
0x18: {  	s16 =	smov.u32 @p2 s2;
	p2 =	sne.s32 s11, s7  }
.Ltmp1:
0x19: {  	p1 =	slt.u32 s11, $0x2;
	(pc) =	sbr.rel @!p2 .LBB1_6-.Ltmp1, $4  }
0x1a: {  	s15 =	simm.s32 @!p1 $0x2  }
0x1b: {  	s13 =	smov.u32 s10;
	p0 =	por !p0, !p0;
	_ =	swait.ge @!p1 [sflag:s15], $0x2000  }
0x1c: {  	s12 =	smov.u32 s9;
	[sflag:s15] =	ssyncset.done @!p1 $0x0;
	s9 =	smov.u32 s14  }
0x1d: {  	s11 =	sadd.s32 $0x1, s11;
	[sflag:s15] =	ssyncadd.s32 @!p1 $0xFFFFE000;
	s10 =	smov.u32 s16  }
.LBB1_1:
0x1e: {  	p1 =	sge.u32 s11, s5  }
0x1f: {  	s14 =	sand.u32 @!p1 $0x1FFFFFF, s9  }
0x20: {  	s15 =	smulhi.u32 @!p1 $0x147AE15, s14;
	_ =	sdelay $0x1  }
0x21: {  	s15 =	smul.u32 @!p1 $0xC8, s15  }
0x22: {  	s16 =	sxor.u32 @!p1 $0xFFFFFFFF, s11;
	s17 =	smul.u32 @!p1 $0xC80, s10  }
0x23: {  	s31 =	sadd.s32 $0xFFFFFFFF, s11;
	s16 =	sshll.u32 @!p1 s16, $0xD;
	s14 =	ssub.s32 @!p1 s14, s15  }
0x24: {  	s15 =	sand.u32 @!p1 $0x2000, s16;
	s16 =	sadd.s32 @!p1 s6, s17;
	s14 =	sshll.u32 @!p1 s14, $0x4  }
0x25: {  	s17 =	simm.s32 @!p1 $0x6400;
	s14 =	sadd.s32 @!p1 s14, s16;
	s16 =	simm.s32 @!p1 $0x40  }
0x26: {  	[tilespmem:s15], [sflag:$0x1] =	stream.strided.gather @!p1 [hbm4b:s14+s16], $0x2000, s17, s16, $0x38;
	[tilespmem:$0x8080] =	vst v63  }
0x27: {  	p1 =	sge.u32 s31, s5  }
.Ltmp2:
0x28: {  	_ = 	snop;
	(pc) =	sbr.rel @p1 .LBB1_5-.Ltmp2, $1  }
0x29: {  	_ =	sdelay $0x3  }
0x2a: {  	s14 =	simm.s32 $0x1  }
0x2b: {  	_ =	swait.ge [sflag:s4], $0x2000;
	s14 =	simm.s32 @!p0 $0x0  }
0x2c: {  	[sflag:s4] =	ssyncset.done $0x0;
	s15 =	sshll.u32 s14, $0xD  }
0x2d: {  	[sflag:s4] =	ssyncadd.s32 $0xFFFFE000;
	s18 =	sor.u32 $0x20, s15  }
0x2e: {  	s14 =	smul.u32 $0x8100, s14;
	v3 =	vld [tilespmem:s18+$0x10]  }
0x2f: {  	s30 =	sand.u32 $0x1, s11;
	v2 =	vld [tilespmem:s18+$0xFFFFFFF0]  }
0x30: {  	s15 =	smul.u32 $0x8100, s30;
	s14 =	sshrl.u32 s14, $0x2;
	v0 =	vld [tilespmem:s18+$0x0]  }
0x31: {  	v1 =	vld [tilespmem:s18+$0xFFFFFFE0];
	s16 =	sor.u32 $0x4000, s14  }
0x32: {  	s31 =	sshrl.u32 s15, $0x2;
	s15 =	sadd.s32 $0x0, s16  }
0x33: {  	s17 =	simm.s32 $0x4;
	s18 =	sadd.s32 $0x40, s18;
	s14 =	sor.u32 $0x4000, s31;
	[tilespmem:s15+$0x1830 ss:$0x81] =	vst.msk $0xffff, v3  }
.LBB1_3:
0x34: {  	v3 =	vld [tilespmem:s18+$0x10];
	p1 =	sne.s32 s17, $0x1FC;
	[tilespmem:s15+$0x810 ss:$0x81] =	vst.msk $0xffff, v2;
	s19 =	smov.u32 s17;
	s17 =	sadd.s32 $0x4, s17  }
.Ltmp3:
0x35: {  	v2 =	vld [tilespmem:s18+$0xFFFFFFF0];
	[tilespmem:s15+$0x1020 ss:$0x81] =	vst.msk $0xffff, v0;
	(pc) =	sbr.rel @p1 .LBB1_3-.Ltmp3, $4  }
0x36: {  	v0 =	vld [tilespmem:s18+$0x0];
	[tilespmem:s15+$0x0 ss:$0x81] =	vst.msk $0xffff, v1  }
0x37: {  	s15 =	sshra.s32 s19, $0x2;
	v1 =	vld [tilespmem:s18+$0xFFFFFFE0]  }
0x38: {  	s15 =	sadd.s32 s15, s16  }
0x39: {  	s18 =	sadd.s32 $0x40, s18;
	[tilespmem:s15+$0x1830 ss:$0x81] =	vst.msk $0xffff, v3  }
.Ltmp4:
0x3a: {  	_ = 	snop;
	(pc) =	sbr.rel .LBB1_4-.Ltmp4, $1  }
0x3b: {  	_ =	sdelay $0x3  }
.LBB1_6:
0x3c: {  	_ =	sfence.sel $0x180000  }
0x3d: {  	s2 =	simm.s32 $0x1;
	[bflag:$0x0] =	sbarrier.arrive $0xFFFF  }
0x3e: {  	s31 =	simm.s32 $0x2;
	[sflag:s2] =	ssyncpa.u1 $0x1  }
0x3f: {  	[sflag:s31] =	ssyncpa.u1 $0x1  }
0x40: {  	p0 =	sne.s32 s0, $0x0;
	_ =	strace $0x9000004A  }
0x41: {  	s0 =	sadd.s32 @!p0 $0x100000, s1;
	[bflag:$0x2] =	sbarrier.arrive $0xFFFF  }
0x42: {  	[sflag:s0] =	ssyncadd.tile.s32 @!p0 $0x1;
	_ =	shalt  }
.Lfunc_end1:
_tile_overlayer_lowered:
.L_overlay_start_2:
0x43: {  	(tag) =	ssettag $0x2  }
0x44: {  	s0 =	rddreg [dreg:$0x0];
	s2 =	stileid.u32  }
0x45: {  	s1 =	rddreg [dreg:$0x1];
	p0 =	sne.s32 s2, $0x0  }
0x46: {  	s3 =	rddreg [dreg:$0x2];
	[bflag:$0x3] =	sbarrier.arrive $0xFFFF;
	s2 =	simm.s32 @!p0 $0x1C01  }
0x47: {  	[timem:s3], [sflag:s2] =	dma.local @!p0 [hbm:s0], s1  }
0x48: {  	s0 =	simm.s32 @!p0 $0x1  }
0x49: {  	_ =	swait.ge @!p0 [sflag:s0], s1  }
0x4a: {  	s1 =	ssub.s32 @!p0 $0x0, s1;
	[sflag:s0] =	ssyncset.done @!p0 $0x0  }
0x4b: {  	[sflag:s0] =	ssyncadd.s32 @!p0 s1  }
0x4c: {  	[bflag:$0x3] =	sbarrier.arrive $0xFFFF  }
0x4d: {  	_ =	shalt  }

</sc_bundles>
